<compile_context>
chip_gen: v7x
topology: tpu7x:2x2x1
jax: 0.10.2.dev20260603
libtpu: 0.0.44.dev20260713+nightly
codegen_flags: <defaults>
</compile_context>

<pallas_src>
import jax
import jax.numpy as jnp
from jax import lax
from jax.experimental import pallas as pl
from jax.experimental.pallas import tpu as pltpu
from jax.experimental.pallas import tpu_sc as plsc

NC = 2
NS = 16
C = 80


def _fill(ref, rows, d, val):
    v16 = jnp.full((16,), val, jnp.float32)

    def fr(r, _):
        def fc(i, _):
            ref[r, pl.ds(i * 16, 16)] = v16
            return 0
        lax.fori_loop(0, d // 16, fc, 0)
        return 0
    lax.fori_loop(0, rows, fr, 0)


def _make_sc_agg(n, iters, d, with_counts):
    rows_per_sub = n // NS
    nz = rows_per_sub // C
    burst = 5

    mesh = plsc.VectorSubcoreMesh(core_axis_name="c", subcore_axis_name="s",
                                  num_cores=NC, num_subcores=NS)

    def body(x_hbm, src_hbm, dst_hbm, agg_out, *rest):
        if with_counts:
            (cnt_out, sb0, sb1, sb2, sb3, didx_v, rows_0, rows_1, acc,
             ss0, ss1, ss2, ss3, gsem_0, gsem_1, csem) = rest
        else:
            (sb0, sb1, sb2, sb3, didx_v, rows_0, rows_1, acc,
             ss0, ss1, ss2, ss3, gsem_0, gsem_1) = rest
        cid = lax.axis_index("c")
        sid = lax.axis_index("s")
        wid = cid * NS + sid

        sb = (sb0, sb1, sb2, sb3)
        ssem = (ss0, ss1, ss2, ss3)
        rows = (rows_0, rows_1)
        gsem = (gsem_0, gsem_1)

        pltpu.sync_copy(dst_hbm.at[wid], didx_v)

        row0 = sid * rows_per_sub

        def zero_acc_pass():
            _fill(rows_0, C, d, 0.0)

            def zero_acc(k, _):
                pltpu.sync_copy(rows_0, acc.at[pl.ds(row0 + k * C, C)])
                return 0
            lax.fori_loop(0, nz, zero_acc, 0)
            plsc.subcore_barrier()

        zero_acc_pass()

        if with_counts:
            _fill(rows_0, C, d, 1.0)

            def cstep(k, _):
                descs = [
                    pltpu.async_copy(rows_0,
                                     acc.at[didx_v.at[burst * k + t]],
                                     csem, add=True)
                    for t in range(burst)
                ]
                for dsc in descs:
                    dsc.wait()
                return 0
            lax.fori_loop(0, iters // burst, cstep, 0)
            plsc.subcore_barrier()
            pltpu.sync_copy(acc.at[pl.ds(row0, rows_per_sub)],
                            cnt_out.at[cid, pl.ds(row0, rows_per_sub)])
            zero_acc_pass()

        dummy_r = x_hbm.at[pl.ds(0, C)]
        dummy_i = src_hbm.at[pl.ds(0, C)]
        ebase = wid * iters * C

        pltpu.sync_copy(src_hbm.at[pl.ds(ebase, C)], sb[0])
        for t in (1, 2, 3):
            pltpu.async_copy(src_hbm.at[pl.ds(ebase + t * C, C)], sb[t],
                             ssem[t])
        pltpu.async_copy(x_hbm.at[sb[0]], rows_0, gsem[0])

        def phase(j, rb, si, fire_gather, fire_idx):
            if fire_gather:
                pltpu.make_async_copy(dummy_i, sb[(si + 1) % 4],
                                      ssem[(si + 1) % 4]).wait()
                pltpu.async_copy(x_hbm.at[sb[(si + 1) % 4]], rows[1 - rb],
                                 gsem[1 - rb])
            pltpu.make_async_copy(dummy_r, rows[rb], gsem[rb]).wait()
            if fire_idx:
                pltpu.async_copy(src_hbm.at[pl.ds(ebase + (j + 4) * C, C)],
                                 sb[si], ssem[si])
            pltpu.sync_copy(rows[rb], acc.at[didx_v.at[j]], add=True)

        peel_start = iters - 4 - (iters % 4)

        def step(k, _):
            j = 4 * k
            phase(j, 0, 0, True, True)
            phase(j + 1, 1, 1, True, True)
            phase(j + 2, 0, 2, True, True)
            phase(j + 3, 1, 3, True, True)
            return 0
        lax.fori_loop(0, peel_start // 4, step, 0)

        for j in range(peel_start, iters):
            phase(j, j % 2, j % 4, j + 1 < iters, j + 4 < iters)
        plsc.subcore_barrier()

        pltpu.sync_copy(acc.at[pl.ds(row0, rows_per_sub)],
                        agg_out.at[cid, pl.ds(row0, rows_per_sub)])

    out_type = jax.ShapeDtypeStruct((NC, n, d), jnp.float32)
    scratch = [
        pltpu.VMEM((C,), jnp.int32),
        pltpu.VMEM((C,), jnp.int32),
        pltpu.VMEM((C,), jnp.int32),
        pltpu.VMEM((C,), jnp.int32),
        pltpu.VMEM((iters, C), jnp.int32),
        pltpu.VMEM((C, d), jnp.float32),
        pltpu.VMEM((C, d), jnp.float32),
        pltpu.VMEM_SHARED((n, d), jnp.float32),
        pltpu.SemaphoreType.DMA,
        pltpu.SemaphoreType.DMA,
        pltpu.SemaphoreType.DMA,
        pltpu.SemaphoreType.DMA,
        pltpu.SemaphoreType.DMA,
        pltpu.SemaphoreType.DMA,
    ]
    if with_counts:
        out_type = [out_type, jax.ShapeDtypeStruct((NC, n, d), jnp.float32)]
        scratch = scratch + [pltpu.SemaphoreType.DMA]

    return pl.kernel(body, out_type=out_type, mesh=mesh,
                     scratch_types=scratch)


def _dense(aggp, cntp, xin, wl, wr, b):
    n, d = xin.shape
    h = wl.shape[1]
    blk = min(1024, n)
    grid = (n // blk,)

    def body(aggp_ref, cnt_ref, x_ref, wl_ref, wr_ref, b_ref, o_ref):
        agg = aggp_ref[0] + aggp_ref[1]
        cnt = cnt_ref[0] + cnt_ref[1]
        mean = agg / jnp.maximum(cnt[:, :1], 1.0)
        acc = jnp.dot(mean, wl_ref[...], preferred_element_type=jnp.float32)
        acc = acc + jnp.dot(x_ref[...], wr_ref[...],
                            preferred_element_type=jnp.float32)
        acc = acc + b_ref[...]
        o_ref[...] = jnp.maximum(acc, 0.0)

    return pl.pallas_call(
        body,
        grid=grid,
        in_specs=[
            pl.BlockSpec((NC, blk, h), lambda i: (0, i, 0)),
            pl.BlockSpec((NC, blk, h), lambda i: (0, i, 0)),
            pl.BlockSpec((blk, d), lambda i: (i, 0)),
            pl.BlockSpec((d, h), lambda i: (0, 0)),
            pl.BlockSpec((d, h), lambda i: (0, 0)),
            pl.BlockSpec((1, h), lambda i: (0, 0)),
        ],
        out_specs=pl.BlockSpec((blk, h), lambda i: (i, 0)),
        out_shape=jax.ShapeDtypeStruct((n, h), jnp.float32),
    )(aggp, cntp, xin, wl, wr, b.reshape(1, h))


def kernel(x, edge_index, Wl1, Wr1, b1, Wl2, Wr2, b2):
    n, d = x.shape
    e = edge_index.shape[1]
    nw = NC * NS
    ew = e // nw
    iters = (ew + C - 1) // C
    ewp = iters * C

    npad = ((n + NS * 8 - 1) // (NS * 8)) * (NS * 8)
    npad = max(npad, ((n + 1023) // 1024) * 1024)
    x_p = jnp.pad(x, ((0, npad - n), (0, 0)))

    srcw = jnp.pad(edge_index[0].reshape(nw, ew),
                   ((0, 0), (0, ewp - ew))).reshape(nw * ewp)
    dstw = jnp.pad(edge_index[1].reshape(nw, ew), ((0, 0), (0, ewp - ew)),
                   constant_values=n)
    dst3 = dstw.reshape(nw, iters, C)

    agg1, cnt = _make_sc_agg(npad, iters, d, True)(x_p, srcw, dst3)
    h1 = _dense(agg1, cnt, x_p, Wl1, Wr1, b1)
    agg2 = _make_sc_agg(npad, iters, Wl1.shape[1], False)(h1, srcw, dst3)
    out = _dense(agg2, cnt, h1, Wl2, Wr2, b2)
    return out[:n]

# --- scband reference (transcript-rebuilt; emitter-appended) ---
"""Pipeline reference for scband-graph-sagemodel-57131654971944 (READ-ONLY COPY).

The authoritative reference and input builder live on the scoring server;
editing this copy changes nothing except your own understanding.
"""

import jax, jax.numpy as jnp
import numpy as np

N = 10000
E = 320000
D = 128
H = 128


def setup_inputs(seed: int = 0) -> dict:
    key = jax.random.key(seed)
    ks = jax.random.split(key, 9)
    x = jax.random.normal(ks[0], (N, D), dtype=jnp.float32)
    edge_index = jax.random.randint(ks[1], (2, E), 0, N, dtype=jnp.int32)
    s_in = 1.0 / np.sqrt(D)
    s_h = 1.0 / np.sqrt(H)
    Wl1 = jax.random.normal(ks[2], (D, H), dtype=jnp.float32) * s_in
    Wr1 = jax.random.normal(ks[3], (D, H), dtype=jnp.float32) * s_in
    b1 = jax.random.normal(ks[4], (H,), dtype=jnp.float32) * s_in
    Wl2 = jax.random.normal(ks[5], (H, H), dtype=jnp.float32) * s_h
    Wr2 = jax.random.normal(ks[6], (H, H), dtype=jnp.float32) * s_h
    b2 = jax.random.normal(ks[7], (H,), dtype=jnp.float32) * s_h
    return {"x": x, "edge_index": edge_index, "Wl1": Wl1, "Wr1": Wr1, "b1": b1,
            "Wl2": Wl2, "Wr2": Wr2, "b2": b2}


def _sage_conv(x, src, dst, Wl, Wr, b):
    # PyG SAGEConv with mean aggregation:
    # out = lin_l(mean_{j in N(i)} x_j) + lin_r(x_i)
    msgs = jnp.take(x, src, axis=0)
    agg = jax.ops.segment_sum(msgs, dst, num_segments=N)
    cnt = jax.ops.segment_sum(jnp.ones((src.shape[0],), dtype=x.dtype), dst, num_segments=N)
    mean = agg / jnp.clip(cnt, 1.0)[:, None]
    return mean @ Wl + x @ Wr + b


def reference(x, edge_index, Wl1, Wr1, b1, Wl2, Wr2, b2):
    src = edge_index[0]
    dst = edge_index[1]
    # layer 1
    h = _sage_conv(x, src, dst, Wl1, Wr1, b1)
    h = jax.nn.relu(h)
    # dropout p=0.0 (eval) -> identity
    # layer 2
    h = _sage_conv(h, src, dst, Wl2, Wr2, b2)
    h = jax.nn.relu(h)
    return h

if __name__ == "__main__":
    import jax
    _d = setup_inputs()
    print(jax.jit(kernel)(*tuple(_d.values())))

</pallas_src>

<mosaic_0001>
#map = affine_map<(d0, d1) -> (0, 0)>
#map1 = affine_map<(d0, d1) -> (0)>
#map2 = affine_map<(d0, d1) -> (0, 0, 0)>
module attributes {stable_mosaic.version = 14 : i64} {
  func.func @body(%arg0: i32, %arg1: i32, %arg2: memref<10240x128xf32, #tpu.memory_space<hbm>>, %arg3: memref<320000xi32, #tpu.memory_space<hbm>>, %arg4: memref<32x125x80xi32, #tpu.memory_space<hbm>>, %arg5: memref<2x10240x128xf32, #tpu.memory_space<hbm>>, %arg6: memref<80xi32, #tpu.memory_space<vmem>>, %arg7: memref<80xi32, #tpu.memory_space<vmem>>, %arg8: memref<80xi32, #tpu.memory_space<vmem>>, %arg9: memref<80xi32, #tpu.memory_space<vmem>>, %arg10: memref<125x80xi32, #tpu.memory_space<vmem>>, %arg11: memref<80x128xf32, #tpu.memory_space<vmem>>, %arg12: memref<80x128xf32, #tpu.memory_space<vmem>>, %arg13: memref<10240x128xf32, #tpu.memory_space<vmem_shared>>, %arg14: memref<!tpu.dma_semaphore, #tpu.memory_space<semaphore_mem>>, %arg15: memref<!tpu.dma_semaphore, #tpu.memory_space<semaphore_mem>>, %arg16: memref<!tpu.dma_semaphore, #tpu.memory_space<semaphore_mem>>, %arg17: memref<!tpu.dma_semaphore, #tpu.memory_space<semaphore_mem>>, %arg18: memref<!tpu.dma_semaphore, #tpu.memory_space<semaphore_mem>>, %arg19: memref<!tpu.dma_semaphore, #tpu.memory_space<semaphore_mem>>) attributes {dimension_semantics = [#tpu.dimension_semantics<core_parallel>, #tpu.dimension_semantics<subcore_parallel>], iteration_bounds = array<i64: 2, 16>, scalar_prefetch = 0 : i64, scratch_operands = 14 : i64, tpu.core_type = #tpu.core_type<sc_vector_subcore>, window_params = [{transform_indices = #map}, {transform_indices = #map1}, {transform_indices = #map2}, {transform_indices = #map2}]} {
    %mul3A = arith.constant 16 : i32
    %mul3A_0 = arith.muli %arg0, %mul3A : i32
    %add3A = arith.addi %mul3A_0, %arg1 : i32
    "tpu.region"() ({
      %run_scoped3A_108 = tpu.sem_alloc : memref<!tpu.dma_semaphore, #tpu.memory_space<semaphore_mem>>
      %dma_start3A_109 = arith.constant 0 : i32
      %dma_start3A_110 = arith.constant 0 : i32
      %dma_start3A_111 = tpu.memref_slice %arg4[%add3A, %dma_start3A_109, %dma_start3A_110] : memref<32x125x80xi32, #tpu.memory_space<hbm>> -> memref<1x125x80xi32, #tpu.memory_space<hbm>>
      %dma_start3A_112 = tpu.memref_squeeze %dma_start3A_111 : memref<1x125x80xi32, #tpu.memory_space<hbm>> -> memref<125x80xi32, #tpu.memory_space<hbm>>
      %dma_start3A_113 = arith.constant 0 : i32
      %dma_start3A_114 = arith.constant 0 : i32
      %dma_start3A_115 = tpu.memref_slice %arg4[%add3A, %dma_start3A_113, %dma_start3A_114] : memref<32x125x80xi32, #tpu.memory_space<hbm>> -> memref<1x125x80xi32, #tpu.memory_space<hbm>>
      %dma_start3A_116 = tpu.memref_squeeze %dma_start3A_115 : memref<1x125x80xi32, #tpu.memory_space<hbm>> -> memref<125x80xi32, #tpu.memory_space<hbm>>
      tpu.enqueue_dma source(%dma_start3A_116 : memref<125x80xi32, #tpu.memory_space<hbm>>) target(%arg10 : memref<125x80xi32, #tpu.memory_space<vmem>>) target_semaphore(%run_scoped3A_108 : memref<!tpu.dma_semaphore, #tpu.memory_space<semaphore_mem>>)
      %dma_wait3A_117 = arith.constant 0 : i32
      %dma_wait3A_118 = arith.constant 0 : i32
      %dma_wait3A_119 = tpu.memref_slice %arg4[%add3A, %dma_wait3A_117, %dma_wait3A_118] : memref<32x125x80xi32, #tpu.memory_space<hbm>> -> memref<1x125x80xi32, #tpu.memory_space<hbm>>
      %dma_wait3A_120 = tpu.memref_squeeze %dma_wait3A_119 : memref<1x125x80xi32, #tpu.memory_space<hbm>> -> memref<125x80xi32, #tpu.memory_space<hbm>>
      %dma_wait3A_121 = arith.constant 0 : i32
      %dma_wait3A_122 = arith.constant 0 : i32
      %dma_wait3A_123 = tpu.memref_slice %arg4[%add3A, %dma_wait3A_121, %dma_wait3A_122] : memref<32x125x80xi32, #tpu.memory_space<hbm>> -> memref<1x125x80xi32, #tpu.memory_space<hbm>>
      %dma_wait3A_124 = tpu.memref_squeeze %dma_wait3A_123 : memref<1x125x80xi32, #tpu.memory_space<hbm>> -> memref<125x80xi32, #tpu.memory_space<hbm>>
      tpu.wait_dma2 semaphore(%run_scoped3A_108 : memref<!tpu.dma_semaphore, #tpu.memory_space<semaphore_mem>>) src(%dma_wait3A_124 : memref<125x80xi32, #tpu.memory_space<hbm>>) dst(%arg10 : memref<125x80xi32, #tpu.memory_space<vmem>>)
      tpu.yield
    }) : () -> ()
    %mul3A_1 = arith.constant 640 : i32
    %mul3A_2 = arith.muli %arg1, %mul3A_1 : i32
    %broadcast_in_dim3A = arith.constant 0.000000e+00 : f32
    %broadcast_in_dim3A_3 = vector.broadcast %broadcast_in_dim3A : f32 to vector<16xf32>
    %scan3A = arith.constant 0 : i32
    %scan3A_4 = arith.constant 0 : i32
    %scan3A_5 = arith.constant 80 : i32
    %scan3A_6 = arith.addi %scan3A_4, %scan3A_5 : i32
    %scan3A_7 = arith.constant 1 : i32
    %scan3A_8 = scf.for %scan3A_108 = %scan3A_4 to %scan3A_6 step %scan3A_7 iter_args(%scan3A_109 = %scan3A) -> (i32)  : i32 {
      %scan3A_110 = arith.constant 0 : i32
      %scan3A_111 = arith.constant 0 : i32
      %scan3A_112 = arith.constant 8 : i32
      %scan3A_113 = arith.addi %scan3A_111, %scan3A_112 : i32
      %scan3A_114 = arith.constant 1 : i32
      %scan3A_115 = scf.for %scan3A_118 = %scan3A_111 to %scan3A_113 step %scan3A_114 iter_args(%scan3A_119 = %scan3A_110) -> (i32)  : i32 {
        %mul3A_120 = arith.constant 16 : i32
        %mul3A_121 = arith.muli %scan3A_118, %mul3A_120 : i32
        %swap3A = arith.index_cast %scan3A_108 : i32 to index
        %swap3A_122 = arith.index_cast %mul3A_121 : i32 to index
        %swap3A_123 = tpu.vector_load %arg11[%swap3A, %swap3A_122] {strides = array<i32>} : memref<80x128xf32, #tpu.memory_space<vmem>>, vector<1x16xf32>,
        %swap3A_124 = vector.shape_cast %swap3A_123 : vector<1x16xf32> to vector<16xf32>
        %swap3A_125 = vector.shape_cast %broadcast_in_dim3A_3 : vector<16xf32> to vector<1x16xf32>
        tpu.vector_store %arg11[%swap3A, %swap3A_122], %swap3A_125 {strides = array<i32>} : memref<80x128xf32, #tpu.memory_space<vmem>>, vector<1x16xf32>,
        %scan3A_126 = arith.constant 0 : i32
        scf.yield %scan3A_126 : i32
      }
      %scan3A_116 = arith.constant 8 : i32
      %scan3A_117 = arith.constant 0 : i32
      scf.yield %scan3A_117 : i32
    }
    %scan3A_9 = arith.constant 80 : i32
    %scan3A_10 = arith.constant 0 : i32
    %scan3A_11 = arith.constant 0 : i32
    %scan3A_12 = arith.constant 8 : i32
    %scan3A_13 = arith.addi %scan3A_11, %scan3A_12 : i32
    %scan3A_14 = arith.constant 1 : i32
    %scan3A_15 = scf.for %scan3A_108 = %scan3A_11 to %scan3A_13 step %scan3A_14 iter_args(%scan3A_109 = %scan3A_10) -> (i32)  : i32 {
      %mul3A_110 = arith.constant 80 : i32
      %mul3A_111 = arith.muli %scan3A_108, %mul3A_110 : i32
      %add3A_112 = arith.addi %mul3A_2, %mul3A_111 : i32
      "tpu.region"() ({
        %run_scoped3A_114 = tpu.sem_alloc : memref<!tpu.dma_semaphore, #tpu.memory_space<semaphore_mem>>
        %dma_start3A_115 = arith.constant 0 : i32
        %dma_start3A_116 = tpu.memref_slice %arg13[%add3A_112, %dma_start3A_115] : memref<10240x128xf32, #tpu.memory_space<vmem_shared>> -> memref<80x128xf32, #tpu.memory_space<vmem_shared>>
        %dma_start3A_117 = arith.constant 0 : i32
        %dma_start3A_118 = tpu.memref_slice %arg13[%add3A_112, %dma_start3A_117] : memref<10240x128xf32, #tpu.memory_space<vmem_shared>> -> memref<80x128xf32, #tpu.memory_space<vmem_shared>>
        tpu.enqueue_dma source(%arg11 : memref<80x128xf32, #tpu.memory_space<vmem>>) target(%dma_start3A_118 : memref<80x128xf32, #tpu.memory_space<vmem_shared>>) target_semaphore(%run_scoped3A_114 : memref<!tpu.dma_semaphore, #tpu.memory_space<semaphore_mem>>)
        %dma_wait3A_119 = arith.constant 0 : i32
        %dma_wait3A_120 = tpu.memref_slice %arg13[%add3A_112, %dma_wait3A_119] : memref<10240x128xf32, #tpu.memory_space<vmem_shared>> -> memref<80x128xf32, #tpu.memory_space<vmem_shared>>
        %dma_wait3A_121 = arith.constant 0 : i32
        %dma_wait3A_122 = tpu.memref_slice %arg13[%add3A_112, %dma_wait3A_121] : memref<10240x128xf32, #tpu.memory_space<vmem_shared>> -> memref<80x128xf32, #tpu.memory_space<vmem_shared>>
        tpu.wait_dma2 semaphore(%run_scoped3A_114 : memref<!tpu.dma_semaphore, #tpu.memory_space<semaphore_mem>>) src(%arg11 : memref<80x128xf32, #tpu.memory_space<vmem>>) dst(%dma_wait3A_122 : memref<80x128xf32, #tpu.memory_space<vmem_shared>>)
        tpu.yield
      }) : () -> ()
      %scan3A_113 = arith.constant 0 : i32
      scf.yield %scan3A_113 : i32
    }
    %scan3A_16 = arith.constant 8 : i32
    %barrier3A = arith.constant 0 : index
    tpu.barrier barrier_id(%barrier3A)
    %mul3A_17 = arith.constant 125 : i32
    %mul3A_18 = arith.muli %add3A, %mul3A_17 : i32
    %mul3A_19 = arith.constant 80 : i32
    %mul3A_20 = arith.muli %mul3A_18, %mul3A_19 : i32
    "tpu.region"() ({
      %run_scoped3A_108 = tpu.sem_alloc : memref<!tpu.dma_semaphore, #tpu.memory_space<semaphore_mem>>
      %dma_start3A_109 = tpu.memref_slice %arg3[%mul3A_20] : memref<320000xi32, #tpu.memory_space<hbm>> -> memref<80xi32, #tpu.memory_space<hbm>>
      %dma_start3A_110 = tpu.memref_slice %arg3[%mul3A_20] : memref<320000xi32, #tpu.memory_space<hbm>> -> memref<80xi32, #tpu.memory_space<hbm>>
      tpu.enqueue_dma source(%dma_start3A_110 : memref<80xi32, #tpu.memory_space<hbm>>) target(%arg6 : memref<80xi32, #tpu.memory_space<vmem>>) target_semaphore(%run_scoped3A_108 : memref<!tpu.dma_semaphore, #tpu.memory_space<semaphore_mem>>)
      %dma_wait3A_111 = tpu.memref_slice %arg3[%mul3A_20] : memref<320000xi32, #tpu.memory_space<hbm>> -> memref<80xi32, #tpu.memory_space<hbm>>
      %dma_wait3A_112 = tpu.memref_slice %arg3[%mul3A_20] : memref<320000xi32, #tpu.memory_space<hbm>> -> memref<80xi32, #tpu.memory_space<hbm>>
      tpu.wait_dma2 semaphore(%run_scoped3A_108 : memref<!tpu.dma_semaphore, #tpu.memory_space<semaphore_mem>>) src(%dma_wait3A_112 : memref<80xi32, #tpu.memory_space<hbm>>) dst(%arg6 : memref<80xi32, #tpu.memory_space<vmem>>)
      tpu.yield
    }) : () -> ()
    %add3A_21 = arith.constant 80 : i32
    %add3A_22 = arith.addi %mul3A_20, %add3A_21 : i32
    %dma_start3A = tpu.memref_slice %arg3[%add3A_22] : memref<320000xi32, #tpu.memory_space<hbm>> -> memref<80xi32, #tpu.memory_space<hbm>>
    %dma_start3A_23 = tpu.memref_slice %arg3[%add3A_22] : memref<320000xi32, #tpu.memory_space<hbm>> -> memref<80xi32, #tpu.memory_space<hbm>>
    tpu.enqueue_dma source(%dma_start3A_23 : memref<80xi32, #tpu.memory_space<hbm>>) target(%arg7 : memref<80xi32, #tpu.memory_space<vmem>>) target_semaphore(%arg15 : memref<!tpu.dma_semaphore, #tpu.memory_space<semaphore_mem>>)
    %add3A_24 = arith.constant 160 : i32
    %add3A_25 = arith.addi %mul3A_20, %add3A_24 : i32
    %dma_start3A_26 = tpu.memref_slice %arg3[%add3A_25] : memref<320000xi32, #tpu.memory_space<hbm>> -> memref<80xi32, #tpu.memory_space<hbm>>
    %dma_start3A_27 = tpu.memref_slice %arg3[%add3A_25] : memref<320000xi32, #tpu.memory_space<hbm>> -> memref<80xi32, #tpu.memory_space<hbm>>
    tpu.enqueue_dma source(%dma_start3A_27 : memref<80xi32, #tpu.memory_space<hbm>>) target(%arg8 : memref<80xi32, #tpu.memory_space<vmem>>) target_semaphore(%arg16 : memref<!tpu.dma_semaphore, #tpu.memory_space<semaphore_mem>>)
    %add3A_28 = arith.constant 240 : i32
    %add3A_29 = arith.addi %mul3A_20, %add3A_28 : i32
    %dma_start3A_30 = tpu.memref_slice %arg3[%add3A_29] : memref<320000xi32, #tpu.memory_space<hbm>> -> memref<80xi32, #tpu.memory_space<hbm>>
    %dma_start3A_31 = tpu.memref_slice %arg3[%add3A_29] : memref<320000xi32, #tpu.memory_space<hbm>> -> memref<80xi32, #tpu.memory_space<hbm>>
    tpu.enqueue_dma source(%dma_start3A_31 : memref<80xi32, #tpu.memory_space<hbm>>) target(%arg9 : memref<80xi32, #tpu.memory_space<vmem>>) target_semaphore(%arg17 : memref<!tpu.dma_semaphore, #tpu.memory_space<semaphore_mem>>)
    %dma_start3A_32 = arith.constant 0 : i32
    %dma_start3A_33 = arith.constant 0 : i32
    %dma_start3A_34 = tpu.memref_slice %arg2[%dma_start3A_32, %dma_start3A_33] : memref<10240x128xf32, #tpu.memory_space<hbm>> -> memref<10240x128xf32, #tpu.memory_space<hbm>>
    tpu.enqueue_indirect_dma source(%dma_start3A_34 : memref<10240x128xf32, #tpu.memory_space<hbm>>) target(%arg11 : memref<80x128xf32, #tpu.memory_space<vmem>>) offsets(%arg6 : memref<80xi32, #tpu.memory_space<vmem>>) semaphore(%arg18 : memref<!tpu.dma_semaphore, #tpu.memory_space<semaphore_mem>>)
    %scan3A_35 = arith.constant 0 : i32
    %scan3A_36 = arith.constant 0 : i32
    %scan3A_37 = arith.constant 30 : i32
    %scan3A_38 = arith.addi %scan3A_36, %scan3A_37 : i32
    %scan3A_39 = arith.constant 1 : i32
    %scan3A_40 = scf.for %scan3A_108 = %scan3A_36 to %scan3A_38 step %scan3A_39 iter_args(%scan3A_109 = %scan3A_35) -> (i32)  : i32 {
      %mul3A_110 = arith.constant 4 : i32
      %mul3A_111 = arith.muli %mul3A_110, %scan3A_108 : i32
      %dma_wait3A_112 = arith.constant 0 : i32
      %dma_wait3A_113 = tpu.memref_slice %arg3[%dma_wait3A_112] : memref<320000xi32, #tpu.memory_space<hbm>> -> memref<80xi32, #tpu.memory_space<hbm>>
      %dma_wait3A_114 = arith.constant 0 : i32
      %dma_wait3A_115 = tpu.memref_slice %arg3[%dma_wait3A_114] : memref<320000xi32, #tpu.memory_space<hbm>> -> memref<80xi32, #tpu.memory_space<hbm>>
      tpu.wait_dma2 semaphore(%arg15 : memref<!tpu.dma_semaphore, #tpu.memory_space<semaphore_mem>>) src(%dma_wait3A_115 : memref<80xi32, #tpu.memory_space<hbm>>) dst(%arg7 : memref<80xi32, #tpu.memory_space<vmem>>)
      %dma_start3A_116 = arith.constant 0 : i32
      %dma_start3A_117 = arith.constant 0 : i32
      %dma_start3A_118 = tpu.memref_slice %arg2[%dma_start3A_116, %dma_start3A_117] : memref<10240x128xf32, #tpu.memory_space<hbm>> -> memref<10240x128xf32, #tpu.memory_space<hbm>>
      tpu.enqueue_indirect_dma source(%dma_start3A_118 : memref<10240x128xf32, #tpu.memory_space<hbm>>) target(%arg12 : memref<80x128xf32, #tpu.memory_space<vmem>>) offsets(%arg7 : memref<80xi32, #tpu.memory_space<vmem>>) semaphore(%arg19 : memref<!tpu.dma_semaphore, #tpu.memory_space<semaphore_mem>>)
      %dma_wait3A_119 = arith.constant 0 : i32
      %dma_wait3A_120 = arith.constant 0 : i32
      %dma_wait3A_121 = tpu.memref_slice %arg2[%dma_wait3A_119, %dma_wait3A_120] : memref<10240x128xf32, #tpu.memory_space<hbm>> -> memref<80x128xf32, #tpu.memory_space<hbm>>
      %dma_wait3A_122 = arith.constant 0 : i32
      %dma_wait3A_123 = arith.constant 0 : i32
      %dma_wait3A_124 = tpu.memref_slice %arg2[%dma_wait3A_122, %dma_wait3A_123] : memref<10240x128xf32, #tpu.memory_space<hbm>> -> memref<80x128xf32, #tpu.memory_space<hbm>>
      tpu.wait_dma2 semaphore(%arg18 : memref<!tpu.dma_semaphore, #tpu.memory_space<semaphore_mem>>) src(%dma_wait3A_124 : memref<80x128xf32, #tpu.memory_space<hbm>>) dst(%arg11 : memref<80x128xf32, #tpu.memory_space<vmem>>)
      %add3A_125 = arith.constant 4 : i32
      %add3A_126 = arith.addi %mul3A_111, %add3A_125 : i32
      %mul3A_127 = arith.constant 80 : i32
      %mul3A_128 = arith.muli %add3A_126, %mul3A_127 : i32
      %add3A_129 = arith.addi %mul3A_20, %mul3A_128 : i32
      %dma_start3A_130 = tpu.memref_slice %arg3[%add3A_129] : memref<320000xi32, #tpu.memory_space<hbm>> -> memref<80xi32, #tpu.memory_space<hbm>>
      %dma_start3A_131 = tpu.memref_slice %arg3[%add3A_129] : memref<320000xi32, #tpu.memory_space<hbm>> -> memref<80xi32, #tpu.memory_space<hbm>>
      tpu.enqueue_dma source(%dma_start3A_131 : memref<80xi32, #tpu.memory_space<hbm>>) target(%arg6 : memref<80xi32, #tpu.memory_space<vmem>>) target_semaphore(%arg14 : memref<!tpu.dma_semaphore, #tpu.memory_space<semaphore_mem>>)
      "tpu.region"() ({
        %run_scoped3A_199 = tpu.sem_alloc : memref<!tpu.dma_semaphore, #tpu.memory_space<semaphore_mem>>
        %dma_start3A_200 = arith.constant 0 : i32
        %dma_start3A_201 = tpu.memref_slice %arg10[%mul3A_111, %dma_start3A_200] : memref<125x80xi32, #tpu.memory_space<vmem>> -> memref<1x80xi32, #tpu.memory_space<vmem>>
        %dma_start3A_202 = tpu.memref_squeeze %dma_start3A_201 : memref<1x80xi32, #tpu.memory_space<vmem>> -> memref<80xi32, #tpu.memory_space<vmem>>
        %dma_start3A_203 = arith.constant 0 : i32
        %dma_start3A_204 = arith.constant 0 : i32
        %dma_start3A_205 = tpu.memref_slice %arg13[%dma_start3A_203, %dma_start3A_204] : memref<10240x128xf32, #tpu.memory_space<vmem_shared>> -> memref<10240x128xf32, #tpu.memory_space<vmem_shared>>
        tpu.enqueue_indirect_dma source(%arg11 : memref<80x128xf32, #tpu.memory_space<vmem>>) target(%dma_start3A_205 : memref<10240x128xf32, #tpu.memory_space<vmem_shared>>) offsets(%dma_start3A_202 : memref<80xi32, #tpu.memory_space<vmem>>) semaphore(%run_scoped3A_199 : memref<!tpu.dma_semaphore, #tpu.memory_space<semaphore_mem>>) {add = true}
        %dma_wait3A_206 = arith.constant 0 : i32
        %dma_wait3A_207 = tpu.memref_slice %arg10[%mul3A_111, %dma_wait3A_206] : memref<125x80xi32, #tpu.memory_space<vmem>> -> memref<1x80xi32, #tpu.memory_space<vmem>>
        %dma_wait3A_208 = tpu.memref_squeeze %dma_wait3A_207 : memref<1x80xi32, #tpu.memory_space<vmem>> -> memref<80xi32, #tpu.memory_space<vmem>>
        %dma_wait3A_209 = arith.constant 0 : i32
        %dma_wait3A_210 = arith.constant 0 : i32
        %dma_wait3A_211 = tpu.memref_slice %arg13[%dma_wait3A_209, %dma_wait3A_210] : memref<10240x128xf32, #tpu.memory_space<vmem_shared>> -> memref<10240x128xf32, #tpu.memory_space<vmem_shared>>
        tpu.wait_indirect_dma semaphore(%run_scoped3A_199 : memref<!tpu.dma_semaphore, #tpu.memory_space<semaphore_mem>>) src(%arg11 : memref<80x128xf32, #tpu.memory_space<vmem>>) dst(%dma_wait3A_211 : memref<10240x128xf32, #tpu.memory_space<vmem_shared>>)
        tpu.yield
      }) : () -> ()
      %add3A_132 = arith.constant 1 : i32
      %add3A_133 = arith.addi %mul3A_111, %add3A_132 : i32
      %dma_wait3A_134 = arith.constant 0 : i32
      %dma_wait3A_135 = tpu.memref_slice %arg3[%dma_wait3A_134] : memref<320000xi32, #tpu.memory_space<hbm>> -> memref<80xi32, #tpu.memory_space<hbm>>
      %dma_wait3A_136 = arith.constant 0 : i32
      %dma_wait3A_137 = tpu.memref_slice %arg3[%dma_wait3A_136] : memref<320000xi32, #tpu.memory_space<hbm>> -> memref<80xi32, #tpu.memory_space<hbm>>
      tpu.wait_dma2 semaphore(%arg16 : memref<!tpu.dma_semaphore, #tpu.memory_space<semaphore_mem>>) src(%dma_wait3A_137 : memref<80xi32, #tpu.memory_space<hbm>>) dst(%arg8 : memref<80xi32, #tpu.memory_space<vmem>>)
      %dma_start3A_138 = arith.constant 0 : i32
      %dma_start3A_139 = arith.constant 0 : i32
      %dma_start3A_140 = tpu.memref_slice %arg2[%dma_start3A_138, %dma_start3A_139] : memref<10240x128xf32, #tpu.memory_space<hbm>> -> memref<10240x128xf32, #tpu.memory_space<hbm>>
      tpu.enqueue_indirect_dma source(%dma_start3A_140 : memref<10240x128xf32, #tpu.memory_space<hbm>>) target(%arg11 : memref<80x128xf32, #tpu.memory_space<vmem>>) offsets(%arg8 : memref<80xi32, #tpu.memory_space<vmem>>) semaphore(%arg18 : memref<!tpu.dma_semaphore, #tpu.memory_space<semaphore_mem>>)
      %dma_wait3A_141 = arith.constant 0 : i32
      %dma_wait3A_142 = arith.constant 0 : i32
      %dma_wait3A_143 = tpu.memref_slice %arg2[%dma_wait3A_141, %dma_wait3A_142] : memref<10240x128xf32, #tpu.memory_space<hbm>> -> memref<80x128xf32, #tpu.memory_space<hbm>>
      %dma_wait3A_144 = arith.constant 0 : i32
      %dma_wait3A_145 = arith.constant 0 : i32
      %dma_wait3A_146 = tpu.memref_slice %arg2[%dma_wait3A_144, %dma_wait3A_145] : memref<10240x128xf32, #tpu.memory_space<hbm>> -> memref<80x128xf32, #tpu.memory_space<hbm>>
      tpu.wait_dma2 semaphore(%arg19 : memref<!tpu.dma_semaphore, #tpu.memory_space<semaphore_mem>>) src(%dma_wait3A_146 : memref<80x128xf32, #tpu.memory_space<hbm>>) dst(%arg12 : memref<80x128xf32, #tpu.memory_space<vmem>>)
      %add3A_147 = arith.constant 4 : i32
      %add3A_148 = arith.addi %add3A_133, %add3A_147 : i32
      %mul3A_149 = arith.constant 80 : i32
      %mul3A_150 = arith.muli %add3A_148, %mul3A_149 : i32
      %add3A_151 = arith.addi %mul3A_20, %mul3A_150 : i32
      %dma_start3A_152 = tpu.memref_slice %arg3[%add3A_151] : memref<320000xi32, #tpu.memory_space<hbm>> -> memref<80xi32, #tpu.memory_space<hbm>>
      %dma_start3A_153 = tpu.memref_slice %arg3[%add3A_151] : memref<320000xi32, #tpu.memory_space<hbm>> -> memref<80xi32, #tpu.memory_space<hbm>>
      tpu.enqueue_dma source(%dma_start3A_153 : memref<80xi32, #tpu.memory_space<hbm>>) target(%arg7 : memref<80xi32, #tpu.memory_space<vmem>>) target_semaphore(%arg15 : memref<!tpu.dma_semaphore, #tpu.memory_space<semaphore_mem>>)
      "tpu.region"() ({
        %run_scoped3A_199 = tpu.sem_alloc : memref<!tpu.dma_semaphore, #tpu.memory_space<semaphore_mem>>
        %dma_start3A_200 = arith.constant 0 : i32
        %dma_start3A_201 = tpu.memref_slice %arg10[%add3A_133, %dma_start3A_200] : memref<125x80xi32, #tpu.memory_space<vmem>> -> memref<1x80xi32, #tpu.memory_space<vmem>>
        %dma_start3A_202 = tpu.memref_squeeze %dma_start3A_201 : memref<1x80xi32, #tpu.memory_space<vmem>> -> memref<80xi32, #tpu.memory_space<vmem>>
        %dma_start3A_203 = arith.constant 0 : i32
        %dma_start3A_204 = arith.constant 0 : i32
        %dma_start3A_205 = tpu.memref_slice %arg13[%dma_start3A_203, %dma_start3A_204] : memref<10240x128xf32, #tpu.memory_space<vmem_shared>> -> memref<10240x128xf32, #tpu.memory_space<vmem_shared>>
        tpu.enqueue_indirect_dma source(%arg12 : memref<80x128xf32, #tpu.memory_space<vmem>>) target(%dma_start3A_205 : memref<10240x128xf32, #tpu.memory_space<vmem_shared>>) offsets(%dma_start3A_202 : memref<80xi32, #tpu.memory_space<vmem>>) semaphore(%run_scoped3A_199 : memref<!tpu.dma_semaphore, #tpu.memory_space<semaphore_mem>>) {add = true}
        %dma_wait3A_206 = arith.constant 0 : i32
        %dma_wait3A_207 = tpu.memref_slice %arg10[%add3A_133, %dma_wait3A_206] : memref<125x80xi32, #tpu.memory_space<vmem>> -> memref<1x80xi32, #tpu.memory_space<vmem>>
        %dma_wait3A_208 = tpu.memref_squeeze %dma_wait3A_207 : memref<1x80xi32, #tpu.memory_space<vmem>> -> memref<80xi32, #tpu.memory_space<vmem>>
        %dma_wait3A_209 = arith.constant 0 : i32
        %dma_wait3A_210 = arith.constant 0 : i32
        %dma_wait3A_211 = tpu.memref_slice %arg13[%dma_wait3A_209, %dma_wait3A_210] : memref<10240x128xf32, #tpu.memory_space<vmem_shared>> -> memref<10240x128xf32, #tpu.memory_space<vmem_shared>>
        tpu.wait_indirect_dma semaphore(%run_scoped3A_199 : memref<!tpu.dma_semaphore, #tpu.memory_space<semaphore_mem>>) src(%arg12 : memref<80x128xf32, #tpu.memory_space<vmem>>) dst(%dma_wait3A_211 : memref<10240x128xf32, #tpu.memory_space<vmem_shared>>)
        tpu.yield
      }) : () -> ()
      %add3A_154 = arith.constant 2 : i32
      %add3A_155 = arith.addi %mul3A_111, %add3A_154 : i32
      %dma_wait3A_156 = arith.constant 0 : i32
      %dma_wait3A_157 = tpu.memref_slice %arg3[%dma_wait3A_156] : memref<320000xi32, #tpu.memory_space<hbm>> -> memref<80xi32, #tpu.memory_space<hbm>>
      %dma_wait3A_158 = arith.constant 0 : i32
      %dma_wait3A_159 = tpu.memref_slice %arg3[%dma_wait3A_158] : memref<320000xi32, #tpu.memory_space<hbm>> -> memref<80xi32, #tpu.memory_space<hbm>>
      tpu.wait_dma2 semaphore(%arg17 : memref<!tpu.dma_semaphore, #tpu.memory_space<semaphore_mem>>) src(%dma_wait3A_159 : memref<80xi32, #tpu.memory_space<hbm>>) dst(%arg9 : memref<80xi32, #tpu.memory_space<vmem>>)
      %dma_start3A_160 = arith.constant 0 : i32
      %dma_start3A_161 = arith.constant 0 : i32
      %dma_start3A_162 = tpu.memref_slice %arg2[%dma_start3A_160, %dma_start3A_161] : memref<10240x128xf32, #tpu.memory_space<hbm>> -> memref<10240x128xf32, #tpu.memory_space<hbm>>
      tpu.enqueue_indirect_dma source(%dma_start3A_162 : memref<10240x128xf32, #tpu.memory_space<hbm>>) target(%arg12 : memref<80x128xf32, #tpu.memory_space<vmem>>) offsets(%arg9 : memref<80xi32, #tpu.memory_space<vmem>>) semaphore(%arg19 : memref<!tpu.dma_semaphore, #tpu.memory_space<semaphore_mem>>)
      %dma_wait3A_163 = arith.constant 0 : i32
      %dma_wait3A_164 = arith.constant 0 : i32
      %dma_wait3A_165 = tpu.memref_slice %arg2[%dma_wait3A_163, %dma_wait3A_164] : memref<10240x128xf32, #tpu.memory_space<hbm>> -> memref<80x128xf32, #tpu.memory_space<hbm>>
      %dma_wait3A_166 = arith.constant 0 : i32
      %dma_wait3A_167 = arith.constant 0 : i32
      %dma_wait3A_168 = tpu.memref_slice %arg2[%dma_wait3A_166, %dma_wait3A_167] : memref<10240x128xf32, #tpu.memory_space<hbm>> -> memref<80x128xf32, #tpu.memory_space<hbm>>
      tpu.wait_dma2 semaphore(%arg18 : memref<!tpu.dma_semaphore, #tpu.memory_space<semaphore_mem>>) src(%dma_wait3A_168 : memref<80x128xf32, #tpu.memory_space<hbm>>) dst(%arg11 : memref<80x128xf32, #tpu.memory_space<vmem>>)
      %add3A_169 = arith.constant 4 : i32
      %add3A_170 = arith.addi %add3A_155, %add3A_169 : i32
      %mul3A_171 = arith.constant 80 : i32
      %mul3A_172 = arith.muli %add3A_170, %mul3A_171 : i32
      %add3A_173 = arith.addi %mul3A_20, %mul3A_172 : i32
      %dma_start3A_174 = tpu.memref_slice %arg3[%add3A_173] : memref<320000xi32, #tpu.memory_space<hbm>> -> memref<80xi32, #tpu.memory_space<hbm>>
      %dma_start3A_175 = tpu.memref_slice %arg3[%add3A_173] : memref<320000xi32, #tpu.memory_space<hbm>> -> memref<80xi32, #tpu.memory_space<hbm>>
      tpu.enqueue_dma source(%dma_start3A_175 : memref<80xi32, #tpu.memory_space<hbm>>) target(%arg8 : memref<80xi32, #tpu.memory_space<vmem>>) target_semaphore(%arg16 : memref<!tpu.dma_semaphore, #tpu.memory_space<semaphore_mem>>)
      "tpu.region"() ({
        %run_scoped3A_199 = tpu.sem_alloc : memref<!tpu.dma_semaphore, #tpu.memory_space<semaphore_mem>>
        %dma_start3A_200 = arith.constant 0 : i32
        %dma_start3A_201 = tpu.memref_slice %arg10[%add3A_155, %dma_start3A_200] : memref<125x80xi32, #tpu.memory_space<vmem>> -> memref<1x80xi32, #tpu.memory_space<vmem>>
        %dma_start3A_202 = tpu.memref_squeeze %dma_start3A_201 : memref<1x80xi32, #tpu.memory_space<vmem>> -> memref<80xi32, #tpu.memory_space<vmem>>
        %dma_start3A_203 = arith.constant 0 : i32
        %dma_start3A_204 = arith.constant 0 : i32
        %dma_start3A_205 = tpu.memref_slice %arg13[%dma_start3A_203, %dma_start3A_204] : memref<10240x128xf32, #tpu.memory_space<vmem_shared>> -> memref<10240x128xf32, #tpu.memory_space<vmem_shared>>
        tpu.enqueue_indirect_dma source(%arg11 : memref<80x128xf32, #tpu.memory_space<vmem>>) target(%dma_start3A_205 : memref<10240x128xf32, #tpu.memory_space<vmem_shared>>) offsets(%dma_start3A_202 : memref<80xi32, #tpu.memory_space<vmem>>) semaphore(%run_scoped3A_199 : memref<!tpu.dma_semaphore, #tpu.memory_space<semaphore_mem>>) {add = true}
        %dma_wait3A_206 = arith.constant 0 : i32
        %dma_wait3A_207 = tpu.memref_slice %arg10[%add3A_155, %dma_wait3A_206] : memref<125x80xi32, #tpu.memory_space<vmem>> -> memref<1x80xi32, #tpu.memory_space<vmem>>
        %dma_wait3A_208 = tpu.memref_squeeze %dma_wait3A_207 : memref<1x80xi32, #tpu.memory_space<vmem>> -> memref<80xi32, #tpu.memory_space<vmem>>
        %dma_wait3A_209 = arith.constant 0 : i32
        %dma_wait3A_210 = arith.constant 0 : i32
        %dma_wait3A_211 = tpu.memref_slice %arg13[%dma_wait3A_209, %dma_wait3A_210] : memref<10240x128xf32, #tpu.memory_space<vmem_shared>> -> memref<10240x128xf32, #tpu.memory_space<vmem_shared>>
        tpu.wait_indirect_dma semaphore(%run_scoped3A_199 : memref<!tpu.dma_semaphore, #tpu.memory_space<semaphore_mem>>) src(%arg11 : memref<80x128xf32, #tpu.memory_space<vmem>>) dst(%dma_wait3A_211 : memref<10240x128xf32, #tpu.memory_space<vmem_shared>>)
        tpu.yield
      }) : () -> ()
      %add3A_176 = arith.constant 3 : i32
      %add3A_177 = arith.addi %mul3A_111, %add3A_176 : i32
      %dma_wait3A_178 = arith.constant 0 : i32
      %dma_wait3A_179 = tpu.memref_slice %arg3[%dma_wait3A_178] : memref<320000xi32, #tpu.memory_space<hbm>> -> memref<80xi32, #tpu.memory_space<hbm>>
      %dma_wait3A_180 = arith.constant 0 : i32
      %dma_wait3A_181 = tpu.memref_slice %arg3[%dma_wait3A_180] : memref<320000xi32, #tpu.memory_space<hbm>> -> memref<80xi32, #tpu.memory_space<hbm>>
      tpu.wait_dma2 semaphore(%arg14 : memref<!tpu.dma_semaphore, #tpu.memory_space<semaphore_mem>>) src(%dma_wait3A_181 : memref<80xi32, #tpu.memory_space<hbm>>) dst(%arg6 : memref<80xi32, #tpu.memory_space<vmem>>)
      %dma_start3A_182 = arith.constant 0 : i32
      %dma_start3A_183 = arith.constant 0 : i32
      %dma_start3A_184 = tpu.memref_slice %arg2[%dma_start3A_182, %dma_start3A_183] : memref<10240x128xf32, #tpu.memory_space<hbm>> -> memref<10240x128xf32, #tpu.memory_space<hbm>>
      tpu.enqueue_indirect_dma source(%dma_start3A_184 : memref<10240x128xf32, #tpu.memory_space<hbm>>) target(%arg11 : memref<80x128xf32, #tpu.memory_space<vmem>>) offsets(%arg6 : memref<80xi32, #tpu.memory_space<vmem>>) semaphore(%arg18 : memref<!tpu.dma_semaphore, #tpu.memory_space<semaphore_mem>>)
      %dma_wait3A_185 = arith.constant 0 : i32
      %dma_wait3A_186 = arith.constant 0 : i32
      %dma_wait3A_187 = tpu.memref_slice %arg2[%dma_wait3A_185, %dma_wait3A_186] : memref<10240x128xf32, #tpu.memory_space<hbm>> -> memref<80x128xf32, #tpu.memory_space<hbm>>
      %dma_wait3A_188 = arith.constant 0 : i32
      %dma_wait3A_189 = arith.constant 0 : i32
      %dma_wait3A_190 = tpu.memref_slice %arg2[%dma_wait3A_188, %dma_wait3A_189] : memref<10240x128xf32, #tpu.memory_space<hbm>> -> memref<80x128xf32, #tpu.memory_space<hbm>>
      tpu.wait_dma2 semaphore(%arg19 : memref<!tpu.dma_semaphore, #tpu.memory_space<semaphore_mem>>) src(%dma_wait3A_190 : memref<80x128xf32, #tpu.memory_space<hbm>>) dst(%arg12 : memref<80x128xf32, #tpu.memory_space<vmem>>)
      %add3A_191 = arith.constant 4 : i32
      %add3A_192 = arith.addi %add3A_177, %add3A_191 : i32
      %mul3A_193 = arith.constant 80 : i32
      %mul3A_194 = arith.muli %add3A_192, %mul3A_193 : i32
      %add3A_195 = arith.addi %mul3A_20, %mul3A_194 : i32
      %dma_start3A_196 = tpu.memref_slice %arg3[%add3A_195] : memref<320000xi32, #tpu.memory_space<hbm>> -> memref<80xi32, #tpu.memory_space<hbm>>
      %dma_start3A_197 = tpu.memref_slice %arg3[%add3A_195] : memref<320000xi32, #tpu.memory_space<hbm>> -> memref<80xi32, #tpu.memory_space<hbm>>
      tpu.enqueue_dma source(%dma_start3A_197 : memref<80xi32, #tpu.memory_space<hbm>>) target(%arg9 : memref<80xi32, #tpu.memory_space<vmem>>) target_semaphore(%arg17 : memref<!tpu.dma_semaphore, #tpu.memory_space<semaphore_mem>>)
      "tpu.region"() ({
        %run_scoped3A_199 = tpu.sem_alloc : memref<!tpu.dma_semaphore, #tpu.memory_space<semaphore_mem>>
        %dma_start3A_200 = arith.constant 0 : i32
        %dma_start3A_201 = tpu.memref_slice %arg10[%add3A_177, %dma_start3A_200] : memref<125x80xi32, #tpu.memory_space<vmem>> -> memref<1x80xi32, #tpu.memory_space<vmem>>
        %dma_start3A_202 = tpu.memref_squeeze %dma_start3A_201 : memref<1x80xi32, #tpu.memory_space<vmem>> -> memref<80xi32, #tpu.memory_space<vmem>>
        %dma_start3A_203 = arith.constant 0 : i32
        %dma_start3A_204 = arith.constant 0 : i32
        %dma_start3A_205 = tpu.memref_slice %arg13[%dma_start3A_203, %dma_start3A_204] : memref<10240x128xf32, #tpu.memory_space<vmem_shared>> -> memref<10240x128xf32, #tpu.memory_space<vmem_shared>>
        tpu.enqueue_indirect_dma source(%arg12 : memref<80x128xf32, #tpu.memory_space<vmem>>) target(%dma_start3A_205 : memref<10240x128xf32, #tpu.memory_space<vmem_shared>>) offsets(%dma_start3A_202 : memref<80xi32, #tpu.memory_space<vmem>>) semaphore(%run_scoped3A_199 : memref<!tpu.dma_semaphore, #tpu.memory_space<semaphore_mem>>) {add = true}
        %dma_wait3A_206 = arith.constant 0 : i32
        %dma_wait3A_207 = tpu.memref_slice %arg10[%add3A_177, %dma_wait3A_206] : memref<125x80xi32, #tpu.memory_space<vmem>> -> memref<1x80xi32, #tpu.memory_space<vmem>>
        %dma_wait3A_208 = tpu.memref_squeeze %dma_wait3A_207 : memref<1x80xi32, #tpu.memory_space<vmem>> -> memref<80xi32, #tpu.memory_space<vmem>>
        %dma_wait3A_209 = arith.constant 0 : i32
        %dma_wait3A_210 = arith.constant 0 : i32
        %dma_wait3A_211 = tpu.memref_slice %arg13[%dma_wait3A_209, %dma_wait3A_210] : memref<10240x128xf32, #tpu.memory_space<vmem_shared>> -> memref<10240x128xf32, #tpu.memory_space<vmem_shared>>
        tpu.wait_indirect_dma semaphore(%run_scoped3A_199 : memref<!tpu.dma_semaphore, #tpu.memory_space<semaphore_mem>>) src(%arg12 : memref<80x128xf32, #tpu.memory_space<vmem>>) dst(%dma_wait3A_211 : memref<10240x128xf32, #tpu.memory_space<vmem_shared>>)
        tpu.yield
      }) : () -> ()
      %scan3A_198 = arith.constant 0 : i32
      scf.yield %scan3A_198 : i32
    }
    %scan3A_41 = arith.constant 30 : i32
    %dma_wait3A = arith.constant 0 : i32
    %dma_wait3A_42 = tpu.memref_slice %arg3[%dma_wait3A] : memref<320000xi32, #tpu.memory_space<hbm>> -> memref<80xi32, #tpu.memory_space<hbm>>
    %dma_wait3A_43 = arith.constant 0 : i32
    %dma_wait3A_44 = tpu.memref_slice %arg3[%dma_wait3A_43] : memref<320000xi32, #tpu.memory_space<hbm>> -> memref<80xi32, #tpu.memory_space<hbm>>
    tpu.wait_dma2 semaphore(%arg15 : memref<!tpu.dma_semaphore, #tpu.memory_space<semaphore_mem>>) src(%dma_wait3A_44 : memref<80xi32, #tpu.memory_space<hbm>>) dst(%arg7 : memref<80xi32, #tpu.memory_space<vmem>>)
    %dma_start3A_45 = arith.constant 0 : i32
    %dma_start3A_46 = arith.constant 0 : i32
    %dma_start3A_47 = tpu.memref_slice %arg2[%dma_start3A_45, %dma_start3A_46] : memref<10240x128xf32, #tpu.memory_space<hbm>> -> memref<10240x128xf32, #tpu.memory_space<hbm>>
    tpu.enqueue_indirect_dma source(%dma_start3A_47 : memref<10240x128xf32, #tpu.memory_space<hbm>>) target(%arg12 : memref<80x128xf32, #tpu.memory_space<vmem>>) offsets(%arg7 : memref<80xi32, #tpu.memory_space<vmem>>) semaphore(%arg19 : memref<!tpu.dma_semaphore, #tpu.memory_space<semaphore_mem>>)
    %dma_wait3A_48 = arith.constant 0 : i32
    %dma_wait3A_49 = arith.constant 0 : i32
    %dma_wait3A_50 = tpu.memref_slice %arg2[%dma_wait3A_48, %dma_wait3A_49] : memref<10240x128xf32, #tpu.memory_space<hbm>> -> memref<80x128xf32, #tpu.memory_space<hbm>>
    %dma_wait3A_51 = arith.constant 0 : i32
    %dma_wait3A_52 = arith.constant 0 : i32
    %dma_wait3A_53 = tpu.memref_slice %arg2[%dma_wait3A_51, %dma_wait3A_52] : memref<10240x128xf32, #tpu.memory_space<hbm>> -> memref<80x128xf32, #tpu.memory_space<hbm>>
    tpu.wait_dma2 semaphore(%arg18 : memref<!tpu.dma_semaphore, #tpu.memory_space<semaphore_mem>>) src(%dma_wait3A_53 : memref<80x128xf32, #tpu.memory_space<hbm>>) dst(%arg11 : memref<80x128xf32, #tpu.memory_space<vmem>>)
    %add3A_54 = arith.constant 9920 : i32
    %add3A_55 = arith.addi %mul3A_20, %add3A_54 : i32
    %dma_start3A_56 = tpu.memref_slice %arg3[%add3A_55] : memref<320000xi32, #tpu.memory_space<hbm>> -> memref<80xi32, #tpu.memory_space<hbm>>
    %dma_start3A_57 = tpu.memref_slice %arg3[%add3A_55] : memref<320000xi32, #tpu.memory_space<hbm>> -> memref<80xi32, #tpu.memory_space<hbm>>
    tpu.enqueue_dma source(%dma_start3A_57 : memref<80xi32, #tpu.memory_space<hbm>>) target(%arg6 : memref<80xi32, #tpu.memory_space<vmem>>) target_semaphore(%arg14 : memref<!tpu.dma_semaphore, #tpu.memory_space<semaphore_mem>>)
    %run_scoped3A = arith.constant 120 : i32
    "tpu.region"() ({
      %run_scoped3A_108 = tpu.sem_alloc : memref<!tpu.dma_semaphore, #tpu.memory_space<semaphore_mem>>
      %dma_start3A_109 = arith.constant 0 : i32
      %dma_start3A_110 = tpu.memref_slice %arg10[%run_scoped3A, %dma_start3A_109] : memref<125x80xi32, #tpu.memory_space<vmem>> -> memref<1x80xi32, #tpu.memory_space<vmem>>
      %dma_start3A_111 = tpu.memref_squeeze %dma_start3A_110 : memref<1x80xi32, #tpu.memory_space<vmem>> -> memref<80xi32, #tpu.memory_space<vmem>>
      %dma_start3A_112 = arith.constant 0 : i32
      %dma_start3A_113 = arith.constant 0 : i32
      %dma_start3A_114 = tpu.memref_slice %arg13[%dma_start3A_112, %dma_start3A_113] : memref<10240x128xf32, #tpu.memory_space<vmem_shared>> -> memref<10240x128xf32, #tpu.memory_space<vmem_shared>>
      tpu.enqueue_indirect_dma source(%arg11 : memref<80x128xf32, #tpu.memory_space<vmem>>) target(%dma_start3A_114 : memref<10240x128xf32, #tpu.memory_space<vmem_shared>>) offsets(%dma_start3A_111 : memref<80xi32, #tpu.memory_space<vmem>>) semaphore(%run_scoped3A_108 : memref<!tpu.dma_semaphore, #tpu.memory_space<semaphore_mem>>) {add = true}
      %dma_wait3A_115 = arith.constant 0 : i32
      %dma_wait3A_116 = tpu.memref_slice %arg10[%run_scoped3A, %dma_wait3A_115] : memref<125x80xi32, #tpu.memory_space<vmem>> -> memref<1x80xi32, #tpu.memory_space<vmem>>
      %dma_wait3A_117 = tpu.memref_squeeze %dma_wait3A_116 : memref<1x80xi32, #tpu.memory_space<vmem>> -> memref<80xi32, #tpu.memory_space<vmem>>
      %dma_wait3A_118 = arith.constant 0 : i32
      %dma_wait3A_119 = arith.constant 0 : i32
      %dma_wait3A_120 = tpu.memref_slice %arg13[%dma_wait3A_118, %dma_wait3A_119] : memref<10240x128xf32, #tpu.memory_space<vmem_shared>> -> memref<10240x128xf32, #tpu.memory_space<vmem_shared>>
      tpu.wait_indirect_dma semaphore(%run_scoped3A_108 : memref<!tpu.dma_semaphore, #tpu.memory_space<semaphore_mem>>) src(%arg11 : memref<80x128xf32, #tpu.memory_space<vmem>>) dst(%dma_wait3A_120 : memref<10240x128xf32, #tpu.memory_space<vmem_shared>>)
      tpu.yield
    }) : () -> ()
    %dma_wait3A_58 = arith.constant 0 : i32
    %dma_wait3A_59 = tpu.memref_slice %arg3[%dma_wait3A_58] : memref<320000xi32, #tpu.memory_space<hbm>> -> memref<80xi32, #tpu.memory_space<hbm>>
    %dma_wait3A_60 = arith.constant 0 : i32
    %dma_wait3A_61 = tpu.memref_slice %arg3[%dma_wait3A_60] : memref<320000xi32, #tpu.memory_space<hbm>> -> memref<80xi32, #tpu.memory_space<hbm>>
    tpu.wait_dma2 semaphore(%arg16 : memref<!tpu.dma_semaphore, #tpu.memory_space<semaphore_mem>>) src(%dma_wait3A_61 : memref<80xi32, #tpu.memory_space<hbm>>) dst(%arg8 : memref<80xi32, #tpu.memory_space<vmem>>)
    %dma_start3A_62 = arith.constant 0 : i32
    %dma_start3A_63 = arith.constant 0 : i32
    %dma_start3A_64 = tpu.memref_slice %arg2[%dma_start3A_62, %dma_start3A_63] : memref<10240x128xf32, #tpu.memory_space<hbm>> -> memref<10240x128xf32, #tpu.memory_space<hbm>>
    tpu.enqueue_indirect_dma source(%dma_start3A_64 : memref<10240x128xf32, #tpu.memory_space<hbm>>) target(%arg11 : memref<80x128xf32, #tpu.memory_space<vmem>>) offsets(%arg8 : memref<80xi32, #tpu.memory_space<vmem>>) semaphore(%arg18 : memref<!tpu.dma_semaphore, #tpu.memory_space<semaphore_mem>>)
    %dma_wait3A_65 = arith.constant 0 : i32
    %dma_wait3A_66 = arith.constant 0 : i32
    %dma_wait3A_67 = tpu.memref_slice %arg2[%dma_wait3A_65, %dma_wait3A_66] : memref<10240x128xf32, #tpu.memory_space<hbm>> -> memref<80x128xf32, #tpu.memory_space<hbm>>
    %dma_wait3A_68 = arith.constant 0 : i32
    %dma_wait3A_69 = arith.constant 0 : i32
    %dma_wait3A_70 = tpu.memref_slice %arg2[%dma_wait3A_68, %dma_wait3A_69] : memref<10240x128xf32, #tpu.memory_space<hbm>> -> memref<80x128xf32, #tpu.memory_space<hbm>>
    tpu.wait_dma2 semaphore(%arg19 : memref<!tpu.dma_semaphore, #tpu.memory_space<semaphore_mem>>) src(%dma_wait3A_70 : memref<80x128xf32, #tpu.memory_space<hbm>>) dst(%arg12 : memref<80x128xf32, #tpu.memory_space<vmem>>)
    %run_scoped3A_71 = arith.constant 121 : i32
    "tpu.region"() ({
      %run_scoped3A_108 = tpu.sem_alloc : memref<!tpu.dma_semaphore, #tpu.memory_space<semaphore_mem>>
      %dma_start3A_109 = arith.constant 0 : i32
      %dma_start3A_110 = tpu.memref_slice %arg10[%run_scoped3A_71, %dma_start3A_109] : memref<125x80xi32, #tpu.memory_space<vmem>> -> memref<1x80xi32, #tpu.memory_space<vmem>>
      %dma_start3A_111 = tpu.memref_squeeze %dma_start3A_110 : memref<1x80xi32, #tpu.memory_space<vmem>> -> memref<80xi32, #tpu.memory_space<vmem>>
      %dma_start3A_112 = arith.constant 0 : i32
      %dma_start3A_113 = arith.constant 0 : i32
      %dma_start3A_114 = tpu.memref_slice %arg13[%dma_start3A_112, %dma_start3A_113] : memref<10240x128xf32, #tpu.memory_space<vmem_shared>> -> memref<10240x128xf32, #tpu.memory_space<vmem_shared>>
      tpu.enqueue_indirect_dma source(%arg12 : memref<80x128xf32, #tpu.memory_space<vmem>>) target(%dma_start3A_114 : memref<10240x128xf32, #tpu.memory_space<vmem_shared>>) offsets(%dma_start3A_111 : memref<80xi32, #tpu.memory_space<vmem>>) semaphore(%run_scoped3A_108 : memref<!tpu.dma_semaphore, #tpu.memory_space<semaphore_mem>>) {add = true}
      %dma_wait3A_115 = arith.constant 0 : i32
      %dma_wait3A_116 = tpu.memref_slice %arg10[%run_scoped3A_71, %dma_wait3A_115] : memref<125x80xi32, #tpu.memory_space<vmem>> -> memref<1x80xi32, #tpu.memory_space<vmem>>
      %dma_wait3A_117 = tpu.memref_squeeze %dma_wait3A_116 : memref<1x80xi32, #tpu.memory_space<vmem>> -> memref<80xi32, #tpu.memory_space<vmem>>
      %dma_wait3A_118 = arith.constant 0 : i32
      %dma_wait3A_119 = arith.constant 0 : i32
      %dma_wait3A_120 = tpu.memref_slice %arg13[%dma_wait3A_118, %dma_wait3A_119] : memref<10240x128xf32, #tpu.memory_space<vmem_shared>> -> memref<10240x128xf32, #tpu.memory_space<vmem_shared>>
      tpu.wait_indirect_dma semaphore(%run_scoped3A_108 : memref<!tpu.dma_semaphore, #tpu.memory_space<semaphore_mem>>) src(%arg12 : memref<80x128xf32, #tpu.memory_space<vmem>>) dst(%dma_wait3A_120 : memref<10240x128xf32, #tpu.memory_space<vmem_shared>>)
      tpu.yield
    }) : () -> ()
    %dma_wait3A_72 = arith.constant 0 : i32
    %dma_wait3A_73 = tpu.memref_slice %arg3[%dma_wait3A_72] : memref<320000xi32, #tpu.memory_space<hbm>> -> memref<80xi32, #tpu.memory_space<hbm>>
    %dma_wait3A_74 = arith.constant 0 : i32
    %dma_wait3A_75 = tpu.memref_slice %arg3[%dma_wait3A_74] : memref<320000xi32, #tpu.memory_space<hbm>> -> memref<80xi32, #tpu.memory_space<hbm>>
    tpu.wait_dma2 semaphore(%arg17 : memref<!tpu.dma_semaphore, #tpu.memory_space<semaphore_mem>>) src(%dma_wait3A_75 : memref<80xi32, #tpu.memory_space<hbm>>) dst(%arg9 : memref<80xi32, #tpu.memory_space<vmem>>)
    %dma_start3A_76 = arith.constant 0 : i32
    %dma_start3A_77 = arith.constant 0 : i32
    %dma_start3A_78 = tpu.memref_slice %arg2[%dma_start3A_76, %dma_start3A_77] : memref<10240x128xf32, #tpu.memory_space<hbm>> -> memref<10240x128xf32, #tpu.memory_space<hbm>>
    tpu.enqueue_indirect_dma source(%dma_start3A_78 : memref<10240x128xf32, #tpu.memory_space<hbm>>) target(%arg12 : memref<80x128xf32, #tpu.memory_space<vmem>>) offsets(%arg9 : memref<80xi32, #tpu.memory_space<vmem>>) semaphore(%arg19 : memref<!tpu.dma_semaphore, #tpu.memory_space<semaphore_mem>>)
    %dma_wait3A_79 = arith.constant 0 : i32
    %dma_wait3A_80 = arith.constant 0 : i32
    %dma_wait3A_81 = tpu.memref_slice %arg2[%dma_wait3A_79, %dma_wait3A_80] : memref<10240x128xf32, #tpu.memory_space<hbm>> -> memref<80x128xf32, #tpu.memory_space<hbm>>
    %dma_wait3A_82 = arith.constant 0 : i32
    %dma_wait3A_83 = arith.constant 0 : i32
    %dma_wait3A_84 = tpu.memref_slice %arg2[%dma_wait3A_82, %dma_wait3A_83] : memref<10240x128xf32, #tpu.memory_space<hbm>> -> memref<80x128xf32, #tpu.memory_space<hbm>>
    tpu.wait_dma2 semaphore(%arg18 : memref<!tpu.dma_semaphore, #tpu.memory_space<semaphore_mem>>) src(%dma_wait3A_84 : memref<80x128xf32, #tpu.memory_space<hbm>>) dst(%arg11 : memref<80x128xf32, #tpu.memory_space<vmem>>)
    %run_scoped3A_85 = arith.constant 122 : i32
    "tpu.region"() ({
      %run_scoped3A_108 = tpu.sem_alloc : memref<!tpu.dma_semaphore, #tpu.memory_space<semaphore_mem>>
      %dma_start3A_109 = arith.constant 0 : i32
      %dma_start3A_110 = tpu.memref_slice %arg10[%run_scoped3A_85, %dma_start3A_109] : memref<125x80xi32, #tpu.memory_space<vmem>> -> memref<1x80xi32, #tpu.memory_space<vmem>>
      %dma_start3A_111 = tpu.memref_squeeze %dma_start3A_110 : memref<1x80xi32, #tpu.memory_space<vmem>> -> memref<80xi32, #tpu.memory_space<vmem>>
      %dma_start3A_112 = arith.constant 0 : i32
      %dma_start3A_113 = arith.constant 0 : i32
      %dma_start3A_114 = tpu.memref_slice %arg13[%dma_start3A_112, %dma_start3A_113] : memref<10240x128xf32, #tpu.memory_space<vmem_shared>> -> memref<10240x128xf32, #tpu.memory_space<vmem_shared>>
      tpu.enqueue_indirect_dma source(%arg11 : memref<80x128xf32, #tpu.memory_space<vmem>>) target(%dma_start3A_114 : memref<10240x128xf32, #tpu.memory_space<vmem_shared>>) offsets(%dma_start3A_111 : memref<80xi32, #tpu.memory_space<vmem>>) semaphore(%run_scoped3A_108 : memref<!tpu.dma_semaphore, #tpu.memory_space<semaphore_mem>>) {add = true}
      %dma_wait3A_115 = arith.constant 0 : i32
      %dma_wait3A_116 = tpu.memref_slice %arg10[%run_scoped3A_85, %dma_wait3A_115] : memref<125x80xi32, #tpu.memory_space<vmem>> -> memref<1x80xi32, #tpu.memory_space<vmem>>
      %dma_wait3A_117 = tpu.memref_squeeze %dma_wait3A_116 : memref<1x80xi32, #tpu.memory_space<vmem>> -> memref<80xi32, #tpu.memory_space<vmem>>
      %dma_wait3A_118 = arith.constant 0 : i32
      %dma_wait3A_119 = arith.constant 0 : i32
      %dma_wait3A_120 = tpu.memref_slice %arg13[%dma_wait3A_118, %dma_wait3A_119] : memref<10240x128xf32, #tpu.memory_space<vmem_shared>> -> memref<10240x128xf32, #tpu.memory_space<vmem_shared>>
      tpu.wait_indirect_dma semaphore(%run_scoped3A_108 : memref<!tpu.dma_semaphore, #tpu.memory_space<semaphore_mem>>) src(%arg11 : memref<80x128xf32, #tpu.memory_space<vmem>>) dst(%dma_wait3A_120 : memref<10240x128xf32, #tpu.memory_space<vmem_shared>>)
      tpu.yield
    }) : () -> ()
    %dma_wait3A_86 = arith.constant 0 : i32
    %dma_wait3A_87 = tpu.memref_slice %arg3[%dma_wait3A_86] : memref<320000xi32, #tpu.memory_space<hbm>> -> memref<80xi32, #tpu.memory_space<hbm>>
    %dma_wait3A_88 = arith.constant 0 : i32
    %dma_wait3A_89 = tpu.memref_slice %arg3[%dma_wait3A_88] : memref<320000xi32, #tpu.memory_space<hbm>> -> memref<80xi32, #tpu.memory_space<hbm>>
    tpu.wait_dma2 semaphore(%arg14 : memref<!tpu.dma_semaphore, #tpu.memory_space<semaphore_mem>>) src(%dma_wait3A_89 : memref<80xi32, #tpu.memory_space<hbm>>) dst(%arg6 : memref<80xi32, #tpu.memory_space<vmem>>)
    %dma_start3A_90 = arith.constant 0 : i32
    %dma_start3A_91 = arith.constant 0 : i32
    %dma_start3A_92 = tpu.memref_slice %arg2[%dma_start3A_90, %dma_start3A_91] : memref<10240x128xf32, #tpu.memory_space<hbm>> -> memref<10240x128xf32, #tpu.memory_space<hbm>>
    tpu.enqueue_indirect_dma source(%dma_start3A_92 : memref<10240x128xf32, #tpu.memory_space<hbm>>) target(%arg11 : memref<80x128xf32, #tpu.memory_space<vmem>>) offsets(%arg6 : memref<80xi32, #tpu.memory_space<vmem>>) semaphore(%arg18 : memref<!tpu.dma_semaphore, #tpu.memory_space<semaphore_mem>>)
    %dma_wait3A_93 = arith.constant 0 : i32
    %dma_wait3A_94 = arith.constant 0 : i32
    %dma_wait3A_95 = tpu.memref_slice %arg2[%dma_wait3A_93, %dma_wait3A_94] : memref<10240x128xf32, #tpu.memory_space<hbm>> -> memref<80x128xf32, #tpu.memory_space<hbm>>
    %dma_wait3A_96 = arith.constant 0 : i32
    %dma_wait3A_97 = arith.constant 0 : i32
    %dma_wait3A_98 = tpu.memref_slice %arg2[%dma_wait3A_96, %dma_wait3A_97] : memref<10240x128xf32, #tpu.memory_space<hbm>> -> memref<80x128xf32, #tpu.memory_space<hbm>>
    tpu.wait_dma2 semaphore(%arg19 : memref<!tpu.dma_semaphore, #tpu.memory_space<semaphore_mem>>) src(%dma_wait3A_98 : memref<80x128xf32, #tpu.memory_space<hbm>>) dst(%arg12 : memref<80x128xf32, #tpu.memory_space<vmem>>)
    %run_scoped3A_99 = arith.constant 123 : i32
    "tpu.region"() ({
      %run_scoped3A_108 = tpu.sem_alloc : memref<!tpu.dma_semaphore, #tpu.memory_space<semaphore_mem>>
      %dma_start3A_109 = arith.constant 0 : i32
      %dma_start3A_110 = tpu.memref_slice %arg10[%run_scoped3A_99, %dma_start3A_109] : memref<125x80xi32, #tpu.memory_space<vmem>> -> memref<1x80xi32, #tpu.memory_space<vmem>>
      %dma_start3A_111 = tpu.memref_squeeze %dma_start3A_110 : memref<1x80xi32, #tpu.memory_space<vmem>> -> memref<80xi32, #tpu.memory_space<vmem>>
      %dma_start3A_112 = arith.constant 0 : i32
      %dma_start3A_113 = arith.constant 0 : i32
      %dma_start3A_114 = tpu.memref_slice %arg13[%dma_start3A_112, %dma_start3A_113] : memref<10240x128xf32, #tpu.memory_space<vmem_shared>> -> memref<10240x128xf32, #tpu.memory_space<vmem_shared>>
      tpu.enqueue_indirect_dma source(%arg12 : memref<80x128xf32, #tpu.memory_space<vmem>>) target(%dma_start3A_114 : memref<10240x128xf32, #tpu.memory_space<vmem_shared>>) offsets(%dma_start3A_111 : memref<80xi32, #tpu.memory_space<vmem>>) semaphore(%run_scoped3A_108 : memref<!tpu.dma_semaphore, #tpu.memory_space<semaphore_mem>>) {add = true}
      %dma_wait3A_115 = arith.constant 0 : i32
      %dma_wait3A_116 = tpu.memref_slice %arg10[%run_scoped3A_99, %dma_wait3A_115] : memref<125x80xi32, #tpu.memory_space<vmem>> -> memref<1x80xi32, #tpu.memory_space<vmem>>
      %dma_wait3A_117 = tpu.memref_squeeze %dma_wait3A_116 : memref<1x80xi32, #tpu.memory_space<vmem>> -> memref<80xi32, #tpu.memory_space<vmem>>
      %dma_wait3A_118 = arith.constant 0 : i32
      %dma_wait3A_119 = arith.constant 0 : i32
      %dma_wait3A_120 = tpu.memref_slice %arg13[%dma_wait3A_118, %dma_wait3A_119] : memref<10240x128xf32, #tpu.memory_space<vmem_shared>> -> memref<10240x128xf32, #tpu.memory_space<vmem_shared>>
      tpu.wait_indirect_dma semaphore(%run_scoped3A_108 : memref<!tpu.dma_semaphore, #tpu.memory_space<semaphore_mem>>) src(%arg12 : memref<80x128xf32, #tpu.memory_space<vmem>>) dst(%dma_wait3A_120 : memref<10240x128xf32, #tpu.memory_space<vmem_shared>>)
      tpu.yield
    }) : () -> ()
    %dma_wait3A_100 = arith.constant 0 : i32
    %dma_wait3A_101 = arith.constant 0 : i32
    %dma_wait3A_102 = tpu.memref_slice %arg2[%dma_wait3A_100, %dma_wait3A_101] : memref<10240x128xf32, #tpu.memory_space<hbm>> -> memref<80x128xf32, #tpu.memory_space<hbm>>
    %dma_wait3A_103 = arith.constant 0 : i32
    %dma_wait3A_104 = arith.constant 0 : i32
    %dma_wait3A_105 = tpu.memref_slice %arg2[%dma_wait3A_103, %dma_wait3A_104] : memref<10240x128xf32, #tpu.memory_space<hbm>> -> memref<80x128xf32, #tpu.memory_space<hbm>>
    tpu.wait_dma2 semaphore(%arg18 : memref<!tpu.dma_semaphore, #tpu.memory_space<semaphore_mem>>) src(%dma_wait3A_105 : memref<80x128xf32, #tpu.memory_space<hbm>>) dst(%arg11 : memref<80x128xf32, #tpu.memory_space<vmem>>)
    %run_scoped3A_106 = arith.constant 124 : i32
    "tpu.region"() ({
      %run_scoped3A_108 = tpu.sem_alloc : memref<!tpu.dma_semaphore, #tpu.memory_space<semaphore_mem>>
      %dma_start3A_109 = arith.constant 0 : i32
      %dma_start3A_110 = tpu.memref_slice %arg10[%run_scoped3A_106, %dma_start3A_109] : memref<125x80xi32, #tpu.memory_space<vmem>> -> memref<1x80xi32, #tpu.memory_space<vmem>>
      %dma_start3A_111 = tpu.memref_squeeze %dma_start3A_110 : memref<1x80xi32, #tpu.memory_space<vmem>> -> memref<80xi32, #tpu.memory_space<vmem>>
      %dma_start3A_112 = arith.constant 0 : i32
      %dma_start3A_113 = arith.constant 0 : i32
      %dma_start3A_114 = tpu.memref_slice %arg13[%dma_start3A_112, %dma_start3A_113] : memref<10240x128xf32, #tpu.memory_space<vmem_shared>> -> memref<10240x128xf32, #tpu.memory_space<vmem_shared>>
      tpu.enqueue_indirect_dma source(%arg11 : memref<80x128xf32, #tpu.memory_space<vmem>>) target(%dma_start3A_114 : memref<10240x128xf32, #tpu.memory_space<vmem_shared>>) offsets(%dma_start3A_111 : memref<80xi32, #tpu.memory_space<vmem>>) semaphore(%run_scoped3A_108 : memref<!tpu.dma_semaphore, #tpu.memory_space<semaphore_mem>>) {add = true}
      %dma_wait3A_115 = arith.constant 0 : i32
      %dma_wait3A_116 = tpu.memref_slice %arg10[%run_scoped3A_106, %dma_wait3A_115] : memref<125x80xi32, #tpu.memory_space<vmem>> -> memref<1x80xi32, #tpu.memory_space<vmem>>
      %dma_wait3A_117 = tpu.memref_squeeze %dma_wait3A_116 : memref<1x80xi32, #tpu.memory_space<vmem>> -> memref<80xi32, #tpu.memory_space<vmem>>
      %dma_wait3A_118 = arith.constant 0 : i32
      %dma_wait3A_119 = arith.constant 0 : i32
      %dma_wait3A_120 = tpu.memref_slice %arg13[%dma_wait3A_118, %dma_wait3A_119] : memref<10240x128xf32, #tpu.memory_space<vmem_shared>> -> memref<10240x128xf32, #tpu.memory_space<vmem_shared>>
      tpu.wait_indirect_dma semaphore(%run_scoped3A_108 : memref<!tpu.dma_semaphore, #tpu.memory_space<semaphore_mem>>) src(%arg11 : memref<80x128xf32, #tpu.memory_space<vmem>>) dst(%dma_wait3A_120 : memref<10240x128xf32, #tpu.memory_space<vmem_shared>>)
      tpu.yield
    }) : () -> ()
    %barrier3A_107 = arith.constant 0 : index
    tpu.barrier barrier_id(%barrier3A_107)
    "tpu.region"() ({
      %run_scoped3A_108 = tpu.sem_alloc : memref<!tpu.dma_semaphore, #tpu.memory_space<semaphore_mem>>
      %dma_start3A_109 = arith.constant 0 : i32
      %dma_start3A_110 = tpu.memref_slice %arg5[%arg0, %mul3A_2, %dma_start3A_109] : memref<2x10240x128xf32, #tpu.memory_space<hbm>> -> memref<1x640x128xf32, #tpu.memory_space<hbm>>
      %dma_start3A_111 = tpu.memref_squeeze %dma_start3A_110 : memref<1x640x128xf32, #tpu.memory_space<hbm>> -> memref<640x128xf32, #tpu.memory_space<hbm>>
      %dma_start3A_112 = arith.constant 0 : i32
      %dma_start3A_113 = tpu.memref_slice %arg13[%mul3A_2, %dma_start3A_112] : memref<10240x128xf32, #tpu.memory_space<vmem_shared>> -> memref<640x128xf32, #tpu.memory_space<vmem_shared>>
      tpu.enqueue_dma source(%dma_start3A_113 : memref<640x128xf32, #tpu.memory_space<vmem_shared>>) target(%dma_start3A_111 : memref<640x128xf32, #tpu.memory_space<hbm>>) target_semaphore(%run_scoped3A_108 : memref<!tpu.dma_semaphore, #tpu.memory_space<semaphore_mem>>)
      %dma_wait3A_114 = arith.constant 0 : i32
      %dma_wait3A_115 = tpu.memref_slice %arg5[%arg0, %mul3A_2, %dma_wait3A_114] : memref<2x10240x128xf32, #tpu.memory_space<hbm>> -> memref<1x640x128xf32, #tpu.memory_space<hbm>>
      %dma_wait3A_116 = tpu.memref_squeeze %dma_wait3A_115 : memref<1x640x128xf32, #tpu.memory_space<hbm>> -> memref<640x128xf32, #tpu.memory_space<hbm>>
      %dma_wait3A_117 = arith.constant 0 : i32
      %dma_wait3A_118 = tpu.memref_slice %arg13[%mul3A_2, %dma_wait3A_117] : memref<10240x128xf32, #tpu.memory_space<vmem_shared>> -> memref<640x128xf32, #tpu.memory_space<vmem_shared>>
      tpu.wait_dma2 semaphore(%run_scoped3A_108 : memref<!tpu.dma_semaphore, #tpu.memory_space<semaphore_mem>>) src(%dma_wait3A_118 : memref<640x128xf32, #tpu.memory_space<vmem_shared>>) dst(%dma_wait3A_116 : memref<640x128xf32, #tpu.memory_space<hbm>>)
      tpu.yield
    }) : () -> ()
    return
  }
}

#map = affine_map<(d0, d1) -> (0, 0)>
#map1 = affine_map<(d0, d1) -> (0)>
#map2 = affine_map<(d0, d1) -> (0, 0, 0)>
module attributes {stable_mosaic.version = 14 : i64} {
  func.func @body(%arg0: i32, %arg1: i32, %arg2: memref<10240x128xf32, #tpu.memory_space<hbm>>, %arg3: memref<320000xi32, #tpu.memory_space<hbm>>, %arg4: memref<32x125x80xi32, #tpu.memory_space<hbm>>, %arg5: memref<2x10240x128xf32, #tpu.memory_space<hbm>>, %arg6: memref<2x10240x128xf32, #tpu.memory_space<hbm>>, %arg7: memref<80xi32, #tpu.memory_space<vmem>>, %arg8: memref<80xi32, #tpu.memory_space<vmem>>, %arg9: memref<80xi32, #tpu.memory_space<vmem>>, %arg10: memref<80xi32, #tpu.memory_space<vmem>>, %arg11: memref<125x80xi32, #tpu.memory_space<vmem>>, %arg12: memref<80x128xf32, #tpu.memory_space<vmem>>, %arg13: memref<80x128xf32, #tpu.memory_space<vmem>>, %arg14: memref<10240x128xf32, #tpu.memory_space<vmem_shared>>, %arg15: memref<!tpu.dma_semaphore, #tpu.memory_space<semaphore_mem>>, %arg16: memref<!tpu.dma_semaphore, #tpu.memory_space<semaphore_mem>>, %arg17: memref<!tpu.dma_semaphore, #tpu.memory_space<semaphore_mem>>, %arg18: memref<!tpu.dma_semaphore, #tpu.memory_space<semaphore_mem>>, %arg19: memref<!tpu.dma_semaphore, #tpu.memory_space<semaphore_mem>>, %arg20: memref<!tpu.dma_semaphore, #tpu.memory_space<semaphore_mem>>, %arg21: memref<!tpu.dma_semaphore, #tpu.memory_space<semaphore_mem>>) attributes {dimension_semantics = [#tpu.dimension_semantics<core_parallel>, #tpu.dimension_semantics<subcore_parallel>], iteration_bounds = array<i64: 2, 16>, scalar_prefetch = 0 : i64, scratch_operands = 15 : i64, tpu.core_type = #tpu.core_type<sc_vector_subcore>, window_params = [{transform_indices = #map}, {transform_indices = #map1}, {transform_indices = #map2}, {transform_indices = #map2}, {transform_indices = #map2}]} {
    %mul3A = arith.constant 16 : i32
    %mul3A_0 = arith.muli %arg0, %mul3A : i32
    %add3A = arith.addi %mul3A_0, %arg1 : i32
    "tpu.region"() ({
      %run_scoped3A_142 = tpu.sem_alloc : memref<!tpu.dma_semaphore, #tpu.memory_space<semaphore_mem>>
      %dma_start3A_143 = arith.constant 0 : i32
      %dma_start3A_144 = arith.constant 0 : i32
      %dma_start3A_145 = tpu.memref_slice %arg4[%add3A, %dma_start3A_143, %dma_start3A_144] : memref<32x125x80xi32, #tpu.memory_space<hbm>> -> memref<1x125x80xi32, #tpu.memory_space<hbm>>
      %dma_start3A_146 = tpu.memref_squeeze %dma_start3A_145 : memref<1x125x80xi32, #tpu.memory_space<hbm>> -> memref<125x80xi32, #tpu.memory_space<hbm>>
      %dma_start3A_147 = arith.constant 0 : i32
      %dma_start3A_148 = arith.constant 0 : i32
      %dma_start3A_149 = tpu.memref_slice %arg4[%add3A, %dma_start3A_147, %dma_start3A_148] : memref<32x125x80xi32, #tpu.memory_space<hbm>> -> memref<1x125x80xi32, #tpu.memory_space<hbm>>
      %dma_start3A_150 = tpu.memref_squeeze %dma_start3A_149 : memref<1x125x80xi32, #tpu.memory_space<hbm>> -> memref<125x80xi32, #tpu.memory_space<hbm>>
      tpu.enqueue_dma source(%dma_start3A_150 : memref<125x80xi32, #tpu.memory_space<hbm>>) target(%arg11 : memref<125x80xi32, #tpu.memory_space<vmem>>) target_semaphore(%run_scoped3A_142 : memref<!tpu.dma_semaphore, #tpu.memory_space<semaphore_mem>>)
      %dma_wait3A_151 = arith.constant 0 : i32
      %dma_wait3A_152 = arith.constant 0 : i32
      %dma_wait3A_153 = tpu.memref_slice %arg4[%add3A, %dma_wait3A_151, %dma_wait3A_152] : memref<32x125x80xi32, #tpu.memory_space<hbm>> -> memref<1x125x80xi32, #tpu.memory_space<hbm>>
      %dma_wait3A_154 = tpu.memref_squeeze %dma_wait3A_153 : memref<1x125x80xi32, #tpu.memory_space<hbm>> -> memref<125x80xi32, #tpu.memory_space<hbm>>
      %dma_wait3A_155 = arith.constant 0 : i32
      %dma_wait3A_156 = arith.constant 0 : i32
      %dma_wait3A_157 = tpu.memref_slice %arg4[%add3A, %dma_wait3A_155, %dma_wait3A_156] : memref<32x125x80xi32, #tpu.memory_space<hbm>> -> memref<1x125x80xi32, #tpu.memory_space<hbm>>
      %dma_wait3A_158 = tpu.memref_squeeze %dma_wait3A_157 : memref<1x125x80xi32, #tpu.memory_space<hbm>> -> memref<125x80xi32, #tpu.memory_space<hbm>>
      tpu.wait_dma2 semaphore(%run_scoped3A_142 : memref<!tpu.dma_semaphore, #tpu.memory_space<semaphore_mem>>) src(%dma_wait3A_158 : memref<125x80xi32, #tpu.memory_space<hbm>>) dst(%arg11 : memref<125x80xi32, #tpu.memory_space<vmem>>)
      tpu.yield
    }) : () -> ()
    %mul3A_1 = arith.constant 640 : i32
    %mul3A_2 = arith.muli %arg1, %mul3A_1 : i32
    %broadcast_in_dim3A = arith.constant 0.000000e+00 : f32
    %broadcast_in_dim3A_3 = vector.broadcast %broadcast_in_dim3A : f32 to vector<16xf32>
    %scan3A = arith.constant 0 : i32
    %scan3A_4 = arith.constant 0 : i32
    %scan3A_5 = arith.constant 80 : i32
    %scan3A_6 = arith.addi %scan3A_4, %scan3A_5 : i32
    %scan3A_7 = arith.constant 1 : i32
    %scan3A_8 = scf.for %scan3A_142 = %scan3A_4 to %scan3A_6 step %scan3A_7 iter_args(%scan3A_143 = %scan3A) -> (i32)  : i32 {
      %scan3A_144 = arith.constant 0 : i32
      %scan3A_145 = arith.constant 0 : i32
      %scan3A_146 = arith.constant 8 : i32
      %scan3A_147 = arith.addi %scan3A_145, %scan3A_146 : i32
      %scan3A_148 = arith.constant 1 : i32
      %scan3A_149 = scf.for %scan3A_152 = %scan3A_145 to %scan3A_147 step %scan3A_148 iter_args(%scan3A_153 = %scan3A_144) -> (i32)  : i32 {
        %mul3A_154 = arith.constant 16 : i32
        %mul3A_155 = arith.muli %scan3A_152, %mul3A_154 : i32
        %swap3A = arith.index_cast %scan3A_142 : i32 to index
        %swap3A_156 = arith.index_cast %mul3A_155 : i32 to index
        %swap3A_157 = tpu.vector_load %arg12[%swap3A, %swap3A_156] {strides = array<i32>} : memref<80x128xf32, #tpu.memory_space<vmem>>, vector<1x16xf32>,
        %swap3A_158 = vector.shape_cast %swap3A_157 : vector<1x16xf32> to vector<16xf32>
        %swap3A_159 = vector.shape_cast %broadcast_in_dim3A_3 : vector<16xf32> to vector<1x16xf32>
        tpu.vector_store %arg12[%swap3A, %swap3A_156], %swap3A_159 {strides = array<i32>} : memref<80x128xf32, #tpu.memory_space<vmem>>, vector<1x16xf32>,
        %scan3A_160 = arith.constant 0 : i32
        scf.yield %scan3A_160 : i32
      }
      %scan3A_150 = arith.constant 8 : i32
      %scan3A_151 = arith.constant 0 : i32
      scf.yield %scan3A_151 : i32
    }
    %scan3A_9 = arith.constant 80 : i32
    %scan3A_10 = arith.constant 0 : i32
    %scan3A_11 = arith.constant 0 : i32
    %scan3A_12 = arith.constant 8 : i32
    %scan3A_13 = arith.addi %scan3A_11, %scan3A_12 : i32
    %scan3A_14 = arith.constant 1 : i32
    %scan3A_15 = scf.for %scan3A_142 = %scan3A_11 to %scan3A_13 step %scan3A_14 iter_args(%scan3A_143 = %scan3A_10) -> (i32)  : i32 {
      %mul3A_144 = arith.constant 80 : i32
      %mul3A_145 = arith.muli %scan3A_142, %mul3A_144 : i32
      %add3A_146 = arith.addi %mul3A_2, %mul3A_145 : i32
      "tpu.region"() ({
        %run_scoped3A_148 = tpu.sem_alloc : memref<!tpu.dma_semaphore, #tpu.memory_space<semaphore_mem>>
        %dma_start3A_149 = arith.constant 0 : i32
        %dma_start3A_150 = tpu.memref_slice %arg14[%add3A_146, %dma_start3A_149] : memref<10240x128xf32, #tpu.memory_space<vmem_shared>> -> memref<80x128xf32, #tpu.memory_space<vmem_shared>>
        %dma_start3A_151 = arith.constant 0 : i32
        %dma_start3A_152 = tpu.memref_slice %arg14[%add3A_146, %dma_start3A_151] : memref<10240x128xf32, #tpu.memory_space<vmem_shared>> -> memref<80x128xf32, #tpu.memory_space<vmem_shared>>
        tpu.enqueue_dma source(%arg12 : memref<80x128xf32, #tpu.memory_space<vmem>>) target(%dma_start3A_152 : memref<80x128xf32, #tpu.memory_space<vmem_shared>>) target_semaphore(%run_scoped3A_148 : memref<!tpu.dma_semaphore, #tpu.memory_space<semaphore_mem>>)
        %dma_wait3A_153 = arith.constant 0 : i32
        %dma_wait3A_154 = tpu.memref_slice %arg14[%add3A_146, %dma_wait3A_153] : memref<10240x128xf32, #tpu.memory_space<vmem_shared>> -> memref<80x128xf32, #tpu.memory_space<vmem_shared>>
        %dma_wait3A_155 = arith.constant 0 : i32
        %dma_wait3A_156 = tpu.memref_slice %arg14[%add3A_146, %dma_wait3A_155] : memref<10240x128xf32, #tpu.memory_space<vmem_shared>> -> memref<80x128xf32, #tpu.memory_space<vmem_shared>>
        tpu.wait_dma2 semaphore(%run_scoped3A_148 : memref<!tpu.dma_semaphore, #tpu.memory_space<semaphore_mem>>) src(%arg12 : memref<80x128xf32, #tpu.memory_space<vmem>>) dst(%dma_wait3A_156 : memref<80x128xf32, #tpu.memory_space<vmem_shared>>)
        tpu.yield
      }) : () -> ()
      %scan3A_147 = arith.constant 0 : i32
      scf.yield %scan3A_147 : i32
    }
    %scan3A_16 = arith.constant 8 : i32
    %barrier3A = arith.constant 0 : index
    tpu.barrier barrier_id(%barrier3A)
    %broadcast_in_dim3A_17 = arith.constant 1.000000e+00 : f32
    %broadcast_in_dim3A_18 = vector.broadcast %broadcast_in_dim3A_17 : f32 to vector<16xf32>
    %scan3A_19 = arith.constant 0 : i32
    %scan3A_20 = arith.constant 0 : i32
    %scan3A_21 = arith.constant 80 : i32
    %scan3A_22 = arith.addi %scan3A_20, %scan3A_21 : i32
    %scan3A_23 = arith.constant 1 : i32
    %scan3A_24 = scf.for %scan3A_142 = %scan3A_20 to %scan3A_22 step %scan3A_23 iter_args(%scan3A_143 = %scan3A_19) -> (i32)  : i32 {
      %scan3A_144 = arith.constant 0 : i32
      %scan3A_145 = arith.constant 0 : i32
      %scan3A_146 = arith.constant 8 : i32
      %scan3A_147 = arith.addi %scan3A_145, %scan3A_146 : i32
      %scan3A_148 = arith.constant 1 : i32
      %scan3A_149 = scf.for %scan3A_152 = %scan3A_145 to %scan3A_147 step %scan3A_148 iter_args(%scan3A_153 = %scan3A_144) -> (i32)  : i32 {
        %mul3A_154 = arith.constant 16 : i32
        %mul3A_155 = arith.muli %scan3A_152, %mul3A_154 : i32
        %swap3A = arith.index_cast %scan3A_142 : i32 to index
        %swap3A_156 = arith.index_cast %mul3A_155 : i32 to index
        %swap3A_157 = tpu.vector_load %arg12[%swap3A, %swap3A_156] {strides = array<i32>} : memref<80x128xf32, #tpu.memory_space<vmem>>, vector<1x16xf32>,
        %swap3A_158 = vector.shape_cast %swap3A_157 : vector<1x16xf32> to vector<16xf32>
        %swap3A_159 = vector.shape_cast %broadcast_in_dim3A_18 : vector<16xf32> to vector<1x16xf32>
        tpu.vector_store %arg12[%swap3A, %swap3A_156], %swap3A_159 {strides = array<i32>} : memref<80x128xf32, #tpu.memory_space<vmem>>, vector<1x16xf32>,
        %scan3A_160 = arith.constant 0 : i32
        scf.yield %scan3A_160 : i32
      }
      %scan3A_150 = arith.constant 8 : i32
      %scan3A_151 = arith.constant 0 : i32
      scf.yield %scan3A_151 : i32
    }
    %scan3A_25 = arith.constant 80 : i32
    %scan3A_26 = arith.constant 0 : i32
    %scan3A_27 = arith.constant 0 : i32
    %scan3A_28 = arith.constant 25 : i32
    %scan3A_29 = arith.addi %scan3A_27, %scan3A_28 : i32
    %scan3A_30 = arith.constant 1 : i32
    %scan3A_31 = scf.for %scan3A_142 = %scan3A_27 to %scan3A_29 step %scan3A_30 iter_args(%scan3A_143 = %scan3A_26) -> (i32)  : i32 {
      %mul3A_144 = arith.constant 5 : i32
      %mul3A_145 = arith.muli %mul3A_144, %scan3A_142 : i32
      %add3A_146 = arith.constant 0 : i32
      %add3A_147 = arith.addi %mul3A_145, %add3A_146 : i32
      %dma_start3A_148 = arith.constant 0 : i32
      %dma_start3A_149 = tpu.memref_slice %arg11[%add3A_147, %dma_start3A_148] : memref<125x80xi32, #tpu.memory_space<vmem>> -> memref<1x80xi32, #tpu.memory_space<vmem>>
      %dma_start3A_150 = tpu.memref_squeeze %dma_start3A_149 : memref<1x80xi32, #tpu.memory_space<vmem>> -> memref<80xi32, #tpu.memory_space<vmem>>
      %dma_start3A_151 = arith.constant 0 : i32
      %dma_start3A_152 = arith.constant 0 : i32
      %dma_start3A_153 = tpu.memref_slice %arg14[%dma_start3A_151, %dma_start3A_152] : memref<10240x128xf32, #tpu.memory_space<vmem_shared>> -> memref<10240x128xf32, #tpu.memory_space<vmem_shared>>
      tpu.enqueue_indirect_dma source(%arg12 : memref<80x128xf32, #tpu.memory_space<vmem>>) target(%dma_start3A_153 : memref<10240x128xf32, #tpu.memory_space<vmem_shared>>) offsets(%dma_start3A_150 : memref<80xi32, #tpu.memory_space<vmem>>) semaphore(%arg21 : memref<!tpu.dma_semaphore, #tpu.memory_space<semaphore_mem>>) {add = true}
      %mul3A_154 = arith.constant 5 : i32
      %mul3A_155 = arith.muli %mul3A_154, %scan3A_142 : i32
      %add3A_156 = arith.constant 1 : i32
      %add3A_157 = arith.addi %mul3A_155, %add3A_156 : i32
      %dma_start3A_158 = arith.constant 0 : i32
      %dma_start3A_159 = tpu.memref_slice %arg11[%add3A_157, %dma_start3A_158] : memref<125x80xi32, #tpu.memory_space<vmem>> -> memref<1x80xi32, #tpu.memory_space<vmem>>
      %dma_start3A_160 = tpu.memref_squeeze %dma_start3A_159 : memref<1x80xi32, #tpu.memory_space<vmem>> -> memref<80xi32, #tpu.memory_space<vmem>>
      %dma_start3A_161 = arith.constant 0 : i32
      %dma_start3A_162 = arith.constant 0 : i32
      %dma_start3A_163 = tpu.memref_slice %arg14[%dma_start3A_161, %dma_start3A_162] : memref<10240x128xf32, #tpu.memory_space<vmem_shared>> -> memref<10240x128xf32, #tpu.memory_space<vmem_shared>>
      tpu.enqueue_indirect_dma source(%arg12 : memref<80x128xf32, #tpu.memory_space<vmem>>) target(%dma_start3A_163 : memref<10240x128xf32, #tpu.memory_space<vmem_shared>>) offsets(%dma_start3A_160 : memref<80xi32, #tpu.memory_space<vmem>>) semaphore(%arg21 : memref<!tpu.dma_semaphore, #tpu.memory_space<semaphore_mem>>) {add = true}
      %mul3A_164 = arith.constant 5 : i32
      %mul3A_165 = arith.muli %mul3A_164, %scan3A_142 : i32
      %add3A_166 = arith.constant 2 : i32
      %add3A_167 = arith.addi %mul3A_165, %add3A_166 : i32
      %dma_start3A_168 = arith.constant 0 : i32
      %dma_start3A_169 = tpu.memref_slice %arg11[%add3A_167, %dma_start3A_168] : memref<125x80xi32, #tpu.memory_space<vmem>> -> memref<1x80xi32, #tpu.memory_space<vmem>>
      %dma_start3A_170 = tpu.memref_squeeze %dma_start3A_169 : memref<1x80xi32, #tpu.memory_space<vmem>> -> memref<80xi32, #tpu.memory_space<vmem>>
      %dma_start3A_171 = arith.constant 0 : i32
      %dma_start3A_172 = arith.constant 0 : i32
      %dma_start3A_173 = tpu.memref_slice %arg14[%dma_start3A_171, %dma_start3A_172] : memref<10240x128xf32, #tpu.memory_space<vmem_shared>> -> memref<10240x128xf32, #tpu.memory_space<vmem_shared>>
      tpu.enqueue_indirect_dma source(%arg12 : memref<80x128xf32, #tpu.memory_space<vmem>>) target(%dma_start3A_173 : memref<10240x128xf32, #tpu.memory_space<vmem_shared>>) offsets(%dma_start3A_170 : memref<80xi32, #tpu.memory_space<vmem>>) semaphore(%arg21 : memref<!tpu.dma_semaphore, #tpu.memory_space<semaphore_mem>>) {add = true}
      %mul3A_174 = arith.constant 5 : i32
      %mul3A_175 = arith.muli %mul3A_174, %scan3A_142 : i32
      %add3A_176 = arith.constant 3 : i32
      %add3A_177 = arith.addi %mul3A_175, %add3A_176 : i32
      %dma_start3A_178 = arith.constant 0 : i32
      %dma_start3A_179 = tpu.memref_slice %arg11[%add3A_177, %dma_start3A_178] : memref<125x80xi32, #tpu.memory_space<vmem>> -> memref<1x80xi32, #tpu.memory_space<vmem>>
      %dma_start3A_180 = tpu.memref_squeeze %dma_start3A_179 : memref<1x80xi32, #tpu.memory_space<vmem>> -> memref<80xi32, #tpu.memory_space<vmem>>
      %dma_start3A_181 = arith.constant 0 : i32
      %dma_start3A_182 = arith.constant 0 : i32
      %dma_start3A_183 = tpu.memref_slice %arg14[%dma_start3A_181, %dma_start3A_182] : memref<10240x128xf32, #tpu.memory_space<vmem_shared>> -> memref<10240x128xf32, #tpu.memory_space<vmem_shared>>
      tpu.enqueue_indirect_dma source(%arg12 : memref<80x128xf32, #tpu.memory_space<vmem>>) target(%dma_start3A_183 : memref<10240x128xf32, #tpu.memory_space<vmem_shared>>) offsets(%dma_start3A_180 : memref<80xi32, #tpu.memory_space<vmem>>) semaphore(%arg21 : memref<!tpu.dma_semaphore, #tpu.memory_space<semaphore_mem>>) {add = true}
      %mul3A_184 = arith.constant 5 : i32
      %mul3A_185 = arith.muli %mul3A_184, %scan3A_142 : i32
      %add3A_186 = arith.constant 4 : i32
      %add3A_187 = arith.addi %mul3A_185, %add3A_186 : i32
      %dma_start3A_188 = arith.constant 0 : i32
      %dma_start3A_189 = tpu.memref_slice %arg11[%add3A_187, %dma_start3A_188] : memref<125x80xi32, #tpu.memory_space<vmem>> -> memref<1x80xi32, #tpu.memory_space<vmem>>
      %dma_start3A_190 = tpu.memref_squeeze %dma_start3A_189 : memref<1x80xi32, #tpu.memory_space<vmem>> -> memref<80xi32, #tpu.memory_space<vmem>>
      %dma_start3A_191 = arith.constant 0 : i32
      %dma_start3A_192 = arith.constant 0 : i32
      %dma_start3A_193 = tpu.memref_slice %arg14[%dma_start3A_191, %dma_start3A_192] : memref<10240x128xf32, #tpu.memory_space<vmem_shared>> -> memref<10240x128xf32, #tpu.memory_space<vmem_shared>>
      tpu.enqueue_indirect_dma source(%arg12 : memref<80x128xf32, #tpu.memory_space<vmem>>) target(%dma_start3A_193 : memref<10240x128xf32, #tpu.memory_space<vmem_shared>>) offsets(%dma_start3A_190 : memref<80xi32, #tpu.memory_space<vmem>>) semaphore(%arg21 : memref<!tpu.dma_semaphore, #tpu.memory_space<semaphore_mem>>) {add = true}
      %dma_wait3A_194 = arith.constant 0 : i32
      %dma_wait3A_195 = tpu.memref_slice %arg11[%add3A_147, %dma_wait3A_194] : memref<125x80xi32, #tpu.memory_space<vmem>> -> memref<1x80xi32, #tpu.memory_space<vmem>>
      %dma_wait3A_196 = tpu.memref_squeeze %dma_wait3A_195 : memref<1x80xi32, #tpu.memory_space<vmem>> -> memref<80xi32, #tpu.memory_space<vmem>>
      %dma_wait3A_197 = arith.constant 0 : i32
      %dma_wait3A_198 = arith.constant 0 : i32
      %dma_wait3A_199 = tpu.memref_slice %arg14[%dma_wait3A_197, %dma_wait3A_198] : memref<10240x128xf32, #tpu.memory_space<vmem_shared>> -> memref<10240x128xf32, #tpu.memory_space<vmem_shared>>
      tpu.wait_indirect_dma semaphore(%arg21 : memref<!tpu.dma_semaphore, #tpu.memory_space<semaphore_mem>>) src(%arg12 : memref<80x128xf32, #tpu.memory_space<vmem>>) dst(%dma_wait3A_199 : memref<10240x128xf32, #tpu.memory_space<vmem_shared>>)
      %dma_wait3A_200 = arith.constant 0 : i32
      %dma_wait3A_201 = tpu.memref_slice %arg11[%add3A_157, %dma_wait3A_200] : memref<125x80xi32, #tpu.memory_space<vmem>> -> memref<1x80xi32, #tpu.memory_space<vmem>>
      %dma_wait3A_202 = tpu.memref_squeeze %dma_wait3A_201 : memref<1x80xi32, #tpu.memory_space<vmem>> -> memref<80xi32, #tpu.memory_space<vmem>>
      %dma_wait3A_203 = arith.constant 0 : i32
      %dma_wait3A_204 = arith.constant 0 : i32
      %dma_wait3A_205 = tpu.memref_slice %arg14[%dma_wait3A_203, %dma_wait3A_204] : memref<10240x128xf32, #tpu.memory_space<vmem_shared>> -> memref<10240x128xf32, #tpu.memory_space<vmem_shared>>
      tpu.wait_indirect_dma semaphore(%arg21 : memref<!tpu.dma_semaphore, #tpu.memory_space<semaphore_mem>>) src(%arg12 : memref<80x128xf32, #tpu.memory_space<vmem>>) dst(%dma_wait3A_205 : memref<10240x128xf32, #tpu.memory_space<vmem_shared>>)
      %dma_wait3A_206 = arith.constant 0 : i32
      %dma_wait3A_207 = tpu.memref_slice %arg11[%add3A_167, %dma_wait3A_206] : memref<125x80xi32, #tpu.memory_space<vmem>> -> memref<1x80xi32, #tpu.memory_space<vmem>>
      %dma_wait3A_208 = tpu.memref_squeeze %dma_wait3A_207 : memref<1x80xi32, #tpu.memory_space<vmem>> -> memref<80xi32, #tpu.memory_space<vmem>>
      %dma_wait3A_209 = arith.constant 0 : i32
      %dma_wait3A_210 = arith.constant 0 : i32
      %dma_wait3A_211 = tpu.memref_slice %arg14[%dma_wait3A_209, %dma_wait3A_210] : memref<10240x128xf32, #tpu.memory_space<vmem_shared>> -> memref<10240x128xf32, #tpu.memory_space<vmem_shared>>
      tpu.wait_indirect_dma semaphore(%arg21 : memref<!tpu.dma_semaphore, #tpu.memory_space<semaphore_mem>>) src(%arg12 : memref<80x128xf32, #tpu.memory_space<vmem>>) dst(%dma_wait3A_211 : memref<10240x128xf32, #tpu.memory_space<vmem_shared>>)
      %dma_wait3A_212 = arith.constant 0 : i32
      %dma_wait3A_213 = tpu.memref_slice %arg11[%add3A_177, %dma_wait3A_212] : memref<125x80xi32, #tpu.memory_space<vmem>> -> memref<1x80xi32, #tpu.memory_space<vmem>>
      %dma_wait3A_214 = tpu.memref_squeeze %dma_wait3A_213 : memref<1x80xi32, #tpu.memory_space<vmem>> -> memref<80xi32, #tpu.memory_space<vmem>>
      %dma_wait3A_215 = arith.constant 0 : i32
      %dma_wait3A_216 = arith.constant 0 : i32
      %dma_wait3A_217 = tpu.memref_slice %arg14[%dma_wait3A_215, %dma_wait3A_216] : memref<10240x128xf32, #tpu.memory_space<vmem_shared>> -> memref<10240x128xf32, #tpu.memory_space<vmem_shared>>
      tpu.wait_indirect_dma semaphore(%arg21 : memref<!tpu.dma_semaphore, #tpu.memory_space<semaphore_mem>>) src(%arg12 : memref<80x128xf32, #tpu.memory_space<vmem>>) dst(%dma_wait3A_217 : memref<10240x128xf32, #tpu.memory_space<vmem_shared>>)
      %dma_wait3A_218 = arith.constant 0 : i32
      %dma_wait3A_219 = tpu.memref_slice %arg11[%add3A_187, %dma_wait3A_218] : memref<125x80xi32, #tpu.memory_space<vmem>> -> memref<1x80xi32, #tpu.memory_space<vmem>>
      %dma_wait3A_220 = tpu.memref_squeeze %dma_wait3A_219 : memref<1x80xi32, #tpu.memory_space<vmem>> -> memref<80xi32, #tpu.memory_space<vmem>>
      %dma_wait3A_221 = arith.constant 0 : i32
      %dma_wait3A_222 = arith.constant 0 : i32
      %dma_wait3A_223 = tpu.memref_slice %arg14[%dma_wait3A_221, %dma_wait3A_222] : memref<10240x128xf32, #tpu.memory_space<vmem_shared>> -> memref<10240x128xf32, #tpu.memory_space<vmem_shared>>
      tpu.wait_indirect_dma semaphore(%arg21 : memref<!tpu.dma_semaphore, #tpu.memory_space<semaphore_mem>>) src(%arg12 : memref<80x128xf32, #tpu.memory_space<vmem>>) dst(%dma_wait3A_223 : memref<10240x128xf32, #tpu.memory_space<vmem_shared>>)
      %scan3A_224 = arith.constant 0 : i32
      scf.yield %scan3A_224 : i32
    }
    %scan3A_32 = arith.constant 25 : i32
    %barrier3A_33 = arith.constant 0 : index
    tpu.barrier barrier_id(%barrier3A_33)
    "tpu.region"() ({
      %run_scoped3A_142 = tpu.sem_alloc : memref<!tpu.dma_semaphore, #tpu.memory_space<semaphore_mem>>
      %dma_start3A_143 = arith.constant 0 : i32
      %dma_start3A_144 = tpu.memref_slice %arg6[%arg0, %mul3A_2, %dma_start3A_143] : memref<2x10240x128xf32, #tpu.memory_space<hbm>> -> memref<1x640x128xf32, #tpu.memory_space<hbm>>
      %dma_start3A_145 = tpu.memref_squeeze %dma_start3A_144 : memref<1x640x128xf32, #tpu.memory_space<hbm>> -> memref<640x128xf32, #tpu.memory_space<hbm>>
      %dma_start3A_146 = arith.constant 0 : i32
      %dma_start3A_147 = tpu.memref_slice %arg14[%mul3A_2, %dma_start3A_146] : memref<10240x128xf32, #tpu.memory_space<vmem_shared>> -> memref<640x128xf32, #tpu.memory_space<vmem_shared>>
      tpu.enqueue_dma source(%dma_start3A_147 : memref<640x128xf32, #tpu.memory_space<vmem_shared>>) target(%dma_start3A_145 : memref<640x128xf32, #tpu.memory_space<hbm>>) target_semaphore(%run_scoped3A_142 : memref<!tpu.dma_semaphore, #tpu.memory_space<semaphore_mem>>)
      %dma_wait3A_148 = arith.constant 0 : i32
      %dma_wait3A_149 = tpu.memref_slice %arg6[%arg0, %mul3A_2, %dma_wait3A_148] : memref<2x10240x128xf32, #tpu.memory_space<hbm>> -> memref<1x640x128xf32, #tpu.memory_space<hbm>>
      %dma_wait3A_150 = tpu.memref_squeeze %dma_wait3A_149 : memref<1x640x128xf32, #tpu.memory_space<hbm>> -> memref<640x128xf32, #tpu.memory_space<hbm>>
      %dma_wait3A_151 = arith.constant 0 : i32
      %dma_wait3A_152 = tpu.memref_slice %arg14[%mul3A_2, %dma_wait3A_151] : memref<10240x128xf32, #tpu.memory_space<vmem_shared>> -> memref<640x128xf32, #tpu.memory_space<vmem_shared>>
      tpu.wait_dma2 semaphore(%run_scoped3A_142 : memref<!tpu.dma_semaphore, #tpu.memory_space<semaphore_mem>>) src(%dma_wait3A_152 : memref<640x128xf32, #tpu.memory_space<vmem_shared>>) dst(%dma_wait3A_150 : memref<640x128xf32, #tpu.memory_space<hbm>>)
      tpu.yield
    }) : () -> ()
    %broadcast_in_dim3A_34 = arith.constant 0.000000e+00 : f32
    %broadcast_in_dim3A_35 = vector.broadcast %broadcast_in_dim3A_34 : f32 to vector<16xf32>
    %scan3A_36 = arith.constant 0 : i32
    %scan3A_37 = arith.constant 0 : i32
    %scan3A_38 = arith.constant 80 : i32
    %scan3A_39 = arith.addi %scan3A_37, %scan3A_38 : i32
    %scan3A_40 = arith.constant 1 : i32
    %scan3A_41 = scf.for %scan3A_142 = %scan3A_37 to %scan3A_39 step %scan3A_40 iter_args(%scan3A_143 = %scan3A_36) -> (i32)  : i32 {
      %scan3A_144 = arith.constant 0 : i32
      %scan3A_145 = arith.constant 0 : i32
      %scan3A_146 = arith.constant 8 : i32
      %scan3A_147 = arith.addi %scan3A_145, %scan3A_146 : i32
      %scan3A_148 = arith.constant 1 : i32
      %scan3A_149 = scf.for %scan3A_152 = %scan3A_145 to %scan3A_147 step %scan3A_148 iter_args(%scan3A_153 = %scan3A_144) -> (i32)  : i32 {
        %mul3A_154 = arith.constant 16 : i32
        %mul3A_155 = arith.muli %scan3A_152, %mul3A_154 : i32
        %swap3A = arith.index_cast %scan3A_142 : i32 to index
        %swap3A_156 = arith.index_cast %mul3A_155 : i32 to index
        %swap3A_157 = tpu.vector_load %arg12[%swap3A, %swap3A_156] {strides = array<i32>} : memref<80x128xf32, #tpu.memory_space<vmem>>, vector<1x16xf32>,
        %swap3A_158 = vector.shape_cast %swap3A_157 : vector<1x16xf32> to vector<16xf32>
        %swap3A_159 = vector.shape_cast %broadcast_in_dim3A_35 : vector<16xf32> to vector<1x16xf32>
        tpu.vector_store %arg12[%swap3A, %swap3A_156], %swap3A_159 {strides = array<i32>} : memref<80x128xf32, #tpu.memory_space<vmem>>, vector<1x16xf32>,
        %scan3A_160 = arith.constant 0 : i32
        scf.yield %scan3A_160 : i32
      }
      %scan3A_150 = arith.constant 8 : i32
      %scan3A_151 = arith.constant 0 : i32
      scf.yield %scan3A_151 : i32
    }
    %scan3A_42 = arith.constant 80 : i32
    %scan3A_43 = arith.constant 0 : i32
    %scan3A_44 = arith.constant 0 : i32
    %scan3A_45 = arith.constant 8 : i32
    %scan3A_46 = arith.addi %scan3A_44, %scan3A_45 : i32
    %scan3A_47 = arith.constant 1 : i32
    %scan3A_48 = scf.for %scan3A_142 = %scan3A_44 to %scan3A_46 step %scan3A_47 iter_args(%scan3A_143 = %scan3A_43) -> (i32)  : i32 {
      %mul3A_144 = arith.constant 80 : i32
      %mul3A_145 = arith.muli %scan3A_142, %mul3A_144 : i32
      %add3A_146 = arith.addi %mul3A_2, %mul3A_145 : i32
      "tpu.region"() ({
        %run_scoped3A_148 = tpu.sem_alloc : memref<!tpu.dma_semaphore, #tpu.memory_space<semaphore_mem>>
        %dma_start3A_149 = arith.constant 0 : i32
        %dma_start3A_150 = tpu.memref_slice %arg14[%add3A_146, %dma_start3A_149] : memref<10240x128xf32, #tpu.memory_space<vmem_shared>> -> memref<80x128xf32, #tpu.memory_space<vmem_shared>>
        %dma_start3A_151 = arith.constant 0 : i32
        %dma_start3A_152 = tpu.memref_slice %arg14[%add3A_146, %dma_start3A_151] : memref<10240x128xf32, #tpu.memory_space<vmem_shared>> -> memref<80x128xf32, #tpu.memory_space<vmem_shared>>
        tpu.enqueue_dma source(%arg12 : memref<80x128xf32, #tpu.memory_space<vmem>>) target(%dma_start3A_152 : memref<80x128xf32, #tpu.memory_space<vmem_shared>>) target_semaphore(%run_scoped3A_148 : memref<!tpu.dma_semaphore, #tpu.memory_space<semaphore_mem>>)
        %dma_wait3A_153 = arith.constant 0 : i32
        %dma_wait3A_154 = tpu.memref_slice %arg14[%add3A_146, %dma_wait3A_153] : memref<10240x128xf32, #tpu.memory_space<vmem_shared>> -> memref<80x128xf32, #tpu.memory_space<vmem_shared>>
        %dma_wait3A_155 = arith.constant 0 : i32
        %dma_wait3A_156 = tpu.memref_slice %arg14[%add3A_146, %dma_wait3A_155] : memref<10240x128xf32, #tpu.memory_space<vmem_shared>> -> memref<80x128xf32, #tpu.memory_space<vmem_shared>>
        tpu.wait_dma2 semaphore(%run_scoped3A_148 : memref<!tpu.dma_semaphore, #tpu.memory_space<semaphore_mem>>) src(%arg12 : memref<80x128xf32, #tpu.memory_space<vmem>>) dst(%dma_wait3A_156 : memref<80x128xf32, #tpu.memory_space<vmem_shared>>)
        tpu.yield
      }) : () -> ()
      %scan3A_147 = arith.constant 0 : i32
      scf.yield %scan3A_147 : i32
    }
    %scan3A_49 = arith.constant 8 : i32
    %barrier3A_50 = arith.constant 0 : index
    tpu.barrier barrier_id(%barrier3A_50)
    %mul3A_51 = arith.constant 125 : i32
    %mul3A_52 = arith.muli %add3A, %mul3A_51 : i32
    %mul3A_53 = arith.constant 80 : i32
    %mul3A_54 = arith.muli %mul3A_52, %mul3A_53 : i32
    "tpu.region"() ({
      %run_scoped3A_142 = tpu.sem_alloc : memref<!tpu.dma_semaphore, #tpu.memory_space<semaphore_mem>>
      %dma_start3A_143 = tpu.memref_slice %arg3[%mul3A_54] : memref<320000xi32, #tpu.memory_space<hbm>> -> memref<80xi32, #tpu.memory_space<hbm>>
      %dma_start3A_144 = tpu.memref_slice %arg3[%mul3A_54] : memref<320000xi32, #tpu.memory_space<hbm>> -> memref<80xi32, #tpu.memory_space<hbm>>
      tpu.enqueue_dma source(%dma_start3A_144 : memref<80xi32, #tpu.memory_space<hbm>>) target(%arg7 : memref<80xi32, #tpu.memory_space<vmem>>) target_semaphore(%run_scoped3A_142 : memref<!tpu.dma_semaphore, #tpu.memory_space<semaphore_mem>>)
      %dma_wait3A_145 = tpu.memref_slice %arg3[%mul3A_54] : memref<320000xi32, #tpu.memory_space<hbm>> -> memref<80xi32, #tpu.memory_space<hbm>>
      %dma_wait3A_146 = tpu.memref_slice %arg3[%mul3A_54] : memref<320000xi32, #tpu.memory_space<hbm>> -> memref<80xi32, #tpu.memory_space<hbm>>
      tpu.wait_dma2 semaphore(%run_scoped3A_142 : memref<!tpu.dma_semaphore, #tpu.memory_space<semaphore_mem>>) src(%dma_wait3A_146 : memref<80xi32, #tpu.memory_space<hbm>>) dst(%arg7 : memref<80xi32, #tpu.memory_space<vmem>>)
      tpu.yield
    }) : () -> ()
    %add3A_55 = arith.constant 80 : i32
    %add3A_56 = arith.addi %mul3A_54, %add3A_55 : i32
    %dma_start3A = tpu.memref_slice %arg3[%add3A_56] : memref<320000xi32, #tpu.memory_space<hbm>> -> memref<80xi32, #tpu.memory_space<hbm>>
    %dma_start3A_57 = tpu.memref_slice %arg3[%add3A_56] : memref<320000xi32, #tpu.memory_space<hbm>> -> memref<80xi32, #tpu.memory_space<hbm>>
    tpu.enqueue_dma source(%dma_start3A_57 : memref<80xi32, #tpu.memory_space<hbm>>) target(%arg8 : memref<80xi32, #tpu.memory_space<vmem>>) target_semaphore(%arg16 : memref<!tpu.dma_semaphore, #tpu.memory_space<semaphore_mem>>)
    %add3A_58 = arith.constant 160 : i32
    %add3A_59 = arith.addi %mul3A_54, %add3A_58 : i32
    %dma_start3A_60 = tpu.memref_slice %arg3[%add3A_59] : memref<320000xi32, #tpu.memory_space<hbm>> -> memref<80xi32, #tpu.memory_space<hbm>>
    %dma_start3A_61 = tpu.memref_slice %arg3[%add3A_59] : memref<320000xi32, #tpu.memory_space<hbm>> -> memref<80xi32, #tpu.memory_space<hbm>>
    tpu.enqueue_dma source(%dma_start3A_61 : memref<80xi32, #tpu.memory_space<hbm>>) target(%arg9 : memref<80xi32, #tpu.memory_space<vmem>>) target_semaphore(%arg17 : memref<!tpu.dma_semaphore, #tpu.memory_space<semaphore_mem>>)
    %add3A_62 = arith.constant 240 : i32
    %add3A_63 = arith.addi %mul3A_54, %add3A_62 : i32
    %dma_start3A_64 = tpu.memref_slice %arg3[%add3A_63] : memref<320000xi32, #tpu.memory_space<hbm>> -> memref<80xi32, #tpu.memory_space<hbm>>
    %dma_start3A_65 = tpu.memref_slice %arg3[%add3A_63] : memref<320000xi32, #tpu.memory_space<hbm>> -> memref<80xi32, #tpu.memory_space<hbm>>
    tpu.enqueue_dma source(%dma_start3A_65 : memref<80xi32, #tpu.memory_space<hbm>>) target(%arg10 : memref<80xi32, #tpu.memory_space<vmem>>) target_semaphore(%arg18 : memref<!tpu.dma_semaphore, #tpu.memory_space<semaphore_mem>>)
    %dma_start3A_66 = arith.constant 0 : i32
    %dma_start3A_67 = arith.constant 0 : i32
    %dma_start3A_68 = tpu.memref_slice %arg2[%dma_start3A_66, %dma_start3A_67] : memref<10240x128xf32, #tpu.memory_space<hbm>> -> memref<10240x128xf32, #tpu.memory_space<hbm>>
    tpu.enqueue_indirect_dma source(%dma_start3A_68 : memref<10240x128xf32, #tpu.memory_space<hbm>>) target(%arg12 : memref<80x128xf32, #tpu.memory_space<vmem>>) offsets(%arg7 : memref<80xi32, #tpu.memory_space<vmem>>) semaphore(%arg19 : memref<!tpu.dma_semaphore, #tpu.memory_space<semaphore_mem>>)
    %scan3A_69 = arith.constant 0 : i32
    %scan3A_70 = arith.constant 0 : i32
    %scan3A_71 = arith.constant 30 : i32
    %scan3A_72 = arith.addi %scan3A_70, %scan3A_71 : i32
    %scan3A_73 = arith.constant 1 : i32
    %scan3A_74 = scf.for %scan3A_142 = %scan3A_70 to %scan3A_72 step %scan3A_73 iter_args(%scan3A_143 = %scan3A_69) -> (i32)  : i32 {
      %mul3A_144 = arith.constant 4 : i32
      %mul3A_145 = arith.muli %mul3A_144, %scan3A_142 : i32
      %dma_wait3A_146 = arith.constant 0 : i32
      %dma_wait3A_147 = tpu.memref_slice %arg3[%dma_wait3A_146] : memref<320000xi32, #tpu.memory_space<hbm>> -> memref<80xi32, #tpu.memory_space<hbm>>
      %dma_wait3A_148 = arith.constant 0 : i32
      %dma_wait3A_149 = tpu.memref_slice %arg3[%dma_wait3A_148] : memref<320000xi32, #tpu.memory_space<hbm>> -> memref<80xi32, #tpu.memory_space<hbm>>
      tpu.wait_dma2 semaphore(%arg16 : memref<!tpu.dma_semaphore, #tpu.memory_space<semaphore_mem>>) src(%dma_wait3A_149 : memref<80xi32, #tpu.memory_space<hbm>>) dst(%arg8 : memref<80xi32, #tpu.memory_space<vmem>>)
      %dma_start3A_150 = arith.constant 0 : i32
      %dma_start3A_151 = arith.constant 0 : i32
      %dma_start3A_152 = tpu.memref_slice %arg2[%dma_start3A_150, %dma_start3A_151] : memref<10240x128xf32, #tpu.memory_space<hbm>> -> memref<10240x128xf32, #tpu.memory_space<hbm>>
      tpu.enqueue_indirect_dma source(%dma_start3A_152 : memref<10240x128xf32, #tpu.memory_space<hbm>>) target(%arg13 : memref<80x128xf32, #tpu.memory_space<vmem>>) offsets(%arg8 : memref<80xi32, #tpu.memory_space<vmem>>) semaphore(%arg20 : memref<!tpu.dma_semaphore, #tpu.memory_space<semaphore_mem>>)
      %dma_wait3A_153 = arith.constant 0 : i32
      %dma_wait3A_154 = arith.constant 0 : i32
      %dma_wait3A_155 = tpu.memref_slice %arg2[%dma_wait3A_153, %dma_wait3A_154] : memref<10240x128xf32, #tpu.memory_space<hbm>> -> memref<80x128xf32, #tpu.memory_space<hbm>>
      %dma_wait3A_156 = arith.constant 0 : i32
      %dma_wait3A_157 = arith.constant 0 : i32
      %dma_wait3A_158 = tpu.memref_slice %arg2[%dma_wait3A_156, %dma_wait3A_157] : memref<10240x128xf32, #tpu.memory_space<hbm>> -> memref<80x128xf32, #tpu.memory_space<hbm>>
      tpu.wait_dma2 semaphore(%arg19 : memref<!tpu.dma_semaphore, #tpu.memory_space<semaphore_mem>>) src(%dma_wait3A_158 : memref<80x128xf32, #tpu.memory_space<hbm>>) dst(%arg12 : memref<80x128xf32, #tpu.memory_space<vmem>>)
      %add3A_159 = arith.constant 4 : i32
      %add3A_160 = arith.addi %mul3A_145, %add3A_159 : i32
      %mul3A_161 = arith.constant 80 : i32
      %mul3A_162 = arith.muli %add3A_160, %mul3A_161 : i32
      %add3A_163 = arith.addi %mul3A_54, %mul3A_162 : i32
      %dma_start3A_164 = tpu.memref_slice %arg3[%add3A_163] : memref<320000xi32, #tpu.memory_space<hbm>> -> memref<80xi32, #tpu.memory_space<hbm>>
      %dma_start3A_165 = tpu.memref_slice %arg3[%add3A_163] : memref<320000xi32, #tpu.memory_space<hbm>> -> memref<80xi32, #tpu.memory_space<hbm>>
      tpu.enqueue_dma source(%dma_start3A_165 : memref<80xi32, #tpu.memory_space<hbm>>) target(%arg7 : memref<80xi32, #tpu.memory_space<vmem>>) target_semaphore(%arg15 : memref<!tpu.dma_semaphore, #tpu.memory_space<semaphore_mem>>)
      "tpu.region"() ({
        %run_scoped3A_233 = tpu.sem_alloc : memref<!tpu.dma_semaphore, #tpu.memory_space<semaphore_mem>>
        %dma_start3A_234 = arith.constant 0 : i32
        %dma_start3A_235 = tpu.memref_slice %arg11[%mul3A_145, %dma_start3A_234] : memref<125x80xi32, #tpu.memory_space<vmem>> -> memref<1x80xi32, #tpu.memory_space<vmem>>
        %dma_start3A_236 = tpu.memref_squeeze %dma_start3A_235 : memref<1x80xi32, #tpu.memory_space<vmem>> -> memref<80xi32, #tpu.memory_space<vmem>>
        %dma_start3A_237 = arith.constant 0 : i32
        %dma_start3A_238 = arith.constant 0 : i32
        %dma_start3A_239 = tpu.memref_slice %arg14[%dma_start3A_237, %dma_start3A_238] : memref<10240x128xf32, #tpu.memory_space<vmem_shared>> -> memref<10240x128xf32, #tpu.memory_space<vmem_shared>>
        tpu.enqueue_indirect_dma source(%arg12 : memref<80x128xf32, #tpu.memory_space<vmem>>) target(%dma_start3A_239 : memref<10240x128xf32, #tpu.memory_space<vmem_shared>>) offsets(%dma_start3A_236 : memref<80xi32, #tpu.memory_space<vmem>>) semaphore(%run_scoped3A_233 : memref<!tpu.dma_semaphore, #tpu.memory_space<semaphore_mem>>) {add = true}
        %dma_wait3A_240 = arith.constant 0 : i32
        %dma_wait3A_241 = tpu.memref_slice %arg11[%mul3A_145, %dma_wait3A_240] : memref<125x80xi32, #tpu.memory_space<vmem>> -> memref<1x80xi32, #tpu.memory_space<vmem>>
        %dma_wait3A_242 = tpu.memref_squeeze %dma_wait3A_241 : memref<1x80xi32, #tpu.memory_space<vmem>> -> memref<80xi32, #tpu.memory_space<vmem>>
        %dma_wait3A_243 = arith.constant 0 : i32
        %dma_wait3A_244 = arith.constant 0 : i32
        %dma_wait3A_245 = tpu.memref_slice %arg14[%dma_wait3A_243, %dma_wait3A_244] : memref<10240x128xf32, #tpu.memory_space<vmem_shared>> -> memref<10240x128xf32, #tpu.memory_space<vmem_shared>>
        tpu.wait_indirect_dma semaphore(%run_scoped3A_233 : memref<!tpu.dma_semaphore, #tpu.memory_space<semaphore_mem>>) src(%arg12 : memref<80x128xf32, #tpu.memory_space<vmem>>) dst(%dma_wait3A_245 : memref<10240x128xf32, #tpu.memory_space<vmem_shared>>)
        tpu.yield
      }) : () -> ()
      %add3A_166 = arith.constant 1 : i32
      %add3A_167 = arith.addi %mul3A_145, %add3A_166 : i32
      %dma_wait3A_168 = arith.constant 0 : i32
      %dma_wait3A_169 = tpu.memref_slice %arg3[%dma_wait3A_168] : memref<320000xi32, #tpu.memory_space<hbm>> -> memref<80xi32, #tpu.memory_space<hbm>>
      %dma_wait3A_170 = arith.constant 0 : i32
      %dma_wait3A_171 = tpu.memref_slice %arg3[%dma_wait3A_170] : memref<320000xi32, #tpu.memory_space<hbm>> -> memref<80xi32, #tpu.memory_space<hbm>>
      tpu.wait_dma2 semaphore(%arg17 : memref<!tpu.dma_semaphore, #tpu.memory_space<semaphore_mem>>) src(%dma_wait3A_171 : memref<80xi32, #tpu.memory_space<hbm>>) dst(%arg9 : memref<80xi32, #tpu.memory_space<vmem>>)
      %dma_start3A_172 = arith.constant 0 : i32
      %dma_start3A_173 = arith.constant 0 : i32
      %dma_start3A_174 = tpu.memref_slice %arg2[%dma_start3A_172, %dma_start3A_173] : memref<10240x128xf32, #tpu.memory_space<hbm>> -> memref<10240x128xf32, #tpu.memory_space<hbm>>
      tpu.enqueue_indirect_dma source(%dma_start3A_174 : memref<10240x128xf32, #tpu.memory_space<hbm>>) target(%arg12 : memref<80x128xf32, #tpu.memory_space<vmem>>) offsets(%arg9 : memref<80xi32, #tpu.memory_space<vmem>>) semaphore(%arg19 : memref<!tpu.dma_semaphore, #tpu.memory_space<semaphore_mem>>)
      %dma_wait3A_175 = arith.constant 0 : i32
      %dma_wait3A_176 = arith.constant 0 : i32
      %dma_wait3A_177 = tpu.memref_slice %arg2[%dma_wait3A_175, %dma_wait3A_176] : memref<10240x128xf32, #tpu.memory_space<hbm>> -> memref<80x128xf32, #tpu.memory_space<hbm>>
      %dma_wait3A_178 = arith.constant 0 : i32
      %dma_wait3A_179 = arith.constant 0 : i32
      %dma_wait3A_180 = tpu.memref_slice %arg2[%dma_wait3A_178, %dma_wait3A_179] : memref<10240x128xf32, #tpu.memory_space<hbm>> -> memref<80x128xf32, #tpu.memory_space<hbm>>
      tpu.wait_dma2 semaphore(%arg20 : memref<!tpu.dma_semaphore, #tpu.memory_space<semaphore_mem>>) src(%dma_wait3A_180 : memref<80x128xf32, #tpu.memory_space<hbm>>) dst(%arg13 : memref<80x128xf32, #tpu.memory_space<vmem>>)
      %add3A_181 = arith.constant 4 : i32
      %add3A_182 = arith.addi %add3A_167, %add3A_181 : i32
      %mul3A_183 = arith.constant 80 : i32
      %mul3A_184 = arith.muli %add3A_182, %mul3A_183 : i32
      %add3A_185 = arith.addi %mul3A_54, %mul3A_184 : i32
      %dma_start3A_186 = tpu.memref_slice %arg3[%add3A_185] : memref<320000xi32, #tpu.memory_space<hbm>> -> memref<80xi32, #tpu.memory_space<hbm>>
      %dma_start3A_187 = tpu.memref_slice %arg3[%add3A_185] : memref<320000xi32, #tpu.memory_space<hbm>> -> memref<80xi32, #tpu.memory_space<hbm>>
      tpu.enqueue_dma source(%dma_start3A_187 : memref<80xi32, #tpu.memory_space<hbm>>) target(%arg8 : memref<80xi32, #tpu.memory_space<vmem>>) target_semaphore(%arg16 : memref<!tpu.dma_semaphore, #tpu.memory_space<semaphore_mem>>)
      "tpu.region"() ({
        %run_scoped3A_233 = tpu.sem_alloc : memref<!tpu.dma_semaphore, #tpu.memory_space<semaphore_mem>>
        %dma_start3A_234 = arith.constant 0 : i32
        %dma_start3A_235 = tpu.memref_slice %arg11[%add3A_167, %dma_start3A_234] : memref<125x80xi32, #tpu.memory_space<vmem>> -> memref<1x80xi32, #tpu.memory_space<vmem>>
        %dma_start3A_236 = tpu.memref_squeeze %dma_start3A_235 : memref<1x80xi32, #tpu.memory_space<vmem>> -> memref<80xi32, #tpu.memory_space<vmem>>
        %dma_start3A_237 = arith.constant 0 : i32
        %dma_start3A_238 = arith.constant 0 : i32
        %dma_start3A_239 = tpu.memref_slice %arg14[%dma_start3A_237, %dma_start3A_238] : memref<10240x128xf32, #tpu.memory_space<vmem_shared>> -> memref<10240x128xf32, #tpu.memory_space<vmem_shared>>
        tpu.enqueue_indirect_dma source(%arg13 : memref<80x128xf32, #tpu.memory_space<vmem>>) target(%dma_start3A_239 : memref<10240x128xf32, #tpu.memory_space<vmem_shared>>) offsets(%dma_start3A_236 : memref<80xi32, #tpu.memory_space<vmem>>) semaphore(%run_scoped3A_233 : memref<!tpu.dma_semaphore, #tpu.memory_space<semaphore_mem>>) {add = true}
        %dma_wait3A_240 = arith.constant 0 : i32
        %dma_wait3A_241 = tpu.memref_slice %arg11[%add3A_167, %dma_wait3A_240] : memref<125x80xi32, #tpu.memory_space<vmem>> -> memref<1x80xi32, #tpu.memory_space<vmem>>
        %dma_wait3A_242 = tpu.memref_squeeze %dma_wait3A_241 : memref<1x80xi32, #tpu.memory_space<vmem>> -> memref<80xi32, #tpu.memory_space<vmem>>
        %dma_wait3A_243 = arith.constant 0 : i32
        %dma_wait3A_244 = arith.constant 0 : i32
        %dma_wait3A_245 = tpu.memref_slice %arg14[%dma_wait3A_243, %dma_wait3A_244] : memref<10240x128xf32, #tpu.memory_space<vmem_shared>> -> memref<10240x128xf32, #tpu.memory_space<vmem_shared>>
        tpu.wait_indirect_dma semaphore(%run_scoped3A_233 : memref<!tpu.dma_semaphore, #tpu.memory_space<semaphore_mem>>) src(%arg13 : memref<80x128xf32, #tpu.memory_space<vmem>>) dst(%dma_wait3A_245 : memref<10240x128xf32, #tpu.memory_space<vmem_shared>>)
        tpu.yield
      }) : () -> ()
      %add3A_188 = arith.constant 2 : i32
      %add3A_189 = arith.addi %mul3A_145, %add3A_188 : i32
      %dma_wait3A_190 = arith.constant 0 : i32
      %dma_wait3A_191 = tpu.memref_slice %arg3[%dma_wait3A_190] : memref<320000xi32, #tpu.memory_space<hbm>> -> memref<80xi32, #tpu.memory_space<hbm>>
      %dma_wait3A_192 = arith.constant 0 : i32
      %dma_wait3A_193 = tpu.memref_slice %arg3[%dma_wait3A_192] : memref<320000xi32, #tpu.memory_space<hbm>> -> memref<80xi32, #tpu.memory_space<hbm>>
      tpu.wait_dma2 semaphore(%arg18 : memref<!tpu.dma_semaphore, #tpu.memory_space<semaphore_mem>>) src(%dma_wait3A_193 : memref<80xi32, #tpu.memory_space<hbm>>) dst(%arg10 : memref<80xi32, #tpu.memory_space<vmem>>)
      %dma_start3A_194 = arith.constant 0 : i32
      %dma_start3A_195 = arith.constant 0 : i32
      %dma_start3A_196 = tpu.memref_slice %arg2[%dma_start3A_194, %dma_start3A_195] : memref<10240x128xf32, #tpu.memory_space<hbm>> -> memref<10240x128xf32, #tpu.memory_space<hbm>>
      tpu.enqueue_indirect_dma source(%dma_start3A_196 : memref<10240x128xf32, #tpu.memory_space<hbm>>) target(%arg13 : memref<80x128xf32, #tpu.memory_space<vmem>>) offsets(%arg10 : memref<80xi32, #tpu.memory_space<vmem>>) semaphore(%arg20 : memref<!tpu.dma_semaphore, #tpu.memory_space<semaphore_mem>>)
      %dma_wait3A_197 = arith.constant 0 : i32
      %dma_wait3A_198 = arith.constant 0 : i32
      %dma_wait3A_199 = tpu.memref_slice %arg2[%dma_wait3A_197, %dma_wait3A_198] : memref<10240x128xf32, #tpu.memory_space<hbm>> -> memref<80x128xf32, #tpu.memory_space<hbm>>
      %dma_wait3A_200 = arith.constant 0 : i32
      %dma_wait3A_201 = arith.constant 0 : i32
      %dma_wait3A_202 = tpu.memref_slice %arg2[%dma_wait3A_200, %dma_wait3A_201] : memref<10240x128xf32, #tpu.memory_space<hbm>> -> memref<80x128xf32, #tpu.memory_space<hbm>>
      tpu.wait_dma2 semaphore(%arg19 : memref<!tpu.dma_semaphore, #tpu.memory_space<semaphore_mem>>) src(%dma_wait3A_202 : memref<80x128xf32, #tpu.memory_space<hbm>>) dst(%arg12 : memref<80x128xf32, #tpu.memory_space<vmem>>)
      %add3A_203 = arith.constant 4 : i32
      %add3A_204 = arith.addi %add3A_189, %add3A_203 : i32
      %mul3A_205 = arith.constant 80 : i32
      %mul3A_206 = arith.muli %add3A_204, %mul3A_205 : i32
      %add3A_207 = arith.addi %mul3A_54, %mul3A_206 : i32
      %dma_start3A_208 = tpu.memref_slice %arg3[%add3A_207] : memref<320000xi32, #tpu.memory_space<hbm>> -> memref<80xi32, #tpu.memory_space<hbm>>
      %dma_start3A_209 = tpu.memref_slice %arg3[%add3A_207] : memref<320000xi32, #tpu.memory_space<hbm>> -> memref<80xi32, #tpu.memory_space<hbm>>
      tpu.enqueue_dma source(%dma_start3A_209 : memref<80xi32, #tpu.memory_space<hbm>>) target(%arg9 : memref<80xi32, #tpu.memory_space<vmem>>) target_semaphore(%arg17 : memref<!tpu.dma_semaphore, #tpu.memory_space<semaphore_mem>>)
      "tpu.region"() ({
        %run_scoped3A_233 = tpu.sem_alloc : memref<!tpu.dma_semaphore, #tpu.memory_space<semaphore_mem>>
        %dma_start3A_234 = arith.constant 0 : i32
        %dma_start3A_235 = tpu.memref_slice %arg11[%add3A_189, %dma_start3A_234] : memref<125x80xi32, #tpu.memory_space<vmem>> -> memref<1x80xi32, #tpu.memory_space<vmem>>
        %dma_start3A_236 = tpu.memref_squeeze %dma_start3A_235 : memref<1x80xi32, #tpu.memory_space<vmem>> -> memref<80xi32, #tpu.memory_space<vmem>>
        %dma_start3A_237 = arith.constant 0 : i32
        %dma_start3A_238 = arith.constant 0 : i32
        %dma_start3A_239 = tpu.memref_slice %arg14[%dma_start3A_237, %dma_start3A_238] : memref<10240x128xf32, #tpu.memory_space<vmem_shared>> -> memref<10240x128xf32, #tpu.memory_space<vmem_shared>>
        tpu.enqueue_indirect_dma source(%arg12 : memref<80x128xf32, #tpu.memory_space<vmem>>) target(%dma_start3A_239 : memref<10240x128xf32, #tpu.memory_space<vmem_shared>>) offsets(%dma_start3A_236 : memref<80xi32, #tpu.memory_space<vmem>>) semaphore(%run_scoped3A_233 : memref<!tpu.dma_semaphore, #tpu.memory_space<semaphore_mem>>) {add = true}
        %dma_wait3A_240 = arith.constant 0 : i32
        %dma_wait3A_241 = tpu.memref_slice %arg11[%add3A_189, %dma_wait3A_240] : memref<125x80xi32, #tpu.memory_space<vmem>> -> memref<1x80xi32, #tpu.memory_space<vmem>>
        %dma_wait3A_242 = tpu.memref_squeeze %dma_wait3A_241 : memref<1x80xi32, #tpu.memory_space<vmem>> -> memref<80xi32, #tpu.memory_space<vmem>>
        %dma_wait3A_243 = arith.constant 0 : i32
        %dma_wait3A_244 = arith.constant 0 : i32
        %dma_wait3A_245 = tpu.memref_slice %arg14[%dma_wait3A_243, %dma_wait3A_244] : memref<10240x128xf32, #tpu.memory_space<vmem_shared>> -> memref<10240x128xf32, #tpu.memory_space<vmem_shared>>
        tpu.wait_indirect_dma semaphore(%run_scoped3A_233 : memref<!tpu.dma_semaphore, #tpu.memory_space<semaphore_mem>>) src(%arg12 : memref<80x128xf32, #tpu.memory_space<vmem>>) dst(%dma_wait3A_245 : memref<10240x128xf32, #tpu.memory_space<vmem_shared>>)
        tpu.yield
      }) : () -> ()
      %add3A_210 = arith.constant 3 : i32
      %add3A_211 = arith.addi %mul3A_145, %add3A_210 : i32
      %dma_wait3A_212 = arith.constant 0 : i32
      %dma_wait3A_213 = tpu.memref_slice %arg3[%dma_wait3A_212] : memref<320000xi32, #tpu.memory_space<hbm>> -> memref<80xi32, #tpu.memory_space<hbm>>
      %dma_wait3A_214 = arith.constant 0 : i32
      %dma_wait3A_215 = tpu.memref_slice %arg3[%dma_wait3A_214] : memref<320000xi32, #tpu.memory_space<hbm>> -> memref<80xi32, #tpu.memory_space<hbm>>
      tpu.wait_dma2 semaphore(%arg15 : memref<!tpu.dma_semaphore, #tpu.memory_space<semaphore_mem>>) src(%dma_wait3A_215 : memref<80xi32, #tpu.memory_space<hbm>>) dst(%arg7 : memref<80xi32, #tpu.memory_space<vmem>>)
      %dma_start3A_216 = arith.constant 0 : i32
      %dma_start3A_217 = arith.constant 0 : i32
      %dma_start3A_218 = tpu.memref_slice %arg2[%dma_start3A_216, %dma_start3A_217] : memref<10240x128xf32, #tpu.memory_space<hbm>> -> memref<10240x128xf32, #tpu.memory_space<hbm>>
      tpu.enqueue_indirect_dma source(%dma_start3A_218 : memref<10240x128xf32, #tpu.memory_space<hbm>>) target(%arg12 : memref<80x128xf32, #tpu.memory_space<vmem>>) offsets(%arg7 : memref<80xi32, #tpu.memory_space<vmem>>) semaphore(%arg19 : memref<!tpu.dma_semaphore, #tpu.memory_space<semaphore_mem>>)
      %dma_wait3A_219 = arith.constant 0 : i32
      %dma_wait3A_220 = arith.constant 0 : i32
      %dma_wait3A_221 = tpu.memref_slice %arg2[%dma_wait3A_219, %dma_wait3A_220] : memref<10240x128xf32, #tpu.memory_space<hbm>> -> memref<80x128xf32, #tpu.memory_space<hbm>>
      %dma_wait3A_222 = arith.constant 0 : i32
      %dma_wait3A_223 = arith.constant 0 : i32
      %dma_wait3A_224 = tpu.memref_slice %arg2[%dma_wait3A_222, %dma_wait3A_223] : memref<10240x128xf32, #tpu.memory_space<hbm>> -> memref<80x128xf32, #tpu.memory_space<hbm>>
      tpu.wait_dma2 semaphore(%arg20 : memref<!tpu.dma_semaphore, #tpu.memory_space<semaphore_mem>>) src(%dma_wait3A_224 : memref<80x128xf32, #tpu.memory_space<hbm>>) dst(%arg13 : memref<80x128xf32, #tpu.memory_space<vmem>>)
      %add3A_225 = arith.constant 4 : i32
      %add3A_226 = arith.addi %add3A_211, %add3A_225 : i32
      %mul3A_227 = arith.constant 80 : i32
      %mul3A_228 = arith.muli %add3A_226, %mul3A_227 : i32
      %add3A_229 = arith.addi %mul3A_54, %mul3A_228 : i32
      %dma_start3A_230 = tpu.memref_slice %arg3[%add3A_229] : memref<320000xi32, #tpu.memory_space<hbm>> -> memref<80xi32, #tpu.memory_space<hbm>>
      %dma_start3A_231 = tpu.memref_slice %arg3[%add3A_229] : memref<320000xi32, #tpu.memory_space<hbm>> -> memref<80xi32, #tpu.memory_space<hbm>>
      tpu.enqueue_dma source(%dma_start3A_231 : memref<80xi32, #tpu.memory_space<hbm>>) target(%arg10 : memref<80xi32, #tpu.memory_space<vmem>>) target_semaphore(%arg18 : memref<!tpu.dma_semaphore, #tpu.memory_space<semaphore_mem>>)
      "tpu.region"() ({
        %run_scoped3A_233 = tpu.sem_alloc : memref<!tpu.dma_semaphore, #tpu.memory_space<semaphore_mem>>
        %dma_start3A_234 = arith.constant 0 : i32
        %dma_start3A_235 = tpu.memref_slice %arg11[%add3A_211, %dma_start3A_234] : memref<125x80xi32, #tpu.memory_space<vmem>> -> memref<1x80xi32, #tpu.memory_space<vmem>>
        %dma_start3A_236 = tpu.memref_squeeze %dma_start3A_235 : memref<1x80xi32, #tpu.memory_space<vmem>> -> memref<80xi32, #tpu.memory_space<vmem>>
        %dma_start3A_237 = arith.constant 0 : i32
        %dma_start3A_238 = arith.constant 0 : i32
        %dma_start3A_239 = tpu.memref_slice %arg14[%dma_start3A_237, %dma_start3A_238] : memref<10240x128xf32, #tpu.memory_space<vmem_shared>> -> memref<10240x128xf32, #tpu.memory_space<vmem_shared>>
        tpu.enqueue_indirect_dma source(%arg13 : memref<80x128xf32, #tpu.memory_space<vmem>>) target(%dma_start3A_239 : memref<10240x128xf32, #tpu.memory_space<vmem_shared>>) offsets(%dma_start3A_236 : memref<80xi32, #tpu.memory_space<vmem>>) semaphore(%run_scoped3A_233 : memref<!tpu.dma_semaphore, #tpu.memory_space<semaphore_mem>>) {add = true}
        %dma_wait3A_240 = arith.constant 0 : i32
        %dma_wait3A_241 = tpu.memref_slice %arg11[%add3A_211, %dma_wait3A_240] : memref<125x80xi32, #tpu.memory_space<vmem>> -> memref<1x80xi32, #tpu.memory_space<vmem>>
        %dma_wait3A_242 = tpu.memref_squeeze %dma_wait3A_241 : memref<1x80xi32, #tpu.memory_space<vmem>> -> memref<80xi32, #tpu.memory_space<vmem>>
        %dma_wait3A_243 = arith.constant 0 : i32
        %dma_wait3A_244 = arith.constant 0 : i32
        %dma_wait3A_245 = tpu.memref_slice %arg14[%dma_wait3A_243, %dma_wait3A_244] : memref<10240x128xf32, #tpu.memory_space<vmem_shared>> -> memref<10240x128xf32, #tpu.memory_space<vmem_shared>>
        tpu.wait_indirect_dma semaphore(%run_scoped3A_233 : memref<!tpu.dma_semaphore, #tpu.memory_space<semaphore_mem>>) src(%arg13 : memref<80x128xf32, #tpu.memory_space<vmem>>) dst(%dma_wait3A_245 : memref<10240x128xf32, #tpu.memory_space<vmem_shared>>)
        tpu.yield
      }) : () -> ()
      %scan3A_232 = arith.constant 0 : i32
      scf.yield %scan3A_232 : i32
    }
    %scan3A_75 = arith.constant 30 : i32
    %dma_wait3A = arith.constant 0 : i32
    %dma_wait3A_76 = tpu.memref_slice %arg3[%dma_wait3A] : memref<320000xi32, #tpu.memory_space<hbm>> -> memref<80xi32, #tpu.memory_space<hbm>>
    %dma_wait3A_77 = arith.constant 0 : i32
    %dma_wait3A_78 = tpu.memref_slice %arg3[%dma_wait3A_77] : memref<320000xi32, #tpu.memory_space<hbm>> -> memref<80xi32, #tpu.memory_space<hbm>>
    tpu.wait_dma2 semaphore(%arg16 : memref<!tpu.dma_semaphore, #tpu.memory_space<semaphore_mem>>) src(%dma_wait3A_78 : memref<80xi32, #tpu.memory_space<hbm>>) dst(%arg8 : memref<80xi32, #tpu.memory_space<vmem>>)
    %dma_start3A_79 = arith.constant 0 : i32
    %dma_start3A_80 = arith.constant 0 : i32
    %dma_start3A_81 = tpu.memref_slice %arg2[%dma_start3A_79, %dma_start3A_80] : memref<10240x128xf32, #tpu.memory_space<hbm>> -> memref<10240x128xf32, #tpu.memory_space<hbm>>
    tpu.enqueue_indirect_dma source(%dma_start3A_81 : memref<10240x128xf32, #tpu.memory_space<hbm>>) target(%arg13 : memref<80x128xf32, #tpu.memory_space<vmem>>) offsets(%arg8 : memref<80xi32, #tpu.memory_space<vmem>>) semaphore(%arg20 : memref<!tpu.dma_semaphore, #tpu.memory_space<semaphore_mem>>)
    %dma_wait3A_82 = arith.constant 0 : i32
    %dma_wait3A_83 = arith.constant 0 : i32
    %dma_wait3A_84 = tpu.memref_slice %arg2[%dma_wait3A_82, %dma_wait3A_83] : memref<10240x128xf32, #tpu.memory_space<hbm>> -> memref<80x128xf32, #tpu.memory_space<hbm>>
    %dma_wait3A_85 = arith.constant 0 : i32
    %dma_wait3A_86 = arith.constant 0 : i32
    %dma_wait3A_87 = tpu.memref_slice %arg2[%dma_wait3A_85, %dma_wait3A_86] : memref<10240x128xf32, #tpu.memory_space<hbm>> -> memref<80x128xf32, #tpu.memory_space<hbm>>
    tpu.wait_dma2 semaphore(%arg19 : memref<!tpu.dma_semaphore, #tpu.memory_space<semaphore_mem>>) src(%dma_wait3A_87 : memref<80x128xf32, #tpu.memory_space<hbm>>) dst(%arg12 : memref<80x128xf32, #tpu.memory_space<vmem>>)
    %add3A_88 = arith.constant 9920 : i32
    %add3A_89 = arith.addi %mul3A_54, %add3A_88 : i32
    %dma_start3A_90 = tpu.memref_slice %arg3[%add3A_89] : memref<320000xi32, #tpu.memory_space<hbm>> -> memref<80xi32, #tpu.memory_space<hbm>>
    %dma_start3A_91 = tpu.memref_slice %arg3[%add3A_89] : memref<320000xi32, #tpu.memory_space<hbm>> -> memref<80xi32, #tpu.memory_space<hbm>>
    tpu.enqueue_dma source(%dma_start3A_91 : memref<80xi32, #tpu.memory_space<hbm>>) target(%arg7 : memref<80xi32, #tpu.memory_space<vmem>>) target_semaphore(%arg15 : memref<!tpu.dma_semaphore, #tpu.memory_space<semaphore_mem>>)
    %run_scoped3A = arith.constant 120 : i32
    "tpu.region"() ({
      %run_scoped3A_142 = tpu.sem_alloc : memref<!tpu.dma_semaphore, #tpu.memory_space<semaphore_mem>>
      %dma_start3A_143 = arith.constant 0 : i32
      %dma_start3A_144 = tpu.memref_slice %arg11[%run_scoped3A, %dma_start3A_143] : memref<125x80xi32, #tpu.memory_space<vmem>> -> memref<1x80xi32, #tpu.memory_space<vmem>>
      %dma_start3A_145 = tpu.memref_squeeze %dma_start3A_144 : memref<1x80xi32, #tpu.memory_space<vmem>> -> memref<80xi32, #tpu.memory_space<vmem>>
      %dma_start3A_146 = arith.constant 0 : i32
      %dma_start3A_147 = arith.constant 0 : i32
      %dma_start3A_148 = tpu.memref_slice %arg14[%dma_start3A_146, %dma_start3A_147] : memref<10240x128xf32, #tpu.memory_space<vmem_shared>> -> memref<10240x128xf32, #tpu.memory_space<vmem_shared>>
      tpu.enqueue_indirect_dma source(%arg12 : memref<80x128xf32, #tpu.memory_space<vmem>>) target(%dma_start3A_148 : memref<10240x128xf32, #tpu.memory_space<vmem_shared>>) offsets(%dma_start3A_145 : memref<80xi32, #tpu.memory_space<vmem>>) semaphore(%run_scoped3A_142 : memref<!tpu.dma_semaphore, #tpu.memory_space<semaphore_mem>>) {add = true}
      %dma_wait3A_149 = arith.constant 0 : i32
      %dma_wait3A_150 = tpu.memref_slice %arg11[%run_scoped3A, %dma_wait3A_149] : memref<125x80xi32, #tpu.memory_space<vmem>> -> memref<1x80xi32, #tpu.memory_space<vmem>>
      %dma_wait3A_151 = tpu.memref_squeeze %dma_wait3A_150 : memref<1x80xi32, #tpu.memory_space<vmem>> -> memref<80xi32, #tpu.memory_space<vmem>>
      %dma_wait3A_152 = arith.constant 0 : i32
      %dma_wait3A_153 = arith.constant 0 : i32
      %dma_wait3A_154 = tpu.memref_slice %arg14[%dma_wait3A_152, %dma_wait3A_153] : memref<10240x128xf32, #tpu.memory_space<vmem_shared>> -> memref<10240x128xf32, #tpu.memory_space<vmem_shared>>
      tpu.wait_indirect_dma semaphore(%run_scoped3A_142 : memref<!tpu.dma_semaphore, #tpu.memory_space<semaphore_mem>>) src(%arg12 : memref<80x128xf32, #tpu.memory_space<vmem>>) dst(%dma_wait3A_154 : memref<10240x128xf32, #tpu.memory_space<vmem_shared>>)
      tpu.yield
    }) : () -> ()
    %dma_wait3A_92 = arith.constant 0 : i32
    %dma_wait3A_93 = tpu.memref_slice %arg3[%dma_wait3A_92] : memref<320000xi32, #tpu.memory_space<hbm>> -> memref<80xi32, #tpu.memory_space<hbm>>
    %dma_wait3A_94 = arith.constant 0 : i32
    %dma_wait3A_95 = tpu.memref_slice %arg3[%dma_wait3A_94] : memref<320000xi32, #tpu.memory_space<hbm>> -> memref<80xi32, #tpu.memory_space<hbm>>
    tpu.wait_dma2 semaphore(%arg17 : memref<!tpu.dma_semaphore, #tpu.memory_space<semaphore_mem>>) src(%dma_wait3A_95 : memref<80xi32, #tpu.memory_space<hbm>>) dst(%arg9 : memref<80xi32, #tpu.memory_space<vmem>>)
    %dma_start3A_96 = arith.constant 0 : i32
    %dma_start3A_97 = arith.constant 0 : i32
    %dma_start3A_98 = tpu.memref_slice %arg2[%dma_start3A_96, %dma_start3A_97] : memref<10240x128xf32, #tpu.memory_space<hbm>> -> memref<10240x128xf32, #tpu.memory_space<hbm>>
    tpu.enqueue_indirect_dma source(%dma_start3A_98 : memref<10240x128xf32, #tpu.memory_space<hbm>>) target(%arg12 : memref<80x128xf32, #tpu.memory_space<vmem>>) offsets(%arg9 : memref<80xi32, #tpu.memory_space<vmem>>) semaphore(%arg19 : memref<!tpu.dma_semaphore, #tpu.memory_space<semaphore_mem>>)
    %dma_wait3A_99 = arith.constant 0 : i32
    %dma_wait3A_100 = arith.constant 0 : i32
    %dma_wait3A_101 = tpu.memref_slice %arg2[%dma_wait3A_99, %dma_wait3A_100] : memref<10240x128xf32, #tpu.memory_space<hbm>> -> memref<80x128xf32, #tpu.memory_space<hbm>>
    %dma_wait3A_102 = arith.constant 0 : i32
    %dma_wait3A_103 = arith.constant 0 : i32
    %dma_wait3A_104 = tpu.memref_slice %arg2[%dma_wait3A_102, %dma_wait3A_103] : memref<10240x128xf32, #tpu.memory_space<hbm>> -> memref<80x128xf32, #tpu.memory_space<hbm>>
    tpu.wait_dma2 semaphore(%arg20 : memref<!tpu.dma_semaphore, #tpu.memory_space<semaphore_mem>>) src(%dma_wait3A_104 : memref<80x128xf32, #tpu.memory_space<hbm>>) dst(%arg13 : memref<80x128xf32, #tpu.memory_space<vmem>>)
    %run_scoped3A_105 = arith.constant 121 : i32
    "tpu.region"() ({
      %run_scoped3A_142 = tpu.sem_alloc : memref<!tpu.dma_semaphore, #tpu.memory_space<semaphore_mem>>
      %dma_start3A_143 = arith.constant 0 : i32
      %dma_start3A_144 = tpu.memref_slice %arg11[%run_scoped3A_105, %dma_start3A_143] : memref<125x80xi32, #tpu.memory_space<vmem>> -> memref<1x80xi32, #tpu.memory_space<vmem>>
      %dma_start3A_145 = tpu.memref_squeeze %dma_start3A_144 : memref<1x80xi32, #tpu.memory_space<vmem>> -> memref<80xi32, #tpu.memory_space<vmem>>
      %dma_start3A_146 = arith.constant 0 : i32
      %dma_start3A_147 = arith.constant 0 : i32
      %dma_start3A_148 = tpu.memref_slice %arg14[%dma_start3A_146, %dma_start3A_147] : memref<10240x128xf32, #tpu.memory_space<vmem_shared>> -> memref<10240x128xf32, #tpu.memory_space<vmem_shared>>
      tpu.enqueue_indirect_dma source(%arg13 : memref<80x128xf32, #tpu.memory_space<vmem>>) target(%dma_start3A_148 : memref<10240x128xf32, #tpu.memory_space<vmem_shared>>) offsets(%dma_start3A_145 : memref<80xi32, #tpu.memory_space<vmem>>) semaphore(%run_scoped3A_142 : memref<!tpu.dma_semaphore, #tpu.memory_space<semaphore_mem>>) {add = true}
      %dma_wait3A_149 = arith.constant 0 : i32
      %dma_wait3A_150 = tpu.memref_slice %arg11[%run_scoped3A_105, %dma_wait3A_149] : memref<125x80xi32, #tpu.memory_space<vmem>> -> memref<1x80xi32, #tpu.memory_space<vmem>>
      %dma_wait3A_151 = tpu.memref_squeeze %dma_wait3A_150 : memref<1x80xi32, #tpu.memory_space<vmem>> -> memref<80xi32, #tpu.memory_space<vmem>>
      %dma_wait3A_152 = arith.constant 0 : i32
      %dma_wait3A_153 = arith.constant 0 : i32
      %dma_wait3A_154 = tpu.memref_slice %arg14[%dma_wait3A_152, %dma_wait3A_153] : memref<10240x128xf32, #tpu.memory_space<vmem_shared>> -> memref<10240x128xf32, #tpu.memory_space<vmem_shared>>
      tpu.wait_indirect_dma semaphore(%run_scoped3A_142 : memref<!tpu.dma_semaphore, #tpu.memory_space<semaphore_mem>>) src(%arg13 : memref<80x128xf32, #tpu.memory_space<vmem>>) dst(%dma_wait3A_154 : memref<10240x128xf32, #tpu.memory_space<vmem_shared>>)
      tpu.yield
    }) : () -> ()
    %dma_wait3A_106 = arith.constant 0 : i32
    %dma_wait3A_107 = tpu.memref_slice %arg3[%dma_wait3A_106] : memref<320000xi32, #tpu.memory_space<hbm>> -> memref<80xi32, #tpu.memory_space<hbm>>
    %dma_wait3A_108 = arith.constant 0 : i32
    %dma_wait3A_109 = tpu.memref_slice %arg3[%dma_wait3A_108] : memref<320000xi32, #tpu.memory_space<hbm>> -> memref<80xi32, #tpu.memory_space<hbm>>
    tpu.wait_dma2 semaphore(%arg18 : memref<!tpu.dma_semaphore, #tpu.memory_space<semaphore_mem>>) src(%dma_wait3A_109 : memref<80xi32, #tpu.memory_space<hbm>>) dst(%arg10 : memref<80xi32, #tpu.memory_space<vmem>>)
    %dma_start3A_110 = arith.constant 0 : i32
    %dma_start3A_111 = arith.constant 0 : i32
    %dma_start3A_112 = tpu.memref_slice %arg2[%dma_start3A_110, %dma_start3A_111] : memref<10240x128xf32, #tpu.memory_space<hbm>> -> memref<10240x128xf32, #tpu.memory_space<hbm>>
    tpu.enqueue_indirect_dma source(%dma_start3A_112 : memref<10240x128xf32, #tpu.memory_space<hbm>>) target(%arg13 : memref<80x128xf32, #tpu.memory_space<vmem>>) offsets(%arg10 : memref<80xi32, #tpu.memory_space<vmem>>) semaphore(%arg20 : memref<!tpu.dma_semaphore, #tpu.memory_space<semaphore_mem>>)
    %dma_wait3A_113 = arith.constant 0 : i32
    %dma_wait3A_114 = arith.constant 0 : i32
    %dma_wait3A_115 = tpu.memref_slice %arg2[%dma_wait3A_113, %dma_wait3A_114] : memref<10240x128xf32, #tpu.memory_space<hbm>> -> memref<80x128xf32, #tpu.memory_space<hbm>>
    %dma_wait3A_116 = arith.constant 0 : i32
    %dma_wait3A_117 = arith.constant 0 : i32
    %dma_wait3A_118 = tpu.memref_slice %arg2[%dma_wait3A_116, %dma_wait3A_117] : memref<10240x128xf32, #tpu.memory_space<hbm>> -> memref<80x128xf32, #tpu.memory_space<hbm>>
    tpu.wait_dma2 semaphore(%arg19 : memref<!tpu.dma_semaphore, #tpu.memory_space<semaphore_mem>>) src(%dma_wait3A_118 : memref<80x128xf32, #tpu.memory_space<hbm>>) dst(%arg12 : memref<80x128xf32, #tpu.memory_space<vmem>>)
    %run_scoped3A_119 = arith.constant 122 : i32
    "tpu.region"() ({
      %run_scoped3A_142 = tpu.sem_alloc : memref<!tpu.dma_semaphore, #tpu.memory_space<semaphore_mem>>
      %dma_start3A_143 = arith.constant 0 : i32
      %dma_start3A_144 = tpu.memref_slice %arg11[%run_scoped3A_119, %dma_start3A_143] : memref<125x80xi32, #tpu.memory_space<vmem>> -> memref<1x80xi32, #tpu.memory_space<vmem>>
      %dma_start3A_145 = tpu.memref_squeeze %dma_start3A_144 : memref<1x80xi32, #tpu.memory_space<vmem>> -> memref<80xi32, #tpu.memory_space<vmem>>
      %dma_start3A_146 = arith.constant 0 : i32
      %dma_start3A_147 = arith.constant 0 : i32
      %dma_start3A_148 = tpu.memref_slice %arg14[%dma_start3A_146, %dma_start3A_147] : memref<10240x128xf32, #tpu.memory_space<vmem_shared>> -> memref<10240x128xf32, #tpu.memory_space<vmem_shared>>
      tpu.enqueue_indirect_dma source(%arg12 : memref<80x128xf32, #tpu.memory_space<vmem>>) target(%dma_start3A_148 : memref<10240x128xf32, #tpu.memory_space<vmem_shared>>) offsets(%dma_start3A_145 : memref<80xi32, #tpu.memory_space<vmem>>) semaphore(%run_scoped3A_142 : memref<!tpu.dma_semaphore, #tpu.memory_space<semaphore_mem>>) {add = true}
      %dma_wait3A_149 = arith.constant 0 : i32
      %dma_wait3A_150 = tpu.memref_slice %arg11[%run_scoped3A_119, %dma_wait3A_149] : memref<125x80xi32, #tpu.memory_space<vmem>> -> memref<1x80xi32, #tpu.memory_space<vmem>>
      %dma_wait3A_151 = tpu.memref_squeeze %dma_wait3A_150 : memref<1x80xi32, #tpu.memory_space<vmem>> -> memref<80xi32, #tpu.memory_space<vmem>>
      %dma_wait3A_152 = arith.constant 0 : i32
      %dma_wait3A_153 = arith.constant 0 : i32
      %dma_wait3A_154 = tpu.memref_slice %arg14[%dma_wait3A_152, %dma_wait3A_153] : memref<10240x128xf32, #tpu.memory_space<vmem_shared>> -> memref<10240x128xf32, #tpu.memory_space<vmem_shared>>
      tpu.wait_indirect_dma semaphore(%run_scoped3A_142 : memref<!tpu.dma_semaphore, #tpu.memory_space<semaphore_mem>>) src(%arg12 : memref<80x128xf32, #tpu.memory_space<vmem>>) dst(%dma_wait3A_154 : memref<10240x128xf32, #tpu.memory_space<vmem_shared>>)
      tpu.yield
    }) : () -> ()
    %dma_wait3A_120 = arith.constant 0 : i32
    %dma_wait3A_121 = tpu.memref_slice %arg3[%dma_wait3A_120] : memref<320000xi32, #tpu.memory_space<hbm>> -> memref<80xi32, #tpu.memory_space<hbm>>
    %dma_wait3A_122 = arith.constant 0 : i32
    %dma_wait3A_123 = tpu.memref_slice %arg3[%dma_wait3A_122] : memref<320000xi32, #tpu.memory_space<hbm>> -> memref<80xi32, #tpu.memory_space<hbm>>
    tpu.wait_dma2 semaphore(%arg15 : memref<!tpu.dma_semaphore, #tpu.memory_space<semaphore_mem>>) src(%dma_wait3A_123 : memref<80xi32, #tpu.memory_space<hbm>>) dst(%arg7 : memref<80xi32, #tpu.memory_space<vmem>>)
    %dma_start3A_124 = arith.constant 0 : i32
    %dma_start3A_125 = arith.constant 0 : i32
    %dma_start3A_126 = tpu.memref_slice %arg2[%dma_start3A_124, %dma_start3A_125] : memref<10240x128xf32, #tpu.memory_space<hbm>> -> memref<10240x128xf32, #tpu.memory_space<hbm>>
    tpu.enqueue_indirect_dma source(%dma_start3A_126 : memref<10240x128xf32, #tpu.memory_space<hbm>>) target(%arg12 : memref<80x128xf32, #tpu.memory_space<vmem>>) offsets(%arg7 : memref<80xi32, #tpu.memory_space<vmem>>) semaphore(%arg19 : memref<!tpu.dma_semaphore, #tpu.memory_space<semaphore_mem>>)
    %dma_wait3A_127 = arith.constant 0 : i32
    %dma_wait3A_128 = arith.constant 0 : i32
    %dma_wait3A_129 = tpu.memref_slice %arg2[%dma_wait3A_127, %dma_wait3A_128] : memref<10240x128xf32, #tpu.memory_space<hbm>> -> memref<80x128xf32, #tpu.memory_space<hbm>>
    %dma_wait3A_130 = arith.constant 0 : i32
    %dma_wait3A_131 = arith.constant 0 : i32
    %dma_wait3A_132 = tpu.memref_slice %arg2[%dma_wait3A_130, %dma_wait3A_131] : memref<10240x128xf32, #tpu.memory_space<hbm>> -> memref<80x128xf32, #tpu.memory_space<hbm>>
    tpu.wait_dma2 semaphore(%arg20 : memref<!tpu.dma_semaphore, #tpu.memory_space<semaphore_mem>>) src(%dma_wait3A_132 : memref<80x128xf32, #tpu.memory_space<hbm>>) dst(%arg13 : memref<80x128xf32, #tpu.memory_space<vmem>>)
    %run_scoped3A_133 = arith.constant 123 : i32
    "tpu.region"() ({
      %run_scoped3A_142 = tpu.sem_alloc : memref<!tpu.dma_semaphore, #tpu.memory_space<semaphore_mem>>
      %dma_start3A_143 = arith.constant 0 : i32
      %dma_start3A_144 = tpu.memref_slice %arg11[%run_scoped3A_133, %dma_start3A_143] : memref<125x80xi32, #tpu.memory_space<vmem>> -> memref<1x80xi32, #tpu.memory_space<vmem>>
      %dma_start3A_145 = tpu.memref_squeeze %dma_start3A_144 : memref<1x80xi32, #tpu.memory_space<vmem>> -> memref<80xi32, #tpu.memory_space<vmem>>
      %dma_start3A_146 = arith.constant 0 : i32
      %dma_start3A_147 = arith.constant 0 : i32
      %dma_start3A_148 = tpu.memref_slice %arg14[%dma_start3A_146, %dma_start3A_147] : memref<10240x128xf32, #tpu.memory_space<vmem_shared>> -> memref<10240x128xf32, #tpu.memory_space<vmem_shared>>
      tpu.enqueue_indirect_dma source(%arg13 : memref<80x128xf32, #tpu.memory_space<vmem>>) target(%dma_start3A_148 : memref<10240x128xf32, #tpu.memory_space<vmem_shared>>) offsets(%dma_start3A_145 : memref<80xi32, #tpu.memory_space<vmem>>) semaphore(%run_scoped3A_142 : memref<!tpu.dma_semaphore, #tpu.memory_space<semaphore_mem>>) {add = true}
      %dma_wait3A_149 = arith.constant 0 : i32
      %dma_wait3A_150 = tpu.memref_slice %arg11[%run_scoped3A_133, %dma_wait3A_149] : memref<125x80xi32, #tpu.memory_space<vmem>> -> memref<1x80xi32, #tpu.memory_space<vmem>>
      %dma_wait3A_151 = tpu.memref_squeeze %dma_wait3A_150 : memref<1x80xi32, #tpu.memory_space<vmem>> -> memref<80xi32, #tpu.memory_space<vmem>>
      %dma_wait3A_152 = arith.constant 0 : i32
      %dma_wait3A_153 = arith.constant 0 : i32
      %dma_wait3A_154 = tpu.memref_slice %arg14[%dma_wait3A_152, %dma_wait3A_153] : memref<10240x128xf32, #tpu.memory_space<vmem_shared>> -> memref<10240x128xf32, #tpu.memory_space<vmem_shared>>
      tpu.wait_indirect_dma semaphore(%run_scoped3A_142 : memref<!tpu.dma_semaphore, #tpu.memory_space<semaphore_mem>>) src(%arg13 : memref<80x128xf32, #tpu.memory_space<vmem>>) dst(%dma_wait3A_154 : memref<10240x128xf32, #tpu.memory_space<vmem_shared>>)
      tpu.yield
    }) : () -> ()
    %dma_wait3A_134 = arith.constant 0 : i32
    %dma_wait3A_135 = arith.constant 0 : i32
    %dma_wait3A_136 = tpu.memref_slice %arg2[%dma_wait3A_134, %dma_wait3A_135] : memref<10240x128xf32, #tpu.memory_space<hbm>> -> memref<80x128xf32, #tpu.memory_space<hbm>>
    %dma_wait3A_137 = arith.constant 0 : i32
    %dma_wait3A_138 = arith.constant 0 : i32
    %dma_wait3A_139 = tpu.memref_slice %arg2[%dma_wait3A_137, %dma_wait3A_138] : memref<10240x128xf32, #tpu.memory_space<hbm>> -> memref<80x128xf32, #tpu.memory_space<hbm>>
    tpu.wait_dma2 semaphore(%arg19 : memref<!tpu.dma_semaphore, #tpu.memory_space<semaphore_mem>>) src(%dma_wait3A_139 : memref<80x128xf32, #tpu.memory_space<hbm>>) dst(%arg12 : memref<80x128xf32, #tpu.memory_space<vmem>>)
    %run_scoped3A_140 = arith.constant 124 : i32
    "tpu.region"() ({
      %run_scoped3A_142 = tpu.sem_alloc : memref<!tpu.dma_semaphore, #tpu.memory_space<semaphore_mem>>
      %dma_start3A_143 = arith.constant 0 : i32
      %dma_start3A_144 = tpu.memref_slice %arg11[%run_scoped3A_140, %dma_start3A_143] : memref<125x80xi32, #tpu.memory_space<vmem>> -> memref<1x80xi32, #tpu.memory_space<vmem>>
      %dma_start3A_145 = tpu.memref_squeeze %dma_start3A_144 : memref<1x80xi32, #tpu.memory_space<vmem>> -> memref<80xi32, #tpu.memory_space<vmem>>
      %dma_start3A_146 = arith.constant 0 : i32
      %dma_start3A_147 = arith.constant 0 : i32
      %dma_start3A_148 = tpu.memref_slice %arg14[%dma_start3A_146, %dma_start3A_147] : memref<10240x128xf32, #tpu.memory_space<vmem_shared>> -> memref<10240x128xf32, #tpu.memory_space<vmem_shared>>
      tpu.enqueue_indirect_dma source(%arg12 : memref<80x128xf32, #tpu.memory_space<vmem>>) target(%dma_start3A_148 : memref<10240x128xf32, #tpu.memory_space<vmem_shared>>) offsets(%dma_start3A_145 : memref<80xi32, #tpu.memory_space<vmem>>) semaphore(%run_scoped3A_142 : memref<!tpu.dma_semaphore, #tpu.memory_space<semaphore_mem>>) {add = true}
      %dma_wait3A_149 = arith.constant 0 : i32
      %dma_wait3A_150 = tpu.memref_slice %arg11[%run_scoped3A_140, %dma_wait3A_149] : memref<125x80xi32, #tpu.memory_space<vmem>> -> memref<1x80xi32, #tpu.memory_space<vmem>>
      %dma_wait3A_151 = tpu.memref_squeeze %dma_wait3A_150 : memref<1x80xi32, #tpu.memory_space<vmem>> -> memref<80xi32, #tpu.memory_space<vmem>>
      %dma_wait3A_152 = arith.constant 0 : i32
      %dma_wait3A_153 = arith.constant 0 : i32
      %dma_wait3A_154 = tpu.memref_slice %arg14[%dma_wait3A_152, %dma_wait3A_153] : memref<10240x128xf32, #tpu.memory_space<vmem_shared>> -> memref<10240x128xf32, #tpu.memory_space<vmem_shared>>
      tpu.wait_indirect_dma semaphore(%run_scoped3A_142 : memref<!tpu.dma_semaphore, #tpu.memory_space<semaphore_mem>>) src(%arg12 : memref<80x128xf32, #tpu.memory_space<vmem>>) dst(%dma_wait3A_154 : memref<10240x128xf32, #tpu.memory_space<vmem_shared>>)
      tpu.yield
    }) : () -> ()
    %barrier3A_141 = arith.constant 0 : index
    tpu.barrier barrier_id(%barrier3A_141)
    "tpu.region"() ({
      %run_scoped3A_142 = tpu.sem_alloc : memref<!tpu.dma_semaphore, #tpu.memory_space<semaphore_mem>>
      %dma_start3A_143 = arith.constant 0 : i32
      %dma_start3A_144 = tpu.memref_slice %arg5[%arg0, %mul3A_2, %dma_start3A_143] : memref<2x10240x128xf32, #tpu.memory_space<hbm>> -> memref<1x640x128xf32, #tpu.memory_space<hbm>>
      %dma_start3A_145 = tpu.memref_squeeze %dma_start3A_144 : memref<1x640x128xf32, #tpu.memory_space<hbm>> -> memref<640x128xf32, #tpu.memory_space<hbm>>
      %dma_start3A_146 = arith.constant 0 : i32
      %dma_start3A_147 = tpu.memref_slice %arg14[%mul3A_2, %dma_start3A_146] : memref<10240x128xf32, #tpu.memory_space<vmem_shared>> -> memref<640x128xf32, #tpu.memory_space<vmem_shared>>
      tpu.enqueue_dma source(%dma_start3A_147 : memref<640x128xf32, #tpu.memory_space<vmem_shared>>) target(%dma_start3A_145 : memref<640x128xf32, #tpu.memory_space<hbm>>) target_semaphore(%run_scoped3A_142 : memref<!tpu.dma_semaphore, #tpu.memory_space<semaphore_mem>>)
      %dma_wait3A_148 = arith.constant 0 : i32
      %dma_wait3A_149 = tpu.memref_slice %arg5[%arg0, %mul3A_2, %dma_wait3A_148] : memref<2x10240x128xf32, #tpu.memory_space<hbm>> -> memref<1x640x128xf32, #tpu.memory_space<hbm>>
      %dma_wait3A_150 = tpu.memref_squeeze %dma_wait3A_149 : memref<1x640x128xf32, #tpu.memory_space<hbm>> -> memref<640x128xf32, #tpu.memory_space<hbm>>
      %dma_wait3A_151 = arith.constant 0 : i32
      %dma_wait3A_152 = tpu.memref_slice %arg14[%mul3A_2, %dma_wait3A_151] : memref<10240x128xf32, #tpu.memory_space<vmem_shared>> -> memref<640x128xf32, #tpu.memory_space<vmem_shared>>
      tpu.wait_dma2 semaphore(%run_scoped3A_142 : memref<!tpu.dma_semaphore, #tpu.memory_space<semaphore_mem>>) src(%dma_wait3A_152 : memref<640x128xf32, #tpu.memory_space<vmem_shared>>) dst(%dma_wait3A_150 : memref<640x128xf32, #tpu.memory_space<hbm>>)
      tpu.yield
    }) : () -> ()
    return
  }
}

module attributes {stable_mosaic.version = 14 : i64} {
  func.func @body(%arg0: i32, %arg1: memref<2x1024x128xf32, #tpu.memory_space<vmem>>, %arg2: memref<2x1024x128xf32, #tpu.memory_space<vmem>>, %arg3: memref<1024x128xf32, #tpu.memory_space<vmem>>, %arg4: memref<128x128xf32, #tpu.memory_space<vmem>>, %arg5: memref<128x128xf32, #tpu.memory_space<vmem>>, %arg6: memref<1x128xf32, #tpu.memory_space<vmem>>, %arg7: memref<1024x128xf32, #tpu.memory_space<vmem>>) attributes {dimension_semantics = [#tpu.dimension_semantics<arbitrary>], iteration_bounds = array<i64: 10>, scalar_prefetch = 0 : i64, scratch_operands = 0 : i64, tpu.core_type = #tpu.core_type<tc>, window_params = [{transform_indices = @transform_0, window_bounds = array<i64: 2, 1024, 128>}, {transform_indices = @transform_1, window_bounds = array<i64: 2, 1024, 128>}, {transform_indices = @transform_2, window_bounds = array<i64: 1024, 128>}, {pipeline_mode = #tpu.pipeline_mode<synchronous>, transform_indices = @transform_3, window_bounds = array<i64: 128, 128>}, {pipeline_mode = #tpu.pipeline_mode<synchronous>, transform_indices = @transform_4, window_bounds = array<i64: 128, 128>}, {pipeline_mode = #tpu.pipeline_mode<synchronous>, transform_indices = @transform_5, window_bounds = array<i64: 1, 128>}, {transform_indices = @transform_6, window_bounds = array<i64: 1024, 128>}]} {
    %get3A = arith.constant 0 : index
    %get3A_0 = arith.constant 0 : index
    %get3A_1 = arith.constant 0 : index
    %get3A_2 = vector.load %arg1[%get3A, %get3A_0, %get3A_1] : memref<2x1024x128xf32, #tpu.memory_space<vmem>>, vector<1x1024x128xf32>
    %get3A_3 = vector.shape_cast %get3A_2 : vector<1x1024x128xf32> to vector<1024x128xf32>
    %get3A_4 = arith.constant 1 : index
    %get3A_5 = arith.constant 0 : index
    %get3A_6 = arith.constant 0 : index
    %get3A_7 = vector.load %arg1[%get3A_4, %get3A_5, %get3A_6] : memref<2x1024x128xf32, #tpu.memory_space<vmem>>, vector<1x1024x128xf32>
    %get3A_8 = vector.shape_cast %get3A_7 : vector<1x1024x128xf32> to vector<1024x128xf32>
    %add3A = arith.addf %get3A_3, %get3A_8 : vector<1024x128xf32>
    %get3A_9 = arith.constant 0 : index
    %get3A_10 = arith.constant 0 : index
    %get3A_11 = arith.constant 0 : index
    %get3A_12 = vector.load %arg2[%get3A_9, %get3A_10, %get3A_11] : memref<2x1024x128xf32, #tpu.memory_space<vmem>>, vector<1x1024x128xf32>
    %get3A_13 = vector.shape_cast %get3A_12 : vector<1x1024x128xf32> to vector<1024x128xf32>
    %get3A_14 = arith.constant 1 : index
    %get3A_15 = arith.constant 0 : index
    %get3A_16 = arith.constant 0 : index
    %get3A_17 = vector.load %arg2[%get3A_14, %get3A_15, %get3A_16] : memref<2x1024x128xf32, #tpu.memory_space<vmem>>, vector<1x1024x128xf32>
    %get3A_18 = vector.shape_cast %get3A_17 : vector<1x1024x128xf32> to vector<1024x128xf32>
    %add3A_19 = arith.addf %get3A_13, %get3A_18 : vector<1024x128xf32>
    %slice3A = vector.extract_strided_slice %add3A_19 {offsets = [0, 0], sizes = [1024, 1], strides = [1, 1]} : vector<1024x128xf32> to vector<1024x1xf32>
    %max3A = arith.constant 1.000000e+00 : f32
    %max3A_20 = vector.broadcast %max3A : f32 to vector<1024x1xf32>
    %max3A_21 = arith.maximumf %slice3A, %max3A_20 : vector<1024x1xf32>
    %div3A = vector.broadcast %max3A_21 : vector<1024x1xf32> to vector<1024x128xf32>
    %div3A_22 = arith.divf %add3A, %div3A : vector<1024x128xf32>
    %get3A_23 = arith.constant 0 : index
    %get3A_24 = arith.constant 0 : index
    %get3A_25 = vector.load %arg4[%get3A_23, %get3A_24] : memref<128x128xf32, #tpu.memory_space<vmem>>, vector<128x128xf32>
    %dot_general3A = arith.constant dense<0.000000e+00> : vector<1024x128xf32>
    %dot_general3A_26 = tpu.matmul %div3A_22, %get3A_25, %dot_general3A {dimension_numbers = #tpu.dot_dimension_numbers<[1], [0], [0], [1], [0, 0, 1, 1], [], []>, transpose_lhs_hint = false} : vector<1024x128xf32>, vector<128x128xf32>, vector<1024x128xf32> -> vector<1024x128xf32>
    %get3A_27 = arith.constant 0 : index
    %get3A_28 = arith.constant 0 : index
    %get3A_29 = vector.load %arg3[%get3A_27, %get3A_28] : memref<1024x128xf32, #tpu.memory_space<vmem>>, vector<1024x128xf32>
    %get3A_30 = arith.constant 0 : index
    %get3A_31 = arith.constant 0 : index
    %get3A_32 = vector.load %arg5[%get3A_30, %get3A_31] : memref<128x128xf32, #tpu.memory_space<vmem>>, vector<128x128xf32>
    %dot_general3A_33 = arith.constant dense<0.000000e+00> : vector<1024x128xf32>
    %dot_general3A_34 = tpu.matmul %get3A_29, %get3A_32, %dot_general3A_33 {dimension_numbers = #tpu.dot_dimension_numbers<[1], [0], [0], [1], [0, 0, 1, 1], [], []>, transpose_lhs_hint = false} : vector<1024x128xf32>, vector<128x128xf32>, vector<1024x128xf32> -> vector<1024x128xf32>
    %add3A_35 = arith.addf %dot_general3A_26, %dot_general3A_34 : vector<1024x128xf32>
    %get3A_36 = arith.constant 0 : index
    %get3A_37 = arith.constant 0 : index
    %get3A_38 = vector.load %arg6[%get3A_36, %get3A_37] : memref<1x128xf32, #tpu.memory_space<vmem>>, vector<1x128xf32>
    %add3A_39 = vector.broadcast %get3A_38 : vector<1x128xf32> to vector<1024x128xf32>
    %add3A_40 = arith.addf %add3A_35, %add3A_39 : vector<1024x128xf32>
    %max3A_41 = arith.constant 0.000000e+00 : f32
    %max3A_42 = vector.broadcast %max3A_41 : f32 to vector<1024x128xf32>
    %max3A_43 = arith.maximumf %add3A_40, %max3A_42 : vector<1024x128xf32>
    %swap3A = arith.constant 0 : index
    %swap3A_44 = arith.constant 0 : index
    %swap3A_45 = vector.load %arg7[%swap3A, %swap3A_44] : memref<1024x128xf32, #tpu.memory_space<vmem>>, vector<1024x128xf32>
    tpu.vector_store %arg7[%swap3A, %swap3A_44], %max3A_43 {strides = array<i32>} : memref<1024x128xf32, #tpu.memory_space<vmem>>, vector<1024x128xf32>,
    return
  }
  func.func @transform_0(%arg0: i32) -> (i32, i32, i32) {
    %c0_i32 = arith.constant 0 : i32
    %c0_i32_0 = arith.constant 0 : i32
    %c0_i32_1 = arith.constant 0 : i32
    return %c0_i32, %arg0, %c0_i32_0 : i32, i32, i32
  }
  func.func @transform_1(%arg0: i32) -> (i32, i32, i32) {
    %c0_i32 = arith.constant 0 : i32
    %c0_i32_0 = arith.constant 0 : i32
    %c0_i32_1 = arith.constant 0 : i32
    return %c0_i32, %arg0, %c0_i32_0 : i32, i32, i32
  }
  func.func @transform_2(%arg0: i32) -> (i32, i32) {
    %c0_i32 = arith.constant 0 : i32
    %c0_i32_0 = arith.constant 0 : i32
    return %arg0, %c0_i32 : i32, i32
  }
  func.func @transform_3(%arg0: i32) -> (i32, i32) {
    %c0_i32 = arith.constant 0 : i32
    %c0_i32_0 = arith.constant 0 : i32
    %c0_i32_1 = arith.constant 0 : i32
    return %c0_i32, %c0_i32_0 : i32, i32
  }
  func.func @transform_4(%arg0: i32) -> (i32, i32) {
    %c0_i32 = arith.constant 0 : i32
    %c0_i32_0 = arith.constant 0 : i32
    %c0_i32_1 = arith.constant 0 : i32
    return %c0_i32, %c0_i32_0 : i32, i32
  }
  func.func @transform_5(%arg0: i32) -> (i32, i32) {
    %c0_i32 = arith.constant 0 : i32
    %c0_i32_0 = arith.constant 0 : i32
    %c0_i32_1 = arith.constant 0 : i32
    return %c0_i32, %c0_i32_0 : i32, i32
  }
  func.func @transform_6(%arg0: i32) -> (i32, i32) {
    %c0_i32 = arith.constant 0 : i32
    %c0_i32_0 = arith.constant 0 : i32
    return %arg0, %c0_i32 : i32, i32
  }
}

</mosaic_0001>

<sc_bundles>
// kernel: kernel.6.cloned.1.call-start
scs
__scs_entry_jumppad:
0x0: {  	(pc) =	sbr.rel $0x88, $3  }
0x1: {  	(tag) =	ssettag $0x0;
	lr =	simm.s32 $0x1  }
0x2: {  	[smem:$0x3F99] =	sst lr;
	_ =	strace $0xD0000000  }
0x3: {  	_ = 	snop  }
0x4: {  	_ = 	snop  }
0x5: {  	_ = 	snop  }
0x6: {  	_ = 	snop  }
0x7: {  	_ = 	snop  }
__scs_overlays_trampoline_lowered:
0x8: {  	[smem:$0x3FA8] =	sst s0  }
0x9: {  	[smem:$0x3FA9] =	sst s1  }
0xa: {  	[smem:$0x3FAA] =	sst s2  }
0xb: {  	[smem:$0x3FAB] =	sst s3  }
0xc: {  	[smem:$0x3FAC] =	sst s4  }
0xd: {  	[smem:$0x3FAD] =	sst s5  }
0xe: {  	[smem:$0x3FAE] =	sst s6  }
0xf: {  	[smem:$0x3FAF] =	sst s7  }
0x10: {  	[smem:$0x3FB0] =	sst s8  }
0x11: {  	[smem:$0x3FB1] =	sst s9;
	s0 =	simm.s32 @!p0 $0x0  }
0x12: {  	s1 =	sld [smem:$0x3F97];
	s0 =	simm.s32 @p0 $0x1  }
0x13: {  	[smem:$0x3FB2] =	sst s0;
	s0 =	simm.s32 @!p1 $0x0  }
0x14: {  	s2 =	sld [smem:$0x3F96];
	s0 =	simm.s32 @p1 $0x1  }
0x15: {  	[smem:$0x3FB3] =	sst s0;
	s0 =	simm.s32 @!p2 $0x0  }
0x16: {  	s3 =	sld [smem:$0x3FDB];
	s0 =	simm.s32 @p2 $0x1  }
0x17: {  	s4 =	simm.s32 $0x1BF5;
	[smem:$0x3FB5] =	sst s0  }
0x18: {  	s0 =	sld [smem:$0x3F98];
	_ =	swait.ge [sflag:s4], $0x0  }
0x19: {  	s7 =	sld [smem:$0x3F99]  }
0x1a: {  	s8 =	sadd.s32 $0xFFFFE003, lr  }
0x1b: {  	s9 =	sadd.s32 $0xFFFFFEF7, lr;
	s5 =	simm.s32 $0xFFFFFFFF;
	p2 =	slt.u32 s8, $0xFFFFF086  }
0x1c: {  	p1 =	slt.u32 s9, $0xF7A;
	s5 =	simm.s32 @!p2 $0x0  }
0x1d: {  	s5 =	simm.s32 @p1 $0x1;
	p0 =	seq.s32 s7, s2  }
0x1e: {  	s7 =	smul.u32 @!p0 $0xF7A, s2;
	p2 =	seq.s32 @!p0 s5, $0x0  }
0x1f: {  	s9 =	smul.u32 $0xF7A, s1;
	s8 =	simm.s32 @!p0 $0x1BF5;
	p2 =	por !p2, p0  }
0x20: {  	[sflag:s8] =	ssyncset.s32 @!p0 $0xFFFFF086;
	s6 =	sadd.s32 @!p0 s3, s7;
	s7 =	simm.s32 @!p0 $0x108  }
0x21: {  	s3 =	sadd.s32 s3, s9;
	s6 =	sadd.s32 @!p0 $0x88, s6;
	s7 =	simm.s32 @p2 $0x1082  }
0x22: {  	[simem:s7], [sflag:s8] =	dma.local @!p0 [hbm:s6], $0xF7A  }
0x23: {  	s9 =	sor.u32 $0xD0000000, s2;
	s6 =	simm.s32 $0x108;
	_ =	swait.ge @!p0 [sflag:s8], $0x0  }
0x24: {  	s3 =	sadd.s32 $0x88, s3;
	s6 =	simm.s32 @!p1 $0x1082;
	[sflag:s4] =	ssyncset.s32 $0xFFFFF086  }
0x25: {  	[simem:s6], [sflag:s4] =	dma.local [hbm:s3], $0xF7A  }
0x26: {  	[smem:$0x3F99] =	sst s1;
	(tag) =	ssettag s2;
	_ =	strace s9  }
0x27: {  	s1 =	sld [smem:$0x3FA9]  }
0x28: {  	s2 =	sld [smem:$0x3FAA]  }
0x29: {  	s4 =	sld [smem:$0x3FAC]  }
0x2a: {  	p0 =	seq.s32 s5, $0x0;
	s5 =	sld [smem:$0x3FAD]  }
0x2b: {  	s6 =	sld [smem:$0x3FAE]  }
0x2c: {  	s7 =	sld [smem:$0x3FAF]  }
0x2d: {  	s3 =	simm.s32 $0x108;
	s8 =	sld [smem:$0x3FB0]  }
0x2e: {  	s3 =	simm.s32 @!p0 $0x1082;
	s9 =	sld [smem:$0x3FB1]  }
0x2f: {  	lr =	sadd.s32 s0, s3;
	s0 =	sld [smem:$0x3FA8]  }
0x30: {  	s3 =	sld [smem:$0x3FAB]  }
0x31: {  	[smem:$0x3FB4] =	sst s10  }
0x32: {  	s10 =	sld [smem:$0x3FB2];
	_ =	sdelay $0x3  }
0x33: {  	p0 =	seq.s32 s10, $0x1;
	s10 =	sld [smem:$0x3FB4];
	_ =	sdelay $0x3  }
0x34: {  	[smem:$0x3FB4] =	sst s10  }
0x35: {  	s10 =	sld [smem:$0x3FB3];
	_ =	sdelay $0x3  }
0x36: {  	p1 =	seq.s32 s10, $0x1;
	s10 =	sld [smem:$0x3FB4];
	_ =	sdelay $0x3  }
0x37: {  	[smem:$0x3FB4] =	sst s10  }
0x38: {  	s10 =	sld [smem:$0x3FB5]  }
0x39: {  	_ = 	snop;
	(pc) =	sbr.ind lr, $3  }
0x3a: {  	_ = 	snop  }
0x3b: {  	_ = 	snop  }
0x3c: {  	p2 =	seq.s32 s10, $0x1;
	s10 =	sld [smem:$0x3FB4]  }
0x3d: {  	_ =	shalt  }
0x3e: {  	_ =	shalt  }
0x3f: {  	_ =	shalt  }
0x40: {  	_ =	shalt  }
0x41: {  	_ =	shalt  }
0x42: {  	_ =	shalt  }
0x43: {  	_ =	shalt  }
0x44: {  	_ =	shalt  }
0x45: {  	_ =	shalt  }
0x46: {  	_ =	shalt  }
0x47: {  	_ =	shalt  }
0x48: {  	_ =	shalt  }
0x49: {  	_ =	shalt  }
0x4a: {  	_ =	shalt  }
0x4b: {  	_ =	shalt  }
0x4c: {  	_ =	shalt  }
0x4d: {  	_ =	shalt  }
0x4e: {  	_ =	shalt  }
0x4f: {  	_ =	shalt  }
0x50: {  	_ =	shalt  }
0x51: {  	_ =	shalt  }
0x52: {  	_ =	shalt  }
0x53: {  	_ =	shalt  }
0x54: {  	_ =	shalt  }
0x55: {  	_ =	shalt  }
0x56: {  	_ =	shalt  }
0x57: {  	_ =	shalt  }
0x58: {  	_ =	shalt  }
0x59: {  	_ =	shalt  }
0x5a: {  	_ =	shalt  }
0x5b: {  	_ =	shalt  }
0x5c: {  	_ =	shalt  }
0x5d: {  	_ =	shalt  }
0x5e: {  	_ =	shalt  }
0x5f: {  	_ =	shalt  }
0x60: {  	_ =	shalt  }
0x61: {  	_ =	shalt  }
0x62: {  	_ =	shalt  }
0x63: {  	_ =	shalt  }
0x64: {  	_ =	shalt  }
0x65: {  	_ =	shalt  }
0x66: {  	_ =	shalt  }
0x67: {  	_ =	shalt  }
0x68: {  	_ =	shalt  }
0x69: {  	_ =	shalt  }
0x6a: {  	_ =	shalt  }
0x6b: {  	_ =	shalt  }
0x6c: {  	_ =	shalt  }
0x6d: {  	_ =	shalt  }
0x6e: {  	_ =	shalt  }
0x6f: {  	_ =	shalt  }
0x70: {  	_ =	shalt  }
0x71: {  	_ =	shalt  }
0x72: {  	_ =	shalt  }
0x73: {  	_ =	shalt  }
0x74: {  	_ =	shalt  }
0x75: {  	_ =	shalt  }
0x76: {  	_ =	shalt  }
0x77: {  	_ =	shalt  }
0x78: {  	_ =	shalt  }
0x79: {  	_ =	shalt  }
0x7a: {  	_ =	shalt  }
0x7b: {  	_ =	shalt  }
0x7c: {  	_ =	shalt  }
0x7d: {  	_ =	shalt  }
0x7e: {  	_ =	shalt  }
0x7f: {  	_ =	shalt  }
0x80: {  	_ =	shalt  }
0x81: {  	_ =	shalt  }
0x82: {  	_ =	shalt  }
0x83: {  	_ =	shalt  }
0x84: {  	_ =	shalt  }
0x85: {  	_ =	shalt  }
0x86: {  	_ =	shalt  }
0x87: {  	_ =	shalt  }
.Lfunc_end0:
.L_simem_size_0:
called_computation_lowered:
.L_overlay_start_0:
0x88: {  	s2 =	sld [smem:$0x3FD9]  }
0x89: {  	s3 =	sld [smem:$0x3FFE];
	_ =	sdelay $0x1  }
0x8a: {  	s1 =	srdreg.scid  }
0x8b: {  	s0 =	sand.u32 $0x1, s1  }
0x8c: {  	s17 =	sshll.u32 s0, $0xA;
	s2 =	sadd.s32 s3, s2  }
0x8d: {  	s2 =	sadd.s32 s2, s17  }
0x8e: {  	[smem:$0x3FC0] =	sst s2  }
0x8f: {  	_ = 	snop  }
0x90: {  	s2 =	sld [smem:$0x3FD0];
	(tm) =	ssettm $0x1  }
0x91: {  	s18 =	sld [smem:$0x3FFB];
	_ =	sdelay $0x3  }
0x92: {  	_ =	strace s18  }
0x93: {  	s3 =	sld [smem:$0x3FFC];
	_ =	sdelay $0x3  }
0x94: {  	_ =	strace s3  }
0x95: {  	s3 =	sld [smem:$0x3FFD];
	_ =	sdelay $0x3  }
0x96: {  	_ =	strace s3  }
0x97: {  	_ =	strace $0x8FFFFFFF  }
0x98: {  	s19 =	sld [smem:$0x3FDB];
	_ =	sdelay $0x1  }
0x99: {  	s4 =	simm.s32 $_scs_section_size  }
0x9a: {  	s5 =	simm.s32 $_size__tile_overlayer_lowered;
	s6 =	simm.s32 $_tile_overlayer_lowered  }
0x9b: {  	s22 =	simm.s32 $0x1BFF;
	s21 =	sshll.u32 s6, $0x1;
	s3 =	sadd.s32 s4, s19  }
0x9c: {  	s7 =	simm.s32 $0x0;
	s20 =	sshll.u32 s5, $0x1;
	s5 =	sadd.s32 s21, s3  }
0x9d: {  	[timem:s7], [sflag:s22] =	dma.local [hbm:s5], s20  }
0x9e: {  	_ =	swait.ge [sflag:s22], s20  }
0x9f: {  	s4 =	ssub.s32 $0x0, s20;
	[sflag:s22] =	ssyncset.done $0x0  }
0xa0: {  	[sflag:s22] =	ssyncadd.s32 s4;
	_ =	sdelay $0x1  }
0xa1: {  	s23 =	simm.s32 $0x1B8B  }
0xa2: {  	_ =	swait.ge [sflag:s23], $0x1  }
0xa3: {  	[sflag:s23] =	ssyncset.done $0x0  }
0xa4: {  	s25 =	simm.s32 $0x1B8E;
	s24 =	sld [smem:$0x3FFE];
	[sflag:s23] =	ssyncadd.s32 $0xFFFFFFFF  }
0xa5: {  	s26 =	simm.s32 $execute0_lowered;
	[smem:$0x3FD2] =	sst s25  }
0xa6: {  	s5 =	sshll.u32 s26, $0x1;
	_ =	strace $0x80000046;
	[dreg:$0x1] =	wrdreg $0xFFFFFFFF  }
0xa7: {  	s28 =	simm.s32 $_size_execute0_lowered;
	s3 =	sadd.s32 s3, s5;
	[dreg:$0x0] =	wrdreg $0x0  }
0xa8: {  	s5 =	sshll.u32 s28, $0x1;
	[dreg:$0x2] =	wrdreg s3  }
0xa9: {  	[dreg:$0x3] =	wrdreg s5  }
0xaa: {  	[dreg:$0x4] =	wrdreg $0xC0  }
0xab: {  	_ =	task [dreg:s7], $0x5FFFF  }
0xac: {  	[dreg:$0x1] =	wrdreg $0xFFFFFFFF  }
0xad: {  	[dreg:$0x0] =	wrdreg $0x60  }
0xae: {  	[dreg:$0x2] =	wrdreg s24  }
0xaf: {  	[dreg:$0x3] =	wrdreg s2  }
0xb0: {  	[dreg:$0x4] =	wrdreg $0x92000  }
0xb1: {  	[dreg:$0x5] =	wrdreg $0x9  }
0xb2: {  	_ =	task.clear_ibuf [dreg:s7], $0x6FFFF;
	_ =	strace $0x90000046  }
0xb3: {  	s29 =	simm.s32 $0x9;
	_ =	strace $0x80000048  }
0xb4: {  	_ =	swait.ge [sflag:s29], $0x1  }
0xb5: {  	[sflag:s29] =	ssyncadd.s32 $0xFFFFFFFF  }
0xb6: {  	_ =	strace $0x90000048  }
0xb7: {  	_ =	sfence  }
0xb8: {  	s30 =	sld [smem:$0x0];
	_ =	sdelay $0x2  }
0xb9: {  	s31 =	sshll.u32 s1, $0xD;
	s1 =	sshrl.u32 s1, $0x2  }
0xba: {  	s3 =	sand.u32 $0x4000, s31;
	s1 =	sadd.s32 s1, s30  }
0xbb: {  	s0 =	sor.u32 s3, s0;
	s1 =	sshll.u32 s1, $0x11  }
0xbc: {  	s0 =	sor.u32 s1, s0  }
0xbd: {  	s0 =	sadd.s32 $0x8F2B, s0  }
0xbe: {  	[sflag:s0] =	ssyncadd.remote.s32 $0x1  }
0xbf: {  	_ =	sfence.sel $0xFFFF  }
0xc0: {  	[dreg:$0x0] =	wrdreg $0xFFFFFFFF;
	(pc) =	sbr.abs _section_cstart, $3  }
0xc1: {  	[dreg:$0x1] =	wrdreg $0xFFFFFFFF  }
0xc2: {  	_ =	task.clear_ibuf [dreg:s7], $0x2FFFF;
	_ =	strace $0x9FFFFFFF  }
0xc3: {  	(tm) =	ssettm $0x7FFFFFFF  }
tec
execute0_lowered:
.L_overlay_start_1:
0x0: {  	(tag) =	ssettag $0x1  }
0x1: {  	s0 =	rddreg [dreg:$0x0]  }
0x2: {  	s2 =	rddreg [dreg:$0x1]  }
0x3: {  	s1 =	rddreg [dreg:$0x2]  }
0x4: {  	s3 =	srdreg.scid;
	s12 =	stileid.u32  }
0x5: {  	s29 =	simm.s32 $0x8;
	s30 =	simm.s32 $0x4200;
	s7 =	smul.u32 $0x14000, s12  }
0x6: {  	s31 =	simm.s32 $0x50;
	s28 =	simm.s32 $0x80;
	s11 =	smul.u32 $0x50000, s12  }
0x7: {  	s6 =	sand.u32 $0x1, s3;
	s3 =	simm.s32 $0x0;
	s14 =	smul.u32 $0x2710, s12  }
0x8: {  	s4 =	sadd.s32 $0xC000, s0;
	s5 =	smul.u32 $0x140000, s6;
	[smem:$0x7FF] =	sst s3  }
0x9: {  	s8 =	sshll.u32 s6, $0x4;
	s21 =	ssub.s32 $0x2, s6;
	_ =	strace $0x80000047  }
0xa: {  	s8 =	sor.u32 s12, s8;
	s24 =	sshrl.u32 s11, $0x2;
	s7 =	sadd.s32 s7, s5  }
0xb: {  	s9 =	smul.u32 $0x2710, s8;
	s8 =	sshll.u32 s8, $0xB;
	s7 =	sshrl.u32 s7, $0x3  }
0xc: {  	s5 =	sadd.s32 $0x2200, s0;
	s2 =	sadd.s32 s2, s8;
	s0 =	sadd.s32 s7, s0  }
0xd: {  	[dreg:$0x4] =	wrdreg s2;
	s22 =	sshrl.u32 s9, $0x3;
	s9 =	sadd.s32 s24, s1  }
0xe: {  	s10 =	sshrl.u32 s21, $0x1;
	s23 =	sadd.s32 $0x84000, s0;
	[dreg:$0xd] =	wrdreg s9  }
0xf: {  	s11 =	smul.u32 $0x27100, s6;
	s2 =	sadd.s32 s5, s22;
	[dreg:$0x5] =	wrdreg s23  }
0x10: {  	s7 =	ssub.s32 s21, s10;
	s0 =	sadd.s32 $0x34000, s0;
	[dreg:$0x6] =	wrdreg s2  }
0x11: {  	s12 =	simm.s32 $0x3;
	s13 =	smax.u32 s7, $0x1;
	[dreg:$0xb] =	wrdreg s0  }
0x12: {  	s8 =	simm.s32 $0x0;
	s15 =	sadd.s32 $0xC800, s9;
	[dreg:$0xc] =	wrdreg s13  }
0x13: {  	s22 =	sadd.s32 $0x2800, s9;
	s16 =	sadd.s32 $0xF000, s9;
	[dreg:$0xf] =	wrdreg s15  }
0x14: {  	s24 =	sadd.s32 $0x11800, s9;
	s7 =	simm.s32 $0x2;
	[dreg:$0x10] =	wrdreg s16  }
0x15: {  	s25 =	sadd.s32 $0xA, s2;
	s26 =	sadd.s32 $0x14, s2;
	[dreg:$0x15] =	wrdreg s24  }
0x16: {  	s10 =	sadd.s32 $0x1E, s2;
	s2 =	sadd.s32 $0x4D8, s2;
	[dreg:$0xe] =	wrdreg s22  }
0x17: {  	s23 =	sadd.s32 $0x5000, s9;
	s0 =	sadd.s32 s14, s11;
	[dreg:$0x7] =	wrdreg s25  }
0x18: {  	s11 =	simm.s32 $0x5;
	s13 =	simm.s32 $0x6;
	[dreg:$0x8] =	wrdreg s26  }
0x19: {  	s14 =	simm.s32 $0x4;
	s15 =	simm.s32 $0x1;
	[dreg:$0x9] =	wrdreg s10  }
0x1a: {  	[dreg:$0xa] =	wrdreg s2;
	s25 =	sadd.s32 $0x7800, s9;
	s26 =	sadd.s32 $0xA000, s9  }
0x1b: {  	s17 =	sadd.s32 $0x230, s0;
	s18 =	sadd.s32 $0x1E0, s0;
	s19 =	sadd.s32 $0x190, s0  }
0x1c: {  	s0 =	sadd.s32 $0x140, s0;
	s10 =	simm.s32 $0x6A00;
	s2 =	sshrl.u32 s17, $0x3  }
0x1d: {  	s6 =	sshrl.u32 s18, $0x3;
	[dreg:$0x14] =	wrdreg s0;
	s2 =	sadd.s32 s2, s5  }
0x1e: {  	s21 =	sshrl.u32 s19, $0x3;
	s20 =	sadd.s32 s6, s5;
	[dreg:$0x11] =	wrdreg s2  }
0x1f: {  	s0 =	simm.s32 $0x7;
	[dreg:$0x12] =	wrdreg s20;
	s2 =	sadd.s32 s21, s5  }
0x20: {  	v0 =	vimm.f32 $0.0e+00;
	v1 =	vimm.f32 $1.000000000e+00;
	s6 =	simm.s32 $0x180;
	[dreg:$0x13] =	wrdreg s2;
	s2 =	simm.s32 $0x100  }
.LBB2_1:
0x21: {  	s16 =	rddreg [dreg:$0x4];
	s17 =	simm.s32 $0x200  }
0x22: {  	[tilespmem:s17], [sflag:$0x8] =	stream.linear.gather [hbm4b:s16+s3], $0x3E80, $0x38;
	[tilespmem:$0x1D200] =	vst v63  }
0x23: {  	_ =	swait.ge [sflag:s29], $0x3E80  }
0x24: {  	[sflag:s29] =	ssyncset.done $0x0  }
0x25: {  	s16 =	simm.s32 $0x70;
	s17 =	simm.s32 $0x3C0;
	[sflag:s29] =	ssyncadd.s32 $0xFFFFC180  }
.LBB2_2:
0x26: {  	p0 =	sne.s32 s17, $0x9FC0;
	[tilespmem:s16+$0x4200] =	vst v0  }
0x27: {  	[tilespmem:s16+$0x4190] =	vst v0  }
0x28: {  	[tilespmem:s16+$0x41A0] =	vst v0  }
.Ltmp0:
0x29: {  	[tilespmem:s16+$0x41B0] =	vst v0;
	(pc) =	sbr.rel @p0 .LBB2_2-.Ltmp0, $4  }
0x2a: {  	[tilespmem:s16+$0x41C0] =	vst v0  }
0x2b: {  	[tilespmem:s16+$0x41D0] =	vst v0  }
0x2c: {  	[tilespmem:s16+$0x41E0] =	vst v0  }
0x2d: {  	[tilespmem:s16+$0x41F0] =	vst v0;
	s16 =	sshra.s32 s17, $0x2;
	s17 =	sadd.s32 $0x200, s17  }
0x2e: {  	[tilespmem:s16+$0x4200] =	vst v0  }
0x2f: {  	[tilespmem:s16+$0x4190] =	vst v0  }
0x30: {  	[tilespmem:s16+$0x41A0] =	vst v0  }
0x31: {  	[tilespmem:s16+$0x41B0] =	vst v0  }
0x32: {  	[tilespmem:s16+$0x41C0] =	vst v0  }
0x33: {  	[tilespmem:s16+$0x41D0] =	vst v0  }
0x34: {  	[tilespmem:s16+$0x41E0] =	vst v0  }
0x35: {  	[tilespmem:s16+$0x41F0] =	vst v0  }
0x36: {  	[spmem:s9] =	stream.linear.scatter [tilespmem:s30], [sflag:$0x8], $0x2800, $0x38;
	[tilespmem:$0x1D200] =	vst v63  }
0x37: {  	_ =	swait.ge [sflag:s29], $0x2800  }
0x38: {  	[sflag:s29] =	ssyncset.done $0x0  }
0x39: {  	[sflag:s29] =	ssyncadd.s32 $0xFFFFD800  }
0x3a: {  	[spmem:s22] =	stream.linear.scatter [tilespmem:s30], [sflag:$0x8], $0x2800, $0x38;
	[tilespmem:$0x1D200] =	vst v63  }
0x3b: {  	_ =	swait.ge [sflag:s29], $0x2800  }
0x3c: {  	[sflag:s29] =	ssyncset.done $0x0  }
0x3d: {  	[sflag:s29] =	ssyncadd.s32 $0xFFFFD800  }
0x3e: {  	[spmem:s23] =	stream.linear.scatter [tilespmem:s30], [sflag:$0x8], $0x2800, $0x38;
	[tilespmem:$0x1D200] =	vst v63  }
0x3f: {  	_ =	swait.ge [sflag:s29], $0x2800  }
0x40: {  	[sflag:s29] =	ssyncset.done $0x0  }
0x41: {  	[sflag:s29] =	ssyncadd.s32 $0xFFFFD800  }
0x42: {  	[spmem:s25] =	stream.linear.scatter [tilespmem:s30], [sflag:$0x8], $0x2800, $0x38;
	[tilespmem:$0x1D200] =	vst v63  }
0x43: {  	_ =	swait.ge [sflag:s29], $0x2800  }
0x44: {  	[sflag:s29] =	ssyncset.done $0x0  }
0x45: {  	[sflag:s29] =	ssyncadd.s32 $0xFFFFD800  }
0x46: {  	[spmem:s26] =	stream.linear.scatter [tilespmem:s30], [sflag:$0x8], $0x2800, $0x38;
	[tilespmem:$0x1D200] =	vst v63  }
0x47: {  	_ =	swait.ge [sflag:s29], $0x2800  }
0x48: {  	[sflag:s29] =	ssyncset.done $0x0  }
0x49: {  	s20 =	rddreg [dreg:$0xf];
	[sflag:s29] =	ssyncadd.s32 $0xFFFFD800  }
0x4a: {  	[spmem:s20] =	stream.linear.scatter [tilespmem:s30], [sflag:$0x8], $0x2800, $0x38;
	[tilespmem:$0x1D200] =	vst v63  }
0x4b: {  	_ =	swait.ge [sflag:s29], $0x2800  }
0x4c: {  	[sflag:s29] =	ssyncset.done $0x0  }
0x4d: {  	s21 =	rddreg [dreg:$0x10];
	[sflag:s29] =	ssyncadd.s32 $0xFFFFD800  }
0x4e: {  	[spmem:s21] =	stream.linear.scatter [tilespmem:s30], [sflag:$0x8], $0x2800, $0x38;
	[tilespmem:$0x1D200] =	vst v63  }
0x4f: {  	_ =	swait.ge [sflag:s29], $0x2800  }
0x50: {  	[sflag:s29] =	ssyncset.done $0x0  }
0x51: {  	s24 =	rddreg [dreg:$0x15];
	[sflag:s29] =	ssyncadd.s32 $0xFFFFD800  }
0x52: {  	[spmem:s24] =	stream.linear.scatter [tilespmem:s30], [sflag:$0x8], $0x2800, $0x38;
	[tilespmem:$0x1D200] =	vst v63  }
0x53: {  	_ =	swait.ge [sflag:s29], $0x2800  }
0x54: {  	[sflag:s29] =	ssyncset.done $0x0  }
0x55: {  	[sflag:s29] =	ssyncadd.s32 $0xFFFFD800  }
0x56: {  	s16 =	simm.s32 $0x70;
	s17 =	simm.s32 $0x3C0;
	[bflag:$0x0] =	sbarrier.arrive $0xFFFF  }
.LBB2_4:
0x57: {  	p0 =	sne.s32 s17, $0x9FC0;
	[tilespmem:s16+$0x4200] =	vst v1  }
0x58: {  	[tilespmem:s16+$0x4190] =	vst v1  }
0x59: {  	[tilespmem:s16+$0x41A0] =	vst v1  }
.Ltmp1:
0x5a: {  	[tilespmem:s16+$0x41B0] =	vst v1;
	(pc) =	sbr.rel @p0 .LBB2_4-.Ltmp1, $4  }
0x5b: {  	[tilespmem:s16+$0x41C0] =	vst v1  }
0x5c: {  	[tilespmem:s16+$0x41D0] =	vst v1  }
0x5d: {  	[tilespmem:s16+$0x41E0] =	vst v1  }
0x5e: {  	[tilespmem:s16+$0x41F0] =	vst v1;
	s16 =	sshra.s32 s17, $0x2;
	s17 =	sadd.s32 $0x200, s17  }
0x5f: {  	[tilespmem:s16+$0x4200] =	vst v1  }
0x60: {  	[tilespmem:s16+$0x4190] =	vst v1  }
0x61: {  	[tilespmem:s16+$0x41A0] =	vst v1  }
0x62: {  	[tilespmem:s16+$0x41B0] =	vst v1  }
0x63: {  	[tilespmem:s16+$0x41C0] =	vst v1  }
0x64: {  	[tilespmem:s16+$0x41D0] =	vst v1  }
0x65: {  	[tilespmem:s16+$0x41E0] =	vst v1  }
0x66: {  	[tilespmem:s16+$0x41F0] =	vst v1;
	s18 =	simm.s32 $0x200  }
0x67: {  	[spmem:s1] =	stream.indirect.scatter.add.f32 [tilespmem:s30], [sflag:$0x7], $0x80, s18, s31, $0xb8;
	[tilespmem:$0x1D200] =	vst v63  }
0x68: {  	s19 =	simm.s32 $0x280  }
0x69: {  	[spmem:s1] =	stream.indirect.scatter.add.f32 [tilespmem:s30], [sflag:$0x7], $0x80, s19, s31, $0xb8;
	[tilespmem:$0x1D200] =	vst v63  }
0x6a: {  	s20 =	simm.s32 $0x300  }
0x6b: {  	[spmem:s1] =	stream.indirect.scatter.add.f32 [tilespmem:s30], [sflag:$0x7], $0x80, s20, s31, $0xb8;
	[tilespmem:$0x1D200] =	vst v63  }
0x6c: {  	s21 =	simm.s32 $0x380  }
0x6d: {  	[spmem:s1] =	stream.indirect.scatter.add.f32 [tilespmem:s30], [sflag:$0x7], $0x80, s21, s31, $0xb8;
	[tilespmem:$0x1D200] =	vst v63  }
0x6e: {  	s24 =	simm.s32 $0x400  }
0x6f: {  	[spmem:s1] =	stream.indirect.scatter.add.f32 [tilespmem:s30], [sflag:$0x7], $0x80, s24, s31, $0xb8;
	[tilespmem:$0x1D200] =	vst v63  }
0x70: {  	_ =	swait.ge [sflag:s0], $0x2800  }
0x71: {  	[sflag:s0] =	ssyncset.done $0x0  }
0x72: {  	[sflag:s0] =	ssyncadd.s32 $0xFFFFD800  }
0x73: {  	_ =	swait.ge [sflag:s0], $0x2800  }
0x74: {  	[sflag:s0] =	ssyncset.done $0x0  }
0x75: {  	[sflag:s0] =	ssyncadd.s32 $0xFFFFD800  }
0x76: {  	_ =	swait.ge [sflag:s0], $0x2800  }
0x77: {  	[sflag:s0] =	ssyncset.done $0x0  }
0x78: {  	[sflag:s0] =	ssyncadd.s32 $0xFFFFD800  }
0x79: {  	_ =	swait.ge [sflag:s0], $0x2800  }
0x7a: {  	[sflag:s0] =	ssyncset.done $0x0  }
0x7b: {  	[sflag:s0] =	ssyncadd.s32 $0xFFFFD800  }
0x7c: {  	_ =	swait.ge [sflag:s0], $0x2800  }
0x7d: {  	s17 =	simm.s32 $0x1400;
	s16 =	simm.s32 $0x280;
	[sflag:s0] =	ssyncset.done $0x0  }
.LBB2_6:
0x7e: {  	s18 =	sadd.s32 $0x200, s16  }
0x7f: {  	[sflag:s0] =	ssyncadd.s32 $0xFFFFD800;
	s19 =	smov.u32 s17;
	s20 =	sadd.s32 $0xA00, s17  }
0x80: {  	[spmem:s1] =	stream.indirect.scatter.add.f32 [tilespmem:s30], [sflag:$0x7], $0x80, s18, s31, $0xb8;
	[tilespmem:$0x1D200] =	vst v63  }
0x81: {  	p0 =	sne.s32 s17, $0xF000;
	s17 =	sadd.s32 $0x280, s16  }
0x82: {  	[spmem:s1] =	stream.indirect.scatter.add.f32 [tilespmem:s30], [sflag:$0x7], $0x80, s17, s31, $0xb8;
	[tilespmem:$0x1D200] =	vst v63  }
0x83: {  	s17 =	sadd.s32 $0x300, s16  }
0x84: {  	[spmem:s1] =	stream.indirect.scatter.add.f32 [tilespmem:s30], [sflag:$0x7], $0x80, s17, s31, $0xb8;
	[tilespmem:$0x1D200] =	vst v63  }
0x85: {  	s17 =	sadd.s32 $0x380, s16  }
0x86: {  	[spmem:s1] =	stream.indirect.scatter.add.f32 [tilespmem:s30], [sflag:$0x7], $0x80, s17, s31, $0xb8;
	[tilespmem:$0x1D200] =	vst v63  }
0x87: {  	s16 =	sadd.s32 $0x400, s16  }
0x88: {  	[spmem:s1] =	stream.indirect.scatter.add.f32 [tilespmem:s30], [sflag:$0x7], $0x80, s16, s31, $0xb8;
	[tilespmem:$0x1D200] =	vst v63  }
0x89: {  	_ =	swait.ge [sflag:s0], $0x2800  }
0x8a: {  	[sflag:s0] =	ssyncset.done $0x0  }
0x8b: {  	[sflag:s0] =	ssyncadd.s32 $0xFFFFD800  }
0x8c: {  	_ =	swait.ge [sflag:s0], $0x2800  }
0x8d: {  	[sflag:s0] =	ssyncset.done $0x0  }
0x8e: {  	[sflag:s0] =	ssyncadd.s32 $0xFFFFD800  }
0x8f: {  	_ =	swait.ge [sflag:s0], $0x2800  }
0x90: {  	[sflag:s0] =	ssyncset.done $0x0  }
0x91: {  	[sflag:s0] =	ssyncadd.s32 $0xFFFFD800  }
.Ltmp2:
0x92: {  	_ =	swait.ge [sflag:s0], $0x2800;
	(pc) =	sbr.rel @p0 .LBB2_6-.Ltmp2, $4  }
0x93: {  	[sflag:s0] =	ssyncset.done $0x0  }
0x94: {  	[sflag:s0] =	ssyncadd.s32 $0xFFFFD800  }
0x95: {  	_ =	swait.ge [sflag:s0], $0x2800  }
0x96: {  	s17 =	smov.u32 s20;
	s16 =	sshra.s32 s19, $0x2;
	[sflag:s0] =	ssyncset.done $0x0  }
0x97: {  	s17 =	sadd.s32 $0x200, s16;
	[sflag:s0] =	ssyncadd.s32 $0xFFFFD800  }
0x98: {  	[spmem:s1] =	stream.indirect.scatter.add.f32 [tilespmem:s30], [sflag:$0x7], $0x80, s17, s31, $0xb8;
	[tilespmem:$0x1D200] =	vst v63  }
0x99: {  	s18 =	sadd.s32 $0x280, s16  }
0x9a: {  	[spmem:s1] =	stream.indirect.scatter.add.f32 [tilespmem:s30], [sflag:$0x7], $0x80, s18, s31, $0xb8;
	[tilespmem:$0x1D200] =	vst v63  }
0x9b: {  	s19 =	sadd.s32 $0x300, s16  }
0x9c: {  	[spmem:s1] =	stream.indirect.scatter.add.f32 [tilespmem:s30], [sflag:$0x7], $0x80, s19, s31, $0xb8;
	[tilespmem:$0x1D200] =	vst v63  }
0x9d: {  	s20 =	sadd.s32 $0x380, s16  }
0x9e: {  	[spmem:s1] =	stream.indirect.scatter.add.f32 [tilespmem:s30], [sflag:$0x7], $0x80, s20, s31, $0xb8;
	[tilespmem:$0x1D200] =	vst v63  }
0x9f: {  	s21 =	sadd.s32 $0x400, s16  }
0xa0: {  	[spmem:s1] =	stream.indirect.scatter.add.f32 [tilespmem:s30], [sflag:$0x7], $0x80, s21, s31, $0xb8;
	[tilespmem:$0x1D200] =	vst v63  }
0xa1: {  	_ =	swait.ge [sflag:s0], $0x2800  }
0xa2: {  	[sflag:s0] =	ssyncset.done $0x0  }
0xa3: {  	[sflag:s0] =	ssyncadd.s32 $0xFFFFD800  }
0xa4: {  	_ =	swait.ge [sflag:s0], $0x2800  }
0xa5: {  	[sflag:s0] =	ssyncset.done $0x0  }
0xa6: {  	[sflag:s0] =	ssyncadd.s32 $0xFFFFD800  }
0xa7: {  	_ =	swait.ge [sflag:s0], $0x2800  }
0xa8: {  	[sflag:s0] =	ssyncset.done $0x0  }
0xa9: {  	[sflag:s0] =	ssyncadd.s32 $0xFFFFD800  }
0xaa: {  	_ =	swait.ge [sflag:s0], $0x2800  }
0xab: {  	[sflag:s0] =	ssyncset.done $0x0  }
0xac: {  	[sflag:s0] =	ssyncadd.s32 $0xFFFFD800  }
0xad: {  	_ =	swait.ge [sflag:s0], $0x2800  }
0xae: {  	[sflag:s0] =	ssyncset.done $0x0  }
0xaf: {  	s24 =	stileid.u32;
	[sflag:s0] =	ssyncadd.s32 $0xFFFFD800  }
0xb0: {  	s16 =	sshll.u32 s24, $0x6;
	[bflag:$0x0] =	sbarrier.arrive $0xFFFF  }
0xb1: {  	s17 =	sshrl.u32 s9, $0x3;
	s16 =	sor.u32 $0x1C08, s16;
	s18 =	rddreg [dreg:$0x5]  }
0xb2: {  	[hbm:s18], [sflag:s16] =	dma.local [spmem:s17], $0x2800  }
0xb3: {  	_ =	swait.ge [sflag:s29], $0x2800  }
0xb4: {  	[sflag:s29] =	ssyncset.done $0x0  }
0xb5: {  	s19 =	simm.s32 $0x3C0;
	s18 =	simm.s32 $0x70;
	[sflag:s29] =	ssyncadd.s32 $0xFFFFD800  }
.LBB2_8:
0xb6: {  	p0 =	sne.s32 s19, $0x9FC0;
	[tilespmem:s18+$0x4200] =	vst v0  }
0xb7: {  	[tilespmem:s18+$0x4190] =	vst v0  }
0xb8: {  	[tilespmem:s18+$0x41A0] =	vst v0  }
.Ltmp3:
0xb9: {  	[tilespmem:s18+$0x41B0] =	vst v0;
	(pc) =	sbr.rel @p0 .LBB2_8-.Ltmp3, $4  }
0xba: {  	[tilespmem:s18+$0x41C0] =	vst v0  }
0xbb: {  	[tilespmem:s18+$0x41D0] =	vst v0  }
0xbc: {  	[tilespmem:s18+$0x41E0] =	vst v0  }
0xbd: {  	[tilespmem:s18+$0x41F0] =	vst v0;
	s18 =	sshra.s32 s19, $0x2;
	s19 =	sadd.s32 $0x200, s19  }
0xbe: {  	[tilespmem:s18+$0x4200] =	vst v0  }
0xbf: {  	[tilespmem:s18+$0x4190] =	vst v0  }
0xc0: {  	[tilespmem:s18+$0x41A0] =	vst v0  }
0xc1: {  	[tilespmem:s18+$0x41B0] =	vst v0  }
0xc2: {  	[tilespmem:s18+$0x41C0] =	vst v0  }
0xc3: {  	[tilespmem:s18+$0x41D0] =	vst v0  }
0xc4: {  	[tilespmem:s18+$0x41E0] =	vst v0  }
0xc5: {  	[tilespmem:s18+$0x41F0] =	vst v0  }
0xc6: {  	[spmem:s9] =	stream.linear.scatter [tilespmem:s30], [sflag:$0x8], $0x2800, $0x38;
	[tilespmem:$0x1D200] =	vst v63  }
0xc7: {  	_ =	swait.ge [sflag:s29], $0x2800  }
0xc8: {  	[sflag:s29] =	ssyncset.done $0x0  }
0xc9: {  	[sflag:s29] =	ssyncadd.s32 $0xFFFFD800  }
0xca: {  	[spmem:s22] =	stream.linear.scatter [tilespmem:s30], [sflag:$0x8], $0x2800, $0x38;
	[tilespmem:$0x1D200] =	vst v63  }
0xcb: {  	_ =	swait.ge [sflag:s29], $0x2800  }
0xcc: {  	[sflag:s29] =	ssyncset.done $0x0  }
0xcd: {  	[sflag:s29] =	ssyncadd.s32 $0xFFFFD800  }
0xce: {  	[spmem:s23] =	stream.linear.scatter [tilespmem:s30], [sflag:$0x8], $0x2800, $0x38;
	[tilespmem:$0x1D200] =	vst v63  }
0xcf: {  	_ =	swait.ge [sflag:s29], $0x2800  }
0xd0: {  	[sflag:s29] =	ssyncset.done $0x0  }
0xd1: {  	[sflag:s29] =	ssyncadd.s32 $0xFFFFD800  }
0xd2: {  	[spmem:s25] =	stream.linear.scatter [tilespmem:s30], [sflag:$0x8], $0x2800, $0x38;
	[tilespmem:$0x1D200] =	vst v63  }
0xd3: {  	_ =	swait.ge [sflag:s29], $0x2800  }
0xd4: {  	[sflag:s29] =	ssyncset.done $0x0  }
0xd5: {  	[sflag:s29] =	ssyncadd.s32 $0xFFFFD800  }
0xd6: {  	[spmem:s26] =	stream.linear.scatter [tilespmem:s30], [sflag:$0x8], $0x2800, $0x38;
	[tilespmem:$0x1D200] =	vst v63  }
0xd7: {  	_ =	swait.ge [sflag:s29], $0x2800  }
0xd8: {  	[sflag:s29] =	ssyncset.done $0x0  }
0xd9: {  	s21 =	smov.u32 s26;
	s26 =	rddreg [dreg:$0xf];
	[sflag:s29] =	ssyncadd.s32 $0xFFFFD800  }
0xda: {  	[spmem:s26] =	stream.linear.scatter [tilespmem:s30], [sflag:$0x8], $0x2800, $0x38;
	[tilespmem:$0x1D200] =	vst v63  }
0xdb: {  	_ =	swait.ge [sflag:s29], $0x2800  }
0xdc: {  	[sflag:s29] =	ssyncset.done $0x0  }
0xdd: {  	s19 =	rddreg [dreg:$0x10];
	[sflag:s29] =	ssyncadd.s32 $0xFFFFD800  }
0xde: {  	[spmem:s19] =	stream.linear.scatter [tilespmem:s30], [sflag:$0x8], $0x2800, $0x38;
	[tilespmem:$0x1D200] =	vst v63  }
0xdf: {  	_ =	swait.ge [sflag:s29], $0x2800  }
0xe0: {  	[sflag:s29] =	ssyncset.done $0x0  }
0xe1: {  	s20 =	rddreg [dreg:$0x15];
	[sflag:s29] =	ssyncadd.s32 $0xFFFFD800  }
0xe2: {  	[spmem:s20] =	stream.linear.scatter [tilespmem:s30], [sflag:$0x8], $0x2800, $0x38;
	[tilespmem:$0x1D200] =	vst v63  }
0xe3: {  	_ =	swait.ge [sflag:s29], $0x2800  }
0xe4: {  	[sflag:s29] =	ssyncset.done $0x0  }
0xe5: {  	[sflag:s29] =	ssyncadd.s32 $0xFFFFD800  }
0xe6: {  	[bflag:$0x0] =	sbarrier.arrive $0xFFFF  }
0xe7: {  	s22 =	simm.s32 $0x0;
	s19 =	rddreg [dreg:$0x6]  }
0xe8: {  	[tilespmem:s22], [sflag:$0x8] =	stream.linear.gather [hbm4b:s19+s22], $0x50, $0x38;
	[tilespmem:$0x1D200] =	vst v63  }
0xe9: {  	_ =	swait.ge [sflag:s29], $0x50  }
0xea: {  	[sflag:s29] =	ssyncset.done $0x0  }
0xeb: {  	s24 =	smov.u32 s23;
	s23 =	rddreg [dreg:$0x7];
	[sflag:s29] =	ssyncadd.s32 $0xFFFFFFB0  }
0xec: {  	[tilespmem:s28], [sflag:$0x2] =	stream.linear.gather [hbm4b:s23+s22], $0x50, $0x38;
	[tilespmem:$0x1D200] =	vst v63  }
0xed: {  	s9 =	smov.u32 s25;
	s25 =	rddreg [dreg:$0x8]  }
0xee: {  	[tilespmem:s2], [sflag:$0x3] =	stream.linear.gather [hbm4b:s25+s22], $0x50, $0x38;
	[tilespmem:$0x1D200] =	vst v63  }
0xef: {  	s26 =	rddreg [dreg:$0x9]  }
0xf0: {  	[tilespmem:s6], [sflag:$0x4] =	stream.linear.gather [hbm4b:s26+s22], $0x50, $0x38;
	[tilespmem:$0x1D200] =	vst v63  }
0xf1: {  	_ = 	snop  }
0xf2: {  	[tilespmem:s30], [sflag:$0x5] =	stream.indirect.gather [hbm4b:s4+s31], $0x80, s22, s31, $0xb8;
	[tilespmem:$0x1D200] =	vst v63  }
0xf3: {  	_ =	swait.ge [sflag:s7], $0x50  }
0xf4: {  	[sflag:s7] =	ssyncset.done $0x0  }
0xf5: {  	[sflag:s7] =	ssyncadd.s32 $0xFFFFFFB0  }
0xf6: {  	[tilespmem:s10], [sflag:$0x6] =	stream.indirect.gather [hbm4b:s4+s31], $0x80, s28, s31, $0xb8;
	[tilespmem:$0x1D200] =	vst v63  }
0xf7: {  	_ =	swait.ge [sflag:s11], $0x2800  }
0xf8: {  	s20 =	rddreg [dreg:$0x14]  }
0xf9: {  	[sflag:s11] =	ssyncset.done $0x0;
	s19 =	sshrl.u32 s20, $0x3  }
0xfa: {  	[sflag:s11] =	ssyncadd.s32 $0xFFFFD800;
	s18 =	sadd.s32 s5, s19  }
0xfb: {  	[tilespmem:s3], [sflag:$0x1] =	stream.linear.gather [hbm4b:s18+s3], $0x50, $0x38;
	[tilespmem:$0x1D200] =	vst v63  }
0xfc: {  	s22 =	simm.s32 $0x200  }
0xfd: {  	[spmem:s1] =	stream.indirect.scatter.add.f32 [tilespmem:s30], [sflag:$0x8], $0x80, s22, s31, $0xb8;
	[tilespmem:$0x1D200] =	vst v63  }
0xfe: {  	_ =	swait.ge [sflag:s29], $0x2800  }
0xff: {  	[sflag:s29] =	ssyncset.done $0x0  }
0x100: {  	[sflag:s29] =	ssyncadd.s32 $0xFFFFD800  }
0x101: {  	_ =	swait.ge [sflag:s12], $0x50  }
0x102: {  	[sflag:s12] =	ssyncset.done $0x0  }
0x103: {  	[sflag:s12] =	ssyncadd.s32 $0xFFFFFFB0  }
0x104: {  	[tilespmem:s30], [sflag:$0x5] =	stream.indirect.gather [hbm4b:s4+s31], $0x80, s2, s31, $0xb8;
	[tilespmem:$0x1D200] =	vst v63  }
0x105: {  	_ =	swait.ge [sflag:s13], $0x2800  }
0x106: {  	[sflag:s13] =	ssyncset.done $0x0  }
0x107: {  	s19 =	rddreg [dreg:$0x13];
	[sflag:s13] =	ssyncadd.s32 $0xFFFFD800  }
0x108: {  	[tilespmem:s28], [sflag:$0x2] =	stream.linear.gather [hbm4b:s19+s3], $0x50, $0x38;
	[tilespmem:$0x1D200] =	vst v63  }
0x109: {  	s23 =	simm.s32 $0x280  }
0x10a: {  	[spmem:s1] =	stream.indirect.scatter.add.f32 [tilespmem:s10], [sflag:$0x8], $0x80, s23, s31, $0xb8;
	[tilespmem:$0x1D200] =	vst v63  }
0x10b: {  	_ =	swait.ge [sflag:s29], $0x2800  }
0x10c: {  	[sflag:s29] =	ssyncset.done $0x0  }
0x10d: {  	[sflag:s29] =	ssyncadd.s32 $0xFFFFD800  }
0x10e: {  	_ =	swait.ge [sflag:s14], $0x50  }
0x10f: {  	[sflag:s14] =	ssyncset.done $0x0  }
0x110: {  	[sflag:s14] =	ssyncadd.s32 $0xFFFFFFB0  }
0x111: {  	[tilespmem:s10], [sflag:$0x6] =	stream.indirect.gather [hbm4b:s4+s31], $0x80, s6, s31, $0xb8;
	[tilespmem:$0x1D200] =	vst v63  }
0x112: {  	_ =	swait.ge [sflag:s11], $0x2800  }
0x113: {  	[sflag:s11] =	ssyncset.done $0x0  }
0x114: {  	s23 =	rddreg [dreg:$0x12];
	[sflag:s11] =	ssyncadd.s32 $0xFFFFD800  }
0x115: {  	[tilespmem:s2], [sflag:$0x3] =	stream.linear.gather [hbm4b:s23+s3], $0x50, $0x38;
	[tilespmem:$0x1D200] =	vst v63  }
0x116: {  	s25 =	simm.s32 $0x300  }
0x117: {  	[spmem:s1] =	stream.indirect.scatter.add.f32 [tilespmem:s30], [sflag:$0x8], $0x80, s25, s31, $0xb8;
	[tilespmem:$0x1D200] =	vst v63  }
0x118: {  	_ =	swait.ge [sflag:s29], $0x2800  }
0x119: {  	[sflag:s29] =	ssyncset.done $0x0  }
0x11a: {  	[sflag:s29] =	ssyncadd.s32 $0xFFFFD800  }
0x11b: {  	_ =	swait.ge [sflag:s15], $0x50  }
0x11c: {  	[sflag:s15] =	ssyncset.done $0x0  }
0x11d: {  	[sflag:s15] =	ssyncadd.s32 $0xFFFFFFB0  }
0x11e: {  	[tilespmem:s30], [sflag:$0x5] =	stream.indirect.gather [hbm4b:s4+s31], $0x80, s3, s31, $0xb8;
	[tilespmem:$0x1D200] =	vst v63  }
0x11f: {  	_ =	swait.ge [sflag:s13], $0x2800  }
0x120: {  	[sflag:s13] =	ssyncset.done $0x0  }
0x121: {  	s22 =	rddreg [dreg:$0x11];
	[sflag:s13] =	ssyncadd.s32 $0xFFFFD800  }
0x122: {  	[tilespmem:s6], [sflag:$0x4] =	stream.linear.gather [hbm4b:s22+s3], $0x50, $0x38;
	[tilespmem:$0x1D200] =	vst v63  }
0x123: {  	s26 =	simm.s32 $0x380  }
0x124: {  	[spmem:s1] =	stream.indirect.scatter.add.f32 [tilespmem:s10], [sflag:$0x8], $0x80, s26, s31, $0xb8;
	[tilespmem:$0x1D200] =	vst v63  }
0x125: {  	s20 =	sadd.s32 $0x140, s20;
	_ =	swait.ge [sflag:s29], $0x2800  }
0x126: {  	s18 =	simm.s32 $0x800;
	s19 =	sadd.s32 $0x28, s19;
	[sflag:s29] =	ssyncset.done $0x0  }
.LBB2_10:
0x127: {  	[sflag:s29] =	ssyncadd.s32 $0xFFFFD800;
	s22 =	sadd.s32 $0x28, s22;
	s23 =	sadd.s32 $0x28, s23  }
0x128: {  	p0 =	sne.s32 s18, $0xE800;
	s25 =	smov.u32 s18;
	s18 =	sadd.s32 $0x800, s18  }
0x129: {  	_ =	swait.ge [sflag:s7], $0x50  }
0x12a: {  	[sflag:s7] =	ssyncset.done $0x0  }
0x12b: {  	[sflag:s7] =	ssyncadd.s32 $0xFFFFFFB0  }
0x12c: {  	[tilespmem:s10], [sflag:$0x6] =	stream.indirect.gather [hbm4b:s4+s31], $0x80, s28, s31, $0xb8;
	[tilespmem:$0x1D200] =	vst v63  }
0x12d: {  	_ =	swait.ge [sflag:s11], $0x2800  }
0x12e: {  	s26 =	sshrl.u32 s20, $0x3;
	[sflag:s11] =	ssyncset.done $0x0  }
0x12f: {  	s26 =	sadd.s32 s5, s26;
	s25 =	sshra.s32 s25, $0x2;
	[sflag:s11] =	ssyncadd.s32 $0xFFFFD800  }
0x130: {  	[tilespmem:s3], [sflag:$0x1] =	stream.linear.gather [hbm4b:s26+s3], $0x50, $0x38;
	[tilespmem:$0x1D200] =	vst v63  }
0x131: {  	s26 =	sadd.s32 $0x200, s25  }
0x132: {  	[spmem:s1] =	stream.indirect.scatter.add.f32 [tilespmem:s30], [sflag:$0x8], $0x80, s26, s31, $0xb8;
	[tilespmem:$0x1D200] =	vst v63  }
0x133: {  	_ =	swait.ge [sflag:s29], $0x2800  }
0x134: {  	[sflag:s29] =	ssyncset.done $0x0  }
0x135: {  	[sflag:s29] =	ssyncadd.s32 $0xFFFFD800  }
0x136: {  	_ =	swait.ge [sflag:s12], $0x50  }
0x137: {  	[sflag:s12] =	ssyncset.done $0x0  }
0x138: {  	[sflag:s12] =	ssyncadd.s32 $0xFFFFFFB0  }
0x139: {  	[tilespmem:s30], [sflag:$0x5] =	stream.indirect.gather [hbm4b:s4+s31], $0x80, s2, s31, $0xb8;
	[tilespmem:$0x1D200] =	vst v63  }
0x13a: {  	_ =	swait.ge [sflag:s13], $0x2800  }
0x13b: {  	[sflag:s13] =	ssyncset.done $0x0  }
0x13c: {  	[sflag:s13] =	ssyncadd.s32 $0xFFFFD800  }
0x13d: {  	[tilespmem:s28], [sflag:$0x2] =	stream.linear.gather [hbm4b:s19+s3], $0x50, $0x38;
	[tilespmem:$0x1D200] =	vst v63  }
0x13e: {  	s26 =	sadd.s32 $0x280, s25  }
0x13f: {  	[spmem:s1] =	stream.indirect.scatter.add.f32 [tilespmem:s10], [sflag:$0x8], $0x80, s26, s31, $0xb8;
	[tilespmem:$0x1D200] =	vst v63  }
0x140: {  	_ =	swait.ge [sflag:s29], $0x2800  }
0x141: {  	[sflag:s29] =	ssyncset.done $0x0  }
0x142: {  	[sflag:s29] =	ssyncadd.s32 $0xFFFFD800  }
0x143: {  	_ =	swait.ge [sflag:s14], $0x50  }
0x144: {  	[sflag:s14] =	ssyncset.done $0x0  }
0x145: {  	[sflag:s14] =	ssyncadd.s32 $0xFFFFFFB0  }
0x146: {  	[tilespmem:s10], [sflag:$0x6] =	stream.indirect.gather [hbm4b:s4+s31], $0x80, s6, s31, $0xb8;
	[tilespmem:$0x1D200] =	vst v63  }
0x147: {  	_ =	swait.ge [sflag:s11], $0x2800  }
0x148: {  	[sflag:s11] =	ssyncset.done $0x0  }
0x149: {  	[sflag:s11] =	ssyncadd.s32 $0xFFFFD800  }
0x14a: {  	[tilespmem:s2], [sflag:$0x3] =	stream.linear.gather [hbm4b:s23+s3], $0x50, $0x38;
	[tilespmem:$0x1D200] =	vst v63  }
0x14b: {  	s26 =	sadd.s32 $0x300, s25  }
0x14c: {  	[spmem:s1] =	stream.indirect.scatter.add.f32 [tilespmem:s30], [sflag:$0x8], $0x80, s26, s31, $0xb8;
	[tilespmem:$0x1D200] =	vst v63  }
0x14d: {  	_ =	swait.ge [sflag:s29], $0x2800  }
0x14e: {  	[sflag:s29] =	ssyncset.done $0x0  }
0x14f: {  	[sflag:s29] =	ssyncadd.s32 $0xFFFFD800  }
0x150: {  	_ =	swait.ge [sflag:s15], $0x50  }
0x151: {  	[sflag:s15] =	ssyncset.done $0x0  }
0x152: {  	[sflag:s15] =	ssyncadd.s32 $0xFFFFFFB0  }
0x153: {  	[tilespmem:s30], [sflag:$0x5] =	stream.indirect.gather [hbm4b:s4+s31], $0x80, s3, s31, $0xb8;
	[tilespmem:$0x1D200] =	vst v63  }
0x154: {  	_ =	swait.ge [sflag:s13], $0x2800  }
0x155: {  	[sflag:s13] =	ssyncset.done $0x0  }
0x156: {  	[sflag:s13] =	ssyncadd.s32 $0xFFFFD800  }
0x157: {  	[tilespmem:s6], [sflag:$0x4] =	stream.linear.gather [hbm4b:s22+s3], $0x50, $0x38;
	[tilespmem:$0x1D200] =	vst v63  }
.Ltmp4:
0x158: {  	_ = 	snop;
	(pc) =	sbr.rel @p0 .LBB2_10-.Ltmp4, $4  }
0x159: {  	s25 =	sadd.s32 $0x380, s25  }
0x15a: {  	[spmem:s1] =	stream.indirect.scatter.add.f32 [tilespmem:s10], [sflag:$0x8], $0x80, s25, s31, $0xb8;
	[tilespmem:$0x1D200] =	vst v63  }
0x15b: {  	_ =	swait.ge [sflag:s29], $0x2800  }
0x15c: {  	s20 =	sadd.s32 $0x140, s20;
	s19 =	sadd.s32 $0x28, s19;
	[sflag:s29] =	ssyncset.done $0x0  }
0x15d: {  	[sflag:s29] =	ssyncadd.s32 $0xFFFFD800  }
0x15e: {  	_ =	swait.ge [sflag:s7], $0x50  }
0x15f: {  	[sflag:s7] =	ssyncset.done $0x0  }
0x160: {  	[sflag:s7] =	ssyncadd.s32 $0xFFFFFFB0  }
0x161: {  	[tilespmem:s10], [sflag:$0x6] =	stream.indirect.gather [hbm4b:s4+s31], $0x80, s28, s31, $0xb8;
	[tilespmem:$0x1D200] =	vst v63  }
0x162: {  	_ =	swait.ge [sflag:s11], $0x2800  }
0x163: {  	[sflag:s11] =	ssyncset.done $0x0  }
0x164: {  	s18 =	rddreg [dreg:$0xa];
	[sflag:s11] =	ssyncadd.s32 $0xFFFFD800  }
0x165: {  	[tilespmem:s3], [sflag:$0x1] =	stream.linear.gather [hbm4b:s18+s3], $0x50, $0x38;
	[tilespmem:$0x1D200] =	vst v63  }
0x166: {  	s26 =	simm.s32 $0x3E00  }
0x167: {  	[spmem:s1] =	stream.indirect.scatter.add.f32 [tilespmem:s30], [sflag:$0x8], $0x80, s26, s31, $0xb8;
	[tilespmem:$0x1D200] =	vst v63  }
0x168: {  	_ =	swait.ge [sflag:s29], $0x2800  }
0x169: {  	[sflag:s29] =	ssyncset.done $0x0  }
0x16a: {  	[sflag:s29] =	ssyncadd.s32 $0xFFFFD800  }
0x16b: {  	_ =	swait.ge [sflag:s12], $0x50  }
0x16c: {  	[sflag:s12] =	ssyncset.done $0x0  }
0x16d: {  	[sflag:s12] =	ssyncadd.s32 $0xFFFFFFB0  }
0x16e: {  	[tilespmem:s30], [sflag:$0x5] =	stream.indirect.gather [hbm4b:s4+s31], $0x80, s2, s31, $0xb8;
	[tilespmem:$0x1D200] =	vst v63  }
0x16f: {  	_ =	swait.ge [sflag:s13], $0x2800  }
0x170: {  	[sflag:s13] =	ssyncset.done $0x0  }
0x171: {  	s19 =	simm.s32 $0x3E80;
	[sflag:s13] =	ssyncadd.s32 $0xFFFFD800  }
0x172: {  	[spmem:s1] =	stream.indirect.scatter.add.f32 [tilespmem:s10], [sflag:$0x8], $0x80, s19, s31, $0xb8;
	[tilespmem:$0x1D200] =	vst v63  }
0x173: {  	_ =	swait.ge [sflag:s29], $0x2800  }
0x174: {  	[sflag:s29] =	ssyncset.done $0x0  }
0x175: {  	[sflag:s29] =	ssyncadd.s32 $0xFFFFD800  }
0x176: {  	_ =	swait.ge [sflag:s14], $0x50  }
0x177: {  	[sflag:s14] =	ssyncset.done $0x0  }
0x178: {  	[sflag:s14] =	ssyncadd.s32 $0xFFFFFFB0  }
0x179: {  	[tilespmem:s10], [sflag:$0x6] =	stream.indirect.gather [hbm4b:s4+s31], $0x80, s6, s31, $0xb8;
	[tilespmem:$0x1D200] =	vst v63  }
0x17a: {  	_ =	swait.ge [sflag:s11], $0x2800  }
0x17b: {  	[sflag:s11] =	ssyncset.done $0x0  }
0x17c: {  	s20 =	simm.s32 $0x3F00;
	[sflag:s11] =	ssyncadd.s32 $0xFFFFD800  }
0x17d: {  	[spmem:s1] =	stream.indirect.scatter.add.f32 [tilespmem:s30], [sflag:$0x8], $0x80, s20, s31, $0xb8;
	[tilespmem:$0x1D200] =	vst v63  }
0x17e: {  	_ =	swait.ge [sflag:s29], $0x2800  }
0x17f: {  	[sflag:s29] =	ssyncset.done $0x0  }
0x180: {  	[sflag:s29] =	ssyncadd.s32 $0xFFFFD800  }
0x181: {  	_ =	swait.ge [sflag:s15], $0x50  }
0x182: {  	[sflag:s15] =	ssyncset.done $0x0  }
0x183: {  	[sflag:s15] =	ssyncadd.s32 $0xFFFFFFB0  }
0x184: {  	[tilespmem:s30], [sflag:$0x5] =	stream.indirect.gather [hbm4b:s4+s31], $0x80, s3, s31, $0xb8;
	[tilespmem:$0x1D200] =	vst v63  }
0x185: {  	_ =	swait.ge [sflag:s13], $0x2800  }
0x186: {  	[sflag:s13] =	ssyncset.done $0x0  }
0x187: {  	s22 =	simm.s32 $0x3F80;
	[sflag:s13] =	ssyncadd.s32 $0xFFFFD800  }
0x188: {  	[spmem:s1] =	stream.indirect.scatter.add.f32 [tilespmem:s10], [sflag:$0x8], $0x80, s22, s31, $0xb8;
	[tilespmem:$0x1D200] =	vst v63  }
0x189: {  	_ =	swait.ge [sflag:s29], $0x2800  }
0x18a: {  	[sflag:s29] =	ssyncset.done $0x0  }
0x18b: {  	[sflag:s29] =	ssyncadd.s32 $0xFFFFD800  }
0x18c: {  	_ =	swait.ge [sflag:s11], $0x2800  }
0x18d: {  	[sflag:s11] =	ssyncset.done $0x0  }
0x18e: {  	s23 =	simm.s32 $0x4000;
	[sflag:s11] =	ssyncadd.s32 $0xFFFFD800  }
0x18f: {  	[spmem:s1] =	stream.indirect.scatter.add.f32 [tilespmem:s30], [sflag:$0x8], $0x80, s23, s31, $0xb8;
	[tilespmem:$0x1D200] =	vst v63  }
0x190: {  	_ =	swait.ge [sflag:s29], $0x2800  }
0x191: {  	[sflag:s29] =	ssyncset.done $0x0  }
0x192: {  	[sflag:s29] =	ssyncadd.s32 $0xFFFFD800  }
0x193: {  	[bflag:$0x0] =	sbarrier.arrive $0xFFFF  }
0x194: {  	s25 =	rddreg [dreg:$0xb]  }
0x195: {  	[hbm:s25], [sflag:s16] =	dma.local [spmem:s17], $0x2800  }
0x196: {  	_ =	swait.ge [sflag:s29], $0x2800  }
0x197: {  	s8 =	sadd.s32 $0x1, s8;
	s26 =	rddreg [dreg:$0xc]  }
0x198: {  	p0 =	sne.s32 s8, s26  }
.Ltmp5:
0x199: {  	_ = 	snop;
	(pc) =	sbr.rel @p0 .LBB2_1-.Ltmp5, $4  }
0x19a: {  	_ = 	snop  }
0x19b: {  	s23 =	smov.u32 s24  }
0x19c: {  	s25 =	smov.u32 s9;
	[sflag:s29] =	ssyncset.done $0x0;
	s22 =	rddreg [dreg:$0xe]  }
0x19d: {  	s9 =	rddreg [dreg:$0xd];
	[sflag:s29] =	ssyncadd.s32 $0xFFFFD800;
	s26 =	smov.u32 s21  }
0x19e: {  	_ =	sfence.sel $0x180000  }
0x19f: {  	[bflag:$0x0] =	sbarrier.arrive $0xFFFF  }
0x1a0: {  	_ =	strace $0x90000047  }
0x1a1: {  	s0 =	stileid.u32;
	[bflag:$0x2] =	sbarrier.arrive $0xFFFF  }
0x1a2: {  	p0 =	sne.s32 s0, $0x0;
	s0 =	rddreg [dreg:$0x3]  }
0x1a3: {  	s0 =	sadd.s32 @!p0 $0x100000, s0  }
0x1a4: {  	[sflag:s0] =	ssyncadd.tile.s32 @!p0 $0x1;
	_ =	shalt  }
.Lfunc_end2:
_tile_overlayer_lowered:
.L_overlay_start_2:
0x1a5: {  	(tag) =	ssettag $0x2  }
0x1a6: {  	s0 =	rddreg [dreg:$0x0];
	s2 =	stileid.u32  }
0x1a7: {  	s1 =	rddreg [dreg:$0x1];
	p0 =	sne.s32 s2, $0x0  }
0x1a8: {  	s3 =	rddreg [dreg:$0x2];
	[bflag:$0x3] =	sbarrier.arrive $0xFFFF;
	s2 =	simm.s32 @!p0 $0x1C08  }
0x1a9: {  	[timem:s3], [sflag:s2] =	dma.local @!p0 [hbm:s0], s1  }
0x1aa: {  	s0 =	simm.s32 @!p0 $0x8  }
0x1ab: {  	_ =	swait.ge @!p0 [sflag:s0], s1  }
0x1ac: {  	s1 =	ssub.s32 @!p0 $0x0, s1;
	[sflag:s0] =	ssyncset.done @!p0 $0x0  }
0x1ad: {  	[sflag:s0] =	ssyncadd.s32 @!p0 s1  }
0x1ae: {  	[bflag:$0x3] =	sbarrier.arrive $0xFFFF  }
0x1af: {  	_ =	shalt  }

// kernel: kernel.9.cloned.1.call-start
scs
__scs_entry_jumppad:
0x0: {  	(pc) =	sbr.rel $0x88, $3  }
0x1: {  	(tag) =	ssettag $0x0;
	lr =	simm.s32 $0x1  }
0x2: {  	[smem:$0x3F99] =	sst lr;
	_ =	strace $0xD0000000  }
0x3: {  	_ = 	snop  }
0x4: {  	_ = 	snop  }
0x5: {  	_ = 	snop  }
0x6: {  	_ = 	snop  }
0x7: {  	_ = 	snop  }
__scs_overlays_trampoline_lowered:
0x8: {  	[smem:$0x3FA8] =	sst s0  }
0x9: {  	[smem:$0x3FA9] =	sst s1  }
0xa: {  	[smem:$0x3FAA] =	sst s2  }
0xb: {  	[smem:$0x3FAB] =	sst s3  }
0xc: {  	[smem:$0x3FAC] =	sst s4  }
0xd: {  	[smem:$0x3FAD] =	sst s5  }
0xe: {  	[smem:$0x3FAE] =	sst s6  }
0xf: {  	[smem:$0x3FAF] =	sst s7  }
0x10: {  	[smem:$0x3FB0] =	sst s8  }
0x11: {  	[smem:$0x3FB1] =	sst s9;
	s0 =	simm.s32 @!p0 $0x0  }
0x12: {  	s1 =	sld [smem:$0x3F97];
	s0 =	simm.s32 @p0 $0x1  }
0x13: {  	[smem:$0x3FB2] =	sst s0;
	s0 =	simm.s32 @!p1 $0x0  }
0x14: {  	s2 =	sld [smem:$0x3F96];
	s0 =	simm.s32 @p1 $0x1  }
0x15: {  	[smem:$0x3FB3] =	sst s0;
	s0 =	simm.s32 @!p2 $0x0  }
0x16: {  	s3 =	sld [smem:$0x3FDB];
	s0 =	simm.s32 @p2 $0x1  }
0x17: {  	s4 =	simm.s32 $0x1BF5;
	[smem:$0x3FB5] =	sst s0  }
0x18: {  	s0 =	sld [smem:$0x3F98];
	_ =	swait.ge [sflag:s4], $0x0  }
0x19: {  	s7 =	sld [smem:$0x3F99]  }
0x1a: {  	s8 =	sadd.s32 $0xFFFFE003, lr  }
0x1b: {  	s9 =	sadd.s32 $0xFFFFFEF7, lr;
	s5 =	simm.s32 $0xFFFFFFFF;
	p2 =	slt.u32 s8, $0xFFFFF086  }
0x1c: {  	p1 =	slt.u32 s9, $0xF7A;
	s5 =	simm.s32 @!p2 $0x0  }
0x1d: {  	s5 =	simm.s32 @p1 $0x1;
	p0 =	seq.s32 s7, s2  }
0x1e: {  	s7 =	smul.u32 @!p0 $0xF7A, s2;
	p2 =	seq.s32 @!p0 s5, $0x0  }
0x1f: {  	s9 =	smul.u32 $0xF7A, s1;
	s8 =	simm.s32 @!p0 $0x1BF5;
	p2 =	por !p2, p0  }
0x20: {  	[sflag:s8] =	ssyncset.s32 @!p0 $0xFFFFF086;
	s6 =	sadd.s32 @!p0 s3, s7;
	s7 =	simm.s32 @!p0 $0x108  }
0x21: {  	s3 =	sadd.s32 s3, s9;
	s6 =	sadd.s32 @!p0 $0x88, s6;
	s7 =	simm.s32 @p2 $0x1082  }
0x22: {  	[simem:s7], [sflag:s8] =	dma.local @!p0 [hbm:s6], $0xF7A  }
0x23: {  	s9 =	sor.u32 $0xD0000000, s2;
	s6 =	simm.s32 $0x108;
	_ =	swait.ge @!p0 [sflag:s8], $0x0  }
0x24: {  	s3 =	sadd.s32 $0x88, s3;
	s6 =	simm.s32 @!p1 $0x1082;
	[sflag:s4] =	ssyncset.s32 $0xFFFFF086  }
0x25: {  	[simem:s6], [sflag:s4] =	dma.local [hbm:s3], $0xF7A  }
0x26: {  	[smem:$0x3F99] =	sst s1;
	(tag) =	ssettag s2;
	_ =	strace s9  }
0x27: {  	s1 =	sld [smem:$0x3FA9]  }
0x28: {  	s2 =	sld [smem:$0x3FAA]  }
0x29: {  	s4 =	sld [smem:$0x3FAC]  }
0x2a: {  	p0 =	seq.s32 s5, $0x0;
	s5 =	sld [smem:$0x3FAD]  }
0x2b: {  	s6 =	sld [smem:$0x3FAE]  }
0x2c: {  	s7 =	sld [smem:$0x3FAF]  }
0x2d: {  	s3 =	simm.s32 $0x108;
	s8 =	sld [smem:$0x3FB0]  }
0x2e: {  	s3 =	simm.s32 @!p0 $0x1082;
	s9 =	sld [smem:$0x3FB1]  }
0x2f: {  	lr =	sadd.s32 s0, s3;
	s0 =	sld [smem:$0x3FA8]  }
0x30: {  	s3 =	sld [smem:$0x3FAB]  }
0x31: {  	[smem:$0x3FB4] =	sst s10  }
0x32: {  	s10 =	sld [smem:$0x3FB2];
	_ =	sdelay $0x3  }
0x33: {  	p0 =	seq.s32 s10, $0x1;
	s10 =	sld [smem:$0x3FB4];
	_ =	sdelay $0x3  }
0x34: {  	[smem:$0x3FB4] =	sst s10  }
0x35: {  	s10 =	sld [smem:$0x3FB3];
	_ =	sdelay $0x3  }
0x36: {  	p1 =	seq.s32 s10, $0x1;
	s10 =	sld [smem:$0x3FB4];
	_ =	sdelay $0x3  }
0x37: {  	[smem:$0x3FB4] =	sst s10  }
0x38: {  	s10 =	sld [smem:$0x3FB5]  }
0x39: {  	_ = 	snop;
	(pc) =	sbr.ind lr, $3  }
0x3a: {  	_ = 	snop  }
0x3b: {  	_ = 	snop  }
0x3c: {  	p2 =	seq.s32 s10, $0x1;
	s10 =	sld [smem:$0x3FB4]  }
0x3d: {  	_ =	shalt  }
0x3e: {  	_ =	shalt  }
0x3f: {  	_ =	shalt  }
0x40: {  	_ =	shalt  }
0x41: {  	_ =	shalt  }
0x42: {  	_ =	shalt  }
0x43: {  	_ =	shalt  }
0x44: {  	_ =	shalt  }
0x45: {  	_ =	shalt  }
0x46: {  	_ =	shalt  }
0x47: {  	_ =	shalt  }
0x48: {  	_ =	shalt  }
0x49: {  	_ =	shalt  }
0x4a: {  	_ =	shalt  }
0x4b: {  	_ =	shalt  }
0x4c: {  	_ =	shalt  }
0x4d: {  	_ =	shalt  }
0x4e: {  	_ =	shalt  }
0x4f: {  	_ =	shalt  }
0x50: {  	_ =	shalt  }
0x51: {  	_ =	shalt  }
0x52: {  	_ =	shalt  }
0x53: {  	_ =	shalt  }
0x54: {  	_ =	shalt  }
0x55: {  	_ =	shalt  }
0x56: {  	_ =	shalt  }
0x57: {  	_ =	shalt  }
0x58: {  	_ =	shalt  }
0x59: {  	_ =	shalt  }
0x5a: {  	_ =	shalt  }
0x5b: {  	_ =	shalt  }
0x5c: {  	_ =	shalt  }
0x5d: {  	_ =	shalt  }
0x5e: {  	_ =	shalt  }
0x5f: {  	_ =	shalt  }
0x60: {  	_ =	shalt  }
0x61: {  	_ =	shalt  }
0x62: {  	_ =	shalt  }
0x63: {  	_ =	shalt  }
0x64: {  	_ =	shalt  }
0x65: {  	_ =	shalt  }
0x66: {  	_ =	shalt  }
0x67: {  	_ =	shalt  }
0x68: {  	_ =	shalt  }
0x69: {  	_ =	shalt  }
0x6a: {  	_ =	shalt  }
0x6b: {  	_ =	shalt  }
0x6c: {  	_ =	shalt  }
0x6d: {  	_ =	shalt  }
0x6e: {  	_ =	shalt  }
0x6f: {  	_ =	shalt  }
0x70: {  	_ =	shalt  }
0x71: {  	_ =	shalt  }
0x72: {  	_ =	shalt  }
0x73: {  	_ =	shalt  }
0x74: {  	_ =	shalt  }
0x75: {  	_ =	shalt  }
0x76: {  	_ =	shalt  }
0x77: {  	_ =	shalt  }
0x78: {  	_ =	shalt  }
0x79: {  	_ =	shalt  }
0x7a: {  	_ =	shalt  }
0x7b: {  	_ =	shalt  }
0x7c: {  	_ =	shalt  }
0x7d: {  	_ =	shalt  }
0x7e: {  	_ =	shalt  }
0x7f: {  	_ =	shalt  }
0x80: {  	_ =	shalt  }
0x81: {  	_ =	shalt  }
0x82: {  	_ =	shalt  }
0x83: {  	_ =	shalt  }
0x84: {  	_ =	shalt  }
0x85: {  	_ =	shalt  }
0x86: {  	_ =	shalt  }
0x87: {  	_ =	shalt  }
.Lfunc_end0:
.L_simem_size_0:
called_computation.1_lowered:
.L_overlay_start_0:
0x88: {  	s2 =	sld [smem:$0x3FD9]  }
0x89: {  	s3 =	sld [smem:$0x3FFE];
	_ =	sdelay $0x1  }
0x8a: {  	s1 =	srdreg.scid  }
0x8b: {  	s0 =	sand.u32 $0x1, s1  }
0x8c: {  	s17 =	sshll.u32 s0, $0xA;
	s2 =	sadd.s32 s3, s2  }
0x8d: {  	s2 =	sadd.s32 s2, s17  }
0x8e: {  	[smem:$0x3FC0] =	sst s2  }
0x8f: {  	_ = 	snop  }
0x90: {  	s2 =	sld [smem:$0x3FD0];
	(tm) =	ssettm $0x1  }
0x91: {  	s18 =	sld [smem:$0x3FFB];
	_ =	sdelay $0x3  }
0x92: {  	_ =	strace s18  }
0x93: {  	s3 =	sld [smem:$0x3FFC];
	_ =	sdelay $0x3  }
0x94: {  	_ =	strace s3  }
0x95: {  	s3 =	sld [smem:$0x3FFD];
	_ =	sdelay $0x3  }
0x96: {  	_ =	strace s3  }
0x97: {  	_ =	strace $0x8FFFFFFF  }
0x98: {  	s19 =	sld [smem:$0x3FDB];
	_ =	sdelay $0x1  }
0x99: {  	s4 =	simm.s32 $_scs_section_size  }
0x9a: {  	s5 =	simm.s32 $_size__tile_overlayer_lowered;
	s6 =	simm.s32 $_tile_overlayer_lowered  }
0x9b: {  	s22 =	simm.s32 $0x1BFF;
	s21 =	sshll.u32 s6, $0x1;
	s3 =	sadd.s32 s4, s19  }
0x9c: {  	s7 =	simm.s32 $0x0;
	s20 =	sshll.u32 s5, $0x1;
	s5 =	sadd.s32 s21, s3  }
0x9d: {  	[timem:s7], [sflag:s22] =	dma.local [hbm:s5], s20  }
0x9e: {  	_ =	swait.ge [sflag:s22], s20  }
0x9f: {  	s4 =	ssub.s32 $0x0, s20;
	[sflag:s22] =	ssyncset.done $0x0  }
0xa0: {  	[sflag:s22] =	ssyncadd.s32 s4;
	_ =	sdelay $0x1  }
0xa1: {  	s23 =	simm.s32 $0x1B8B  }
0xa2: {  	_ =	swait.ge [sflag:s23], $0x1  }
0xa3: {  	[sflag:s23] =	ssyncset.done $0x0  }
0xa4: {  	s25 =	simm.s32 $0x1B8E;
	s24 =	sld [smem:$0x3FFE];
	[sflag:s23] =	ssyncadd.s32 $0xFFFFFFFF  }
0xa5: {  	s26 =	simm.s32 $execute0_lowered;
	[smem:$0x3FD2] =	sst s25  }
0xa6: {  	s5 =	sshll.u32 s26, $0x1;
	_ =	strace $0x80000049;
	[dreg:$0x1] =	wrdreg $0xFFFFFFFF  }
0xa7: {  	s28 =	simm.s32 $_size_execute0_lowered;
	s3 =	sadd.s32 s3, s5;
	[dreg:$0x0] =	wrdreg $0x0  }
0xa8: {  	s5 =	sshll.u32 s28, $0x1;
	[dreg:$0x2] =	wrdreg s3  }
0xa9: {  	[dreg:$0x3] =	wrdreg s5  }
0xaa: {  	[dreg:$0x4] =	wrdreg $0xC0  }
0xab: {  	_ =	task [dreg:s7], $0x5FFFF  }
0xac: {  	[dreg:$0x1] =	wrdreg $0xFFFFFFFF  }
0xad: {  	[dreg:$0x0] =	wrdreg $0x60  }
0xae: {  	[dreg:$0x2] =	wrdreg s24  }
0xaf: {  	[dreg:$0x3] =	wrdreg s2  }
0xb0: {  	[dreg:$0x4] =	wrdreg $0x92000  }
0xb1: {  	[dreg:$0x5] =	wrdreg $0x9  }
0xb2: {  	_ =	task.clear_ibuf [dreg:s7], $0x6FFFF;
	_ =	strace $0x90000049  }
0xb3: {  	s29 =	simm.s32 $0x9;
	_ =	strace $0x8000004B  }
0xb4: {  	_ =	swait.ge [sflag:s29], $0x1  }
0xb5: {  	[sflag:s29] =	ssyncadd.s32 $0xFFFFFFFF  }
0xb6: {  	_ =	strace $0x9000004B  }
0xb7: {  	_ =	sfence  }
0xb8: {  	s30 =	sld [smem:$0x0];
	_ =	sdelay $0x2  }
0xb9: {  	s31 =	sshll.u32 s1, $0xD;
	s1 =	sshrl.u32 s1, $0x2  }
0xba: {  	s3 =	sand.u32 $0x4000, s31;
	s1 =	sadd.s32 s1, s30  }
0xbb: {  	s0 =	sor.u32 s3, s0;
	s1 =	sshll.u32 s1, $0x11  }
0xbc: {  	s0 =	sor.u32 s1, s0  }
0xbd: {  	s0 =	sadd.s32 $0x8F2B, s0  }
0xbe: {  	[sflag:s0] =	ssyncadd.remote.s32 $0x1  }
0xbf: {  	_ =	sfence.sel $0xFFFF  }
0xc0: {  	[dreg:$0x0] =	wrdreg $0xFFFFFFFF;
	(pc) =	sbr.abs _section_cstart, $3  }
0xc1: {  	[dreg:$0x1] =	wrdreg $0xFFFFFFFF  }
0xc2: {  	_ =	task.clear_ibuf [dreg:s7], $0x2FFFF;
	_ =	strace $0x9FFFFFFF  }
0xc3: {  	(tm) =	ssettm $0x7FFFFFFF  }
tec
execute0_lowered:
.L_overlay_start_1:
0x0: {  	(tag) =	ssettag $0x1  }
0x1: {  	s0 =	rddreg [dreg:$0x0]  }
0x2: {  	s2 =	rddreg [dreg:$0x1]  }
0x3: {  	s1 =	rddreg [dreg:$0x2]  }
0x4: {  	s3 =	srdreg.scid;
	s11 =	stileid.u32  }
0x5: {  	s28 =	simm.s32 $0x7;
	s29 =	simm.s32 $0x4200;
	s30 =	simm.s32 $0x80  }
0x6: {  	s31 =	simm.s32 $0x100;
	s6 =	sand.u32 $0x1, s3;
	s7 =	smul.u32 $0x14000, s11  }
0x7: {  	s3 =	simm.s32 $0x0;
	s4 =	sadd.s32 $0xC000, s0;
	s26 =	smul.u32 $0x50000, s11  }
0x8: {  	s5 =	smul.u32 $0x140000, s6;
	[smem:$0x7FF] =	sst s3;
	s8 =	sshll.u32 s6, $0x4  }
0x9: {  	s9 =	ssub.s32 $0x2, s6;
	_ =	strace $0x8000004A;
	s22 =	sor.u32 s11, s8  }
0xa: {  	s24 =	sshrl.u32 s9, $0x1;
	s5 =	sadd.s32 s7, s5;
	s10 =	smul.u32 $0x2710, s22  }
0xb: {  	s8 =	ssub.s32 s9, s24;
	s7 =	sshll.u32 s22, $0xB;
	s23 =	sshrl.u32 s5, $0x3  }
0xc: {  	s5 =	sadd.s32 $0x2200, s0;
	s2 =	sadd.s32 s2, s7;
	s15 =	smax.u32 s8, $0x1  }
0xd: {  	s0 =	sadd.s32 s23, s0;
	s25 =	sshrl.u32 s10, $0x3;
	[dreg:$0x4] =	wrdreg s2  }
0xe: {  	[dreg:$0xa] =	wrdreg s15;
	s7 =	sadd.s32 s5, s25;
	s0 =	sadd.s32 $0x34000, s0  }
0xf: {  	s19 =	smul.u32 $0x2710, s11;
	s9 =	sadd.s32 $0xA, s7;
	[dreg:$0x9] =	wrdreg s0  }
0x10: {  	s16 =	smul.u32 $0x27100, s6;
	s10 =	sadd.s32 $0x14, s7;
	[dreg:$0x5] =	wrdreg s9  }
0x11: {  	s14 =	sshrl.u32 s26, $0x2;
	s12 =	sadd.s32 $0x1E, s7;
	[dreg:$0x6] =	wrdreg s10  }
0x12: {  	s11 =	simm.s32 $0x4;
	s13 =	sadd.s32 $0x4D8, s7;
	[dreg:$0x7] =	wrdreg s12  }
0x13: {  	s0 =	sadd.s32 s19, s16;
	[dreg:$0x8] =	wrdreg s13;
	s13 =	sadd.s32 s14, s1  }
0x14: {  	s2 =	sadd.s32 $0x230, s0;
	s25 =	sadd.s32 $0x1E0, s0;
	s26 =	sadd.s32 $0x190, s0  }
0x15: {  	s9 =	simm.s32 $0x3;
	s10 =	simm.s32 $0x6;
	s17 =	sadd.s32 $0x2800, s13  }
0x16: {  	s12 =	simm.s32 $0x1;
	s18 =	sadd.s32 $0x5000, s13;
	[dreg:$0xb] =	wrdreg s17  }
0x17: {  	s14 =	simm.s32 $0x0;
	s20 =	sadd.s32 $0x7800, s13;
	[dreg:$0xc] =	wrdreg s18  }
0x18: {  	s21 =	sadd.s32 $0xA000, s13;
	s22 =	sadd.s32 $0xC800, s13;
	[dreg:$0xd] =	wrdreg s20  }
0x19: {  	s23 =	sadd.s32 $0xF000, s13;
	s24 =	sadd.s32 $0x11800, s13;
	[dreg:$0xe] =	wrdreg s21  }
0x1a: {  	s2 =	sshrl.u32 s2, $0x3;
	s6 =	sshrl.u32 s25, $0x3;
	[dreg:$0xf] =	wrdreg s22  }
0x1b: {  	s8 =	sshrl.u32 s26, $0x3;
	s25 =	sadd.s32 $0x140, s0;
	[dreg:$0x10] =	wrdreg s23  }
0x1c: {  	s0 =	simm.s32 $0x180;
	s26 =	simm.s32 $0x50;
	[dreg:$0x11] =	wrdreg s24  }
0x1d: {  	s18 =	sadd.s32 s2, s5;
	s19 =	sadd.s32 s6, s5;
	s24 =	sadd.s32 s8, s5  }
0x1e: {  	v0 =	vimm.f32 $0.0e+00;
	s2 =	simm.s32 $0x2;
	s6 =	simm.s32 $0x6A00;
	s8 =	simm.s32 $0x5  }
.LBB2_1:
0x1f: {  	s15 =	rddreg [dreg:$0x4];
	s16 =	simm.s32 $0x200  }
0x20: {  	[tilespmem:s16], [sflag:$0x7] =	stream.linear.gather [hbm4b:s15+s3], $0x3E80, $0x38;
	[tilespmem:$0x1D200] =	vst v63  }
0x21: {  	_ =	swait.ge [sflag:s28], $0x3E80  }
0x22: {  	[sflag:s28] =	ssyncset.done $0x0  }
0x23: {  	s15 =	simm.s32 $0x70;
	s16 =	simm.s32 $0x3C0;
	[sflag:s28] =	ssyncadd.s32 $0xFFFFC180  }
.LBB2_2:
0x24: {  	p0 =	sne.s32 s16, $0x9FC0;
	[tilespmem:s15+$0x4200] =	vst v0  }
0x25: {  	[tilespmem:s15+$0x4190] =	vst v0  }
0x26: {  	[tilespmem:s15+$0x41A0] =	vst v0  }
.Ltmp0:
0x27: {  	[tilespmem:s15+$0x41B0] =	vst v0;
	(pc) =	sbr.rel @p0 .LBB2_2-.Ltmp0, $4  }
0x28: {  	[tilespmem:s15+$0x41C0] =	vst v0  }
0x29: {  	[tilespmem:s15+$0x41D0] =	vst v0  }
0x2a: {  	[tilespmem:s15+$0x41E0] =	vst v0  }
0x2b: {  	[tilespmem:s15+$0x41F0] =	vst v0;
	s15 =	sshra.s32 s16, $0x2;
	s16 =	sadd.s32 $0x200, s16  }
0x2c: {  	[tilespmem:s15+$0x4200] =	vst v0  }
0x2d: {  	[tilespmem:s15+$0x4190] =	vst v0  }
0x2e: {  	[tilespmem:s15+$0x41A0] =	vst v0  }
0x2f: {  	[tilespmem:s15+$0x41B0] =	vst v0  }
0x30: {  	[tilespmem:s15+$0x41C0] =	vst v0  }
0x31: {  	[tilespmem:s15+$0x41D0] =	vst v0  }
0x32: {  	[tilespmem:s15+$0x41E0] =	vst v0  }
0x33: {  	[tilespmem:s15+$0x41F0] =	vst v0  }
0x34: {  	[spmem:s13] =	stream.linear.scatter [tilespmem:s29], [sflag:$0x7], $0x2800, $0x38;
	[tilespmem:$0x1D200] =	vst v63  }
0x35: {  	_ =	swait.ge [sflag:s28], $0x2800  }
0x36: {  	[sflag:s28] =	ssyncset.done $0x0  }
0x37: {  	s20 =	rddreg [dreg:$0xb];
	[sflag:s28] =	ssyncadd.s32 $0xFFFFD800  }
0x38: {  	[spmem:s20] =	stream.linear.scatter [tilespmem:s29], [sflag:$0x7], $0x2800, $0x38;
	[tilespmem:$0x1D200] =	vst v63  }
0x39: {  	_ =	swait.ge [sflag:s28], $0x2800  }
0x3a: {  	[sflag:s28] =	ssyncset.done $0x0  }
0x3b: {  	s21 =	rddreg [dreg:$0xc];
	[sflag:s28] =	ssyncadd.s32 $0xFFFFD800  }
0x3c: {  	[spmem:s21] =	stream.linear.scatter [tilespmem:s29], [sflag:$0x7], $0x2800, $0x38;
	[tilespmem:$0x1D200] =	vst v63  }
0x3d: {  	_ =	swait.ge [sflag:s28], $0x2800  }
0x3e: {  	[sflag:s28] =	ssyncset.done $0x0  }
0x3f: {  	s22 =	rddreg [dreg:$0xd];
	[sflag:s28] =	ssyncadd.s32 $0xFFFFD800  }
0x40: {  	[spmem:s22] =	stream.linear.scatter [tilespmem:s29], [sflag:$0x7], $0x2800, $0x38;
	[tilespmem:$0x1D200] =	vst v63  }
0x41: {  	_ =	swait.ge [sflag:s28], $0x2800  }
0x42: {  	[sflag:s28] =	ssyncset.done $0x0  }
0x43: {  	s23 =	rddreg [dreg:$0xe];
	[sflag:s28] =	ssyncadd.s32 $0xFFFFD800  }
0x44: {  	[spmem:s23] =	stream.linear.scatter [tilespmem:s29], [sflag:$0x7], $0x2800, $0x38;
	[tilespmem:$0x1D200] =	vst v63  }
0x45: {  	_ =	swait.ge [sflag:s28], $0x2800  }
0x46: {  	[sflag:s28] =	ssyncset.done $0x0  }
0x47: {  	s16 =	rddreg [dreg:$0xf];
	[sflag:s28] =	ssyncadd.s32 $0xFFFFD800  }
0x48: {  	[spmem:s16] =	stream.linear.scatter [tilespmem:s29], [sflag:$0x7], $0x2800, $0x38;
	[tilespmem:$0x1D200] =	vst v63  }
0x49: {  	_ =	swait.ge [sflag:s28], $0x2800  }
0x4a: {  	[sflag:s28] =	ssyncset.done $0x0  }
0x4b: {  	s17 =	rddreg [dreg:$0x10];
	[sflag:s28] =	ssyncadd.s32 $0xFFFFD800  }
0x4c: {  	[spmem:s17] =	stream.linear.scatter [tilespmem:s29], [sflag:$0x7], $0x2800, $0x38;
	[tilespmem:$0x1D200] =	vst v63  }
0x4d: {  	_ =	swait.ge [sflag:s28], $0x2800  }
0x4e: {  	[sflag:s28] =	ssyncset.done $0x0  }
0x4f: {  	s20 =	rddreg [dreg:$0x11];
	[sflag:s28] =	ssyncadd.s32 $0xFFFFD800  }
0x50: {  	[spmem:s20] =	stream.linear.scatter [tilespmem:s29], [sflag:$0x7], $0x2800, $0x38;
	[tilespmem:$0x1D200] =	vst v63  }
0x51: {  	_ =	swait.ge [sflag:s28], $0x2800  }
0x52: {  	[sflag:s28] =	ssyncset.done $0x0  }
0x53: {  	[sflag:s28] =	ssyncadd.s32 $0xFFFFD800  }
0x54: {  	s21 =	simm.s32 $0x0;
	[bflag:$0x0] =	sbarrier.arrive $0xFFFF  }
0x55: {  	[tilespmem:s21], [sflag:$0x7] =	stream.linear.gather [hbm4b:s7+s21], $0x50, $0x38;
	[tilespmem:$0x1D200] =	vst v63  }
0x56: {  	_ =	swait.ge [sflag:s28], $0x50  }
0x57: {  	[sflag:s28] =	ssyncset.done $0x0  }
0x58: {  	s16 =	rddreg [dreg:$0x5];
	[sflag:s28] =	ssyncadd.s32 $0xFFFFFFB0  }
0x59: {  	[tilespmem:s30], [sflag:$0x2] =	stream.linear.gather [hbm4b:s16+s21], $0x50, $0x38;
	[tilespmem:$0x1D200] =	vst v63  }
0x5a: {  	s22 =	rddreg [dreg:$0x6]  }
0x5b: {  	[tilespmem:s31], [sflag:$0x3] =	stream.linear.gather [hbm4b:s22+s21], $0x50, $0x38;
	[tilespmem:$0x1D200] =	vst v63  }
0x5c: {  	s23 =	rddreg [dreg:$0x7]  }
0x5d: {  	[tilespmem:s0], [sflag:$0x4] =	stream.linear.gather [hbm4b:s23+s21], $0x50, $0x38;
	[tilespmem:$0x1D200] =	vst v63  }
0x5e: {  	_ = 	snop  }
0x5f: {  	[tilespmem:s29], [sflag:$0x5] =	stream.indirect.gather [hbm4b:s4+s26], $0x80, s21, s26, $0xb8;
	[tilespmem:$0x1D200] =	vst v63  }
0x60: {  	_ =	swait.ge [sflag:s2], $0x50  }
0x61: {  	[sflag:s2] =	ssyncset.done $0x0  }
0x62: {  	[sflag:s2] =	ssyncadd.s32 $0xFFFFFFB0  }
0x63: {  	[tilespmem:s6], [sflag:$0x6] =	stream.indirect.gather [hbm4b:s4+s26], $0x80, s30, s26, $0xb8;
	[tilespmem:$0x1D200] =	vst v63  }
0x64: {  	_ =	swait.ge [sflag:s8], $0x2800  }
0x65: {  	s17 =	sshrl.u32 s25, $0x3;
	[sflag:s8] =	ssyncset.done $0x0  }
0x66: {  	s15 =	sadd.s32 s5, s17;
	[sflag:s8] =	ssyncadd.s32 $0xFFFFD800  }
0x67: {  	[tilespmem:s3], [sflag:$0x1] =	stream.linear.gather [hbm4b:s15+s3], $0x50, $0x38;
	[tilespmem:$0x1D200] =	vst v63  }
0x68: {  	s20 =	simm.s32 $0x200  }
0x69: {  	[spmem:s1] =	stream.indirect.scatter.add.f32 [tilespmem:s29], [sflag:$0x7], $0x80, s20, s26, $0xb8;
	[tilespmem:$0x1D200] =	vst v63  }
0x6a: {  	_ =	swait.ge [sflag:s28], $0x2800  }
0x6b: {  	[sflag:s28] =	ssyncset.done $0x0  }
0x6c: {  	[sflag:s28] =	ssyncadd.s32 $0xFFFFD800  }
0x6d: {  	_ =	swait.ge [sflag:s9], $0x50  }
0x6e: {  	[sflag:s9] =	ssyncset.done $0x0  }
0x6f: {  	[sflag:s9] =	ssyncadd.s32 $0xFFFFFFB0  }
0x70: {  	[tilespmem:s29], [sflag:$0x5] =	stream.indirect.gather [hbm4b:s4+s26], $0x80, s31, s26, $0xb8;
	[tilespmem:$0x1D200] =	vst v63  }
0x71: {  	_ =	swait.ge [sflag:s10], $0x2800  }
0x72: {  	[sflag:s10] =	ssyncset.done $0x0  }
0x73: {  	[sflag:s10] =	ssyncadd.s32 $0xFFFFD800  }
0x74: {  	[tilespmem:s30], [sflag:$0x2] =	stream.linear.gather [hbm4b:s24+s3], $0x50, $0x38;
	[tilespmem:$0x1D200] =	vst v63  }
0x75: {  	s21 =	simm.s32 $0x280  }
0x76: {  	[spmem:s1] =	stream.indirect.scatter.add.f32 [tilespmem:s6], [sflag:$0x7], $0x80, s21, s26, $0xb8;
	[tilespmem:$0x1D200] =	vst v63  }
0x77: {  	_ =	swait.ge [sflag:s28], $0x2800  }
0x78: {  	[sflag:s28] =	ssyncset.done $0x0  }
0x79: {  	[sflag:s28] =	ssyncadd.s32 $0xFFFFD800  }
0x7a: {  	_ =	swait.ge [sflag:s11], $0x50  }
0x7b: {  	[sflag:s11] =	ssyncset.done $0x0  }
0x7c: {  	[sflag:s11] =	ssyncadd.s32 $0xFFFFFFB0  }
0x7d: {  	[tilespmem:s6], [sflag:$0x6] =	stream.indirect.gather [hbm4b:s4+s26], $0x80, s0, s26, $0xb8;
	[tilespmem:$0x1D200] =	vst v63  }
0x7e: {  	_ =	swait.ge [sflag:s8], $0x2800  }
0x7f: {  	[sflag:s8] =	ssyncset.done $0x0  }
0x80: {  	[sflag:s8] =	ssyncadd.s32 $0xFFFFD800  }
0x81: {  	[tilespmem:s31], [sflag:$0x3] =	stream.linear.gather [hbm4b:s19+s3], $0x50, $0x38;
	[tilespmem:$0x1D200] =	vst v63  }
0x82: {  	s22 =	simm.s32 $0x300  }
0x83: {  	[spmem:s1] =	stream.indirect.scatter.add.f32 [tilespmem:s29], [sflag:$0x7], $0x80, s22, s26, $0xb8;
	[tilespmem:$0x1D200] =	vst v63  }
0x84: {  	_ =	swait.ge [sflag:s28], $0x2800  }
0x85: {  	[sflag:s28] =	ssyncset.done $0x0  }
0x86: {  	[sflag:s28] =	ssyncadd.s32 $0xFFFFD800  }
0x87: {  	_ =	swait.ge [sflag:s12], $0x50  }
0x88: {  	[sflag:s12] =	ssyncset.done $0x0  }
0x89: {  	[sflag:s12] =	ssyncadd.s32 $0xFFFFFFB0  }
0x8a: {  	[tilespmem:s29], [sflag:$0x5] =	stream.indirect.gather [hbm4b:s4+s26], $0x80, s3, s26, $0xb8;
	[tilespmem:$0x1D200] =	vst v63  }
0x8b: {  	_ =	swait.ge [sflag:s10], $0x2800  }
0x8c: {  	[sflag:s10] =	ssyncset.done $0x0  }
0x8d: {  	[sflag:s10] =	ssyncadd.s32 $0xFFFFD800  }
0x8e: {  	[tilespmem:s0], [sflag:$0x4] =	stream.linear.gather [hbm4b:s18+s3], $0x50, $0x38;
	[tilespmem:$0x1D200] =	vst v63  }
0x8f: {  	s17 =	sadd.s32 $0x140, s25;
	s23 =	simm.s32 $0x380  }
0x90: {  	[spmem:s1] =	stream.indirect.scatter.add.f32 [tilespmem:s6], [sflag:$0x7], $0x80, s23, s26, $0xb8;
	[tilespmem:$0x1D200] =	vst v63  }
0x91: {  	s16 =	sadd.s32 $0x28, s24;
	s15 =	simm.s32 $0x800;
	_ =	swait.ge [sflag:s28], $0x2800  }
0x92: {  	s22 =	smov.u32 s18;
	s23 =	smov.u32 s19;
	[sflag:s28] =	ssyncset.done $0x0  }
.LBB2_4:
0x93: {  	[sflag:s28] =	ssyncadd.s32 $0xFFFFD800;
	s22 =	sadd.s32 $0x28, s22;
	s23 =	sadd.s32 $0x28, s23  }
0x94: {  	p0 =	sne.s32 s15, $0xE800;
	s20 =	smov.u32 s15;
	s15 =	sadd.s32 $0x800, s15  }
0x95: {  	_ =	swait.ge [sflag:s2], $0x50  }
0x96: {  	[sflag:s2] =	ssyncset.done $0x0  }
0x97: {  	[sflag:s2] =	ssyncadd.s32 $0xFFFFFFB0  }
0x98: {  	[tilespmem:s6], [sflag:$0x6] =	stream.indirect.gather [hbm4b:s4+s26], $0x80, s30, s26, $0xb8;
	[tilespmem:$0x1D200] =	vst v63  }
0x99: {  	_ =	swait.ge [sflag:s8], $0x2800  }
0x9a: {  	s21 =	sshrl.u32 s17, $0x3;
	[sflag:s8] =	ssyncset.done $0x0  }
0x9b: {  	s21 =	sadd.s32 s5, s21;
	s20 =	sshra.s32 s20, $0x2;
	[sflag:s8] =	ssyncadd.s32 $0xFFFFD800  }
0x9c: {  	[tilespmem:s3], [sflag:$0x1] =	stream.linear.gather [hbm4b:s21+s3], $0x50, $0x38;
	[tilespmem:$0x1D200] =	vst v63  }
0x9d: {  	s21 =	sadd.s32 $0x200, s20  }
0x9e: {  	[spmem:s1] =	stream.indirect.scatter.add.f32 [tilespmem:s29], [sflag:$0x7], $0x80, s21, s26, $0xb8;
	[tilespmem:$0x1D200] =	vst v63  }
0x9f: {  	_ =	swait.ge [sflag:s28], $0x2800  }
0xa0: {  	[sflag:s28] =	ssyncset.done $0x0  }
0xa1: {  	[sflag:s28] =	ssyncadd.s32 $0xFFFFD800  }
0xa2: {  	_ =	swait.ge [sflag:s9], $0x50  }
0xa3: {  	[sflag:s9] =	ssyncset.done $0x0  }
0xa4: {  	[sflag:s9] =	ssyncadd.s32 $0xFFFFFFB0  }
0xa5: {  	[tilespmem:s29], [sflag:$0x5] =	stream.indirect.gather [hbm4b:s4+s26], $0x80, s31, s26, $0xb8;
	[tilespmem:$0x1D200] =	vst v63  }
0xa6: {  	_ =	swait.ge [sflag:s10], $0x2800  }
0xa7: {  	[sflag:s10] =	ssyncset.done $0x0  }
0xa8: {  	[sflag:s10] =	ssyncadd.s32 $0xFFFFD800  }
0xa9: {  	[tilespmem:s30], [sflag:$0x2] =	stream.linear.gather [hbm4b:s16+s3], $0x50, $0x38;
	[tilespmem:$0x1D200] =	vst v63  }
0xaa: {  	s21 =	sadd.s32 $0x280, s20  }
0xab: {  	[spmem:s1] =	stream.indirect.scatter.add.f32 [tilespmem:s6], [sflag:$0x7], $0x80, s21, s26, $0xb8;
	[tilespmem:$0x1D200] =	vst v63  }
0xac: {  	_ =	swait.ge [sflag:s28], $0x2800  }
0xad: {  	[sflag:s28] =	ssyncset.done $0x0  }
0xae: {  	[sflag:s28] =	ssyncadd.s32 $0xFFFFD800  }
0xaf: {  	_ =	swait.ge [sflag:s11], $0x50  }
0xb0: {  	[sflag:s11] =	ssyncset.done $0x0  }
0xb1: {  	[sflag:s11] =	ssyncadd.s32 $0xFFFFFFB0  }
0xb2: {  	[tilespmem:s6], [sflag:$0x6] =	stream.indirect.gather [hbm4b:s4+s26], $0x80, s0, s26, $0xb8;
	[tilespmem:$0x1D200] =	vst v63  }
0xb3: {  	_ =	swait.ge [sflag:s8], $0x2800  }
0xb4: {  	[sflag:s8] =	ssyncset.done $0x0  }
0xb5: {  	[sflag:s8] =	ssyncadd.s32 $0xFFFFD800  }
0xb6: {  	[tilespmem:s31], [sflag:$0x3] =	stream.linear.gather [hbm4b:s23+s3], $0x50, $0x38;
	[tilespmem:$0x1D200] =	vst v63  }
0xb7: {  	s21 =	sadd.s32 $0x300, s20  }
0xb8: {  	[spmem:s1] =	stream.indirect.scatter.add.f32 [tilespmem:s29], [sflag:$0x7], $0x80, s21, s26, $0xb8;
	[tilespmem:$0x1D200] =	vst v63  }
0xb9: {  	_ =	swait.ge [sflag:s28], $0x2800  }
0xba: {  	[sflag:s28] =	ssyncset.done $0x0  }
0xbb: {  	[sflag:s28] =	ssyncadd.s32 $0xFFFFD800  }
0xbc: {  	_ =	swait.ge [sflag:s12], $0x50  }
0xbd: {  	[sflag:s12] =	ssyncset.done $0x0  }
0xbe: {  	[sflag:s12] =	ssyncadd.s32 $0xFFFFFFB0  }
0xbf: {  	[tilespmem:s29], [sflag:$0x5] =	stream.indirect.gather [hbm4b:s4+s26], $0x80, s3, s26, $0xb8;
	[tilespmem:$0x1D200] =	vst v63  }
0xc0: {  	_ =	swait.ge [sflag:s10], $0x2800  }
0xc1: {  	[sflag:s10] =	ssyncset.done $0x0  }
0xc2: {  	[sflag:s10] =	ssyncadd.s32 $0xFFFFD800  }
0xc3: {  	[tilespmem:s0], [sflag:$0x4] =	stream.linear.gather [hbm4b:s22+s3], $0x50, $0x38;
	[tilespmem:$0x1D200] =	vst v63  }
.Ltmp1:
0xc4: {  	_ = 	snop;
	(pc) =	sbr.rel @p0 .LBB2_4-.Ltmp1, $4  }
0xc5: {  	s20 =	sadd.s32 $0x380, s20  }
0xc6: {  	[spmem:s1] =	stream.indirect.scatter.add.f32 [tilespmem:s6], [sflag:$0x7], $0x80, s20, s26, $0xb8;
	[tilespmem:$0x1D200] =	vst v63  }
0xc7: {  	_ =	swait.ge [sflag:s28], $0x2800  }
0xc8: {  	s17 =	sadd.s32 $0x140, s17;
	s16 =	sadd.s32 $0x28, s16;
	[sflag:s28] =	ssyncset.done $0x0  }
0xc9: {  	[sflag:s28] =	ssyncadd.s32 $0xFFFFD800  }
0xca: {  	_ =	swait.ge [sflag:s2], $0x50  }
0xcb: {  	[sflag:s2] =	ssyncset.done $0x0  }
0xcc: {  	[sflag:s2] =	ssyncadd.s32 $0xFFFFFFB0  }
0xcd: {  	[tilespmem:s6], [sflag:$0x6] =	stream.indirect.gather [hbm4b:s4+s26], $0x80, s30, s26, $0xb8;
	[tilespmem:$0x1D200] =	vst v63  }
0xce: {  	_ =	swait.ge [sflag:s8], $0x2800  }
0xcf: {  	[sflag:s8] =	ssyncset.done $0x0  }
0xd0: {  	s15 =	rddreg [dreg:$0x8];
	[sflag:s8] =	ssyncadd.s32 $0xFFFFD800  }
0xd1: {  	[tilespmem:s3], [sflag:$0x1] =	stream.linear.gather [hbm4b:s15+s3], $0x50, $0x38;
	[tilespmem:$0x1D200] =	vst v63  }
0xd2: {  	s23 =	simm.s32 $0x3E00  }
0xd3: {  	[spmem:s1] =	stream.indirect.scatter.add.f32 [tilespmem:s29], [sflag:$0x7], $0x80, s23, s26, $0xb8;
	[tilespmem:$0x1D200] =	vst v63  }
0xd4: {  	_ =	swait.ge [sflag:s28], $0x2800  }
0xd5: {  	[sflag:s28] =	ssyncset.done $0x0  }
0xd6: {  	[sflag:s28] =	ssyncadd.s32 $0xFFFFD800  }
0xd7: {  	_ =	swait.ge [sflag:s9], $0x50  }
0xd8: {  	[sflag:s9] =	ssyncset.done $0x0  }
0xd9: {  	[sflag:s9] =	ssyncadd.s32 $0xFFFFFFB0  }
0xda: {  	[tilespmem:s29], [sflag:$0x5] =	stream.indirect.gather [hbm4b:s4+s26], $0x80, s31, s26, $0xb8;
	[tilespmem:$0x1D200] =	vst v63  }
0xdb: {  	_ =	swait.ge [sflag:s10], $0x2800  }
0xdc: {  	[sflag:s10] =	ssyncset.done $0x0  }
0xdd: {  	s16 =	simm.s32 $0x3E80;
	[sflag:s10] =	ssyncadd.s32 $0xFFFFD800  }
0xde: {  	[spmem:s1] =	stream.indirect.scatter.add.f32 [tilespmem:s6], [sflag:$0x7], $0x80, s16, s26, $0xb8;
	[tilespmem:$0x1D200] =	vst v63  }
0xdf: {  	_ =	swait.ge [sflag:s28], $0x2800  }
0xe0: {  	[sflag:s28] =	ssyncset.done $0x0  }
0xe1: {  	[sflag:s28] =	ssyncadd.s32 $0xFFFFD800  }
0xe2: {  	_ =	swait.ge [sflag:s11], $0x50  }
0xe3: {  	[sflag:s11] =	ssyncset.done $0x0  }
0xe4: {  	[sflag:s11] =	ssyncadd.s32 $0xFFFFFFB0  }
0xe5: {  	[tilespmem:s6], [sflag:$0x6] =	stream.indirect.gather [hbm4b:s4+s26], $0x80, s0, s26, $0xb8;
	[tilespmem:$0x1D200] =	vst v63  }
0xe6: {  	_ =	swait.ge [sflag:s8], $0x2800  }
0xe7: {  	[sflag:s8] =	ssyncset.done $0x0  }
0xe8: {  	s17 =	simm.s32 $0x3F00;
	[sflag:s8] =	ssyncadd.s32 $0xFFFFD800  }
0xe9: {  	[spmem:s1] =	stream.indirect.scatter.add.f32 [tilespmem:s29], [sflag:$0x7], $0x80, s17, s26, $0xb8;
	[tilespmem:$0x1D200] =	vst v63  }
0xea: {  	_ =	swait.ge [sflag:s28], $0x2800  }
0xeb: {  	[sflag:s28] =	ssyncset.done $0x0  }
0xec: {  	[sflag:s28] =	ssyncadd.s32 $0xFFFFD800  }
0xed: {  	_ =	swait.ge [sflag:s12], $0x50  }
0xee: {  	[sflag:s12] =	ssyncset.done $0x0  }
0xef: {  	[sflag:s12] =	ssyncadd.s32 $0xFFFFFFB0  }
0xf0: {  	[tilespmem:s29], [sflag:$0x5] =	stream.indirect.gather [hbm4b:s4+s26], $0x80, s3, s26, $0xb8;
	[tilespmem:$0x1D200] =	vst v63  }
0xf1: {  	_ =	swait.ge [sflag:s10], $0x2800  }
0xf2: {  	[sflag:s10] =	ssyncset.done $0x0  }
0xf3: {  	s20 =	simm.s32 $0x3F80;
	[sflag:s10] =	ssyncadd.s32 $0xFFFFD800  }
0xf4: {  	[spmem:s1] =	stream.indirect.scatter.add.f32 [tilespmem:s6], [sflag:$0x7], $0x80, s20, s26, $0xb8;
	[tilespmem:$0x1D200] =	vst v63  }
0xf5: {  	_ =	swait.ge [sflag:s28], $0x2800  }
0xf6: {  	[sflag:s28] =	ssyncset.done $0x0  }
0xf7: {  	[sflag:s28] =	ssyncadd.s32 $0xFFFFD800  }
0xf8: {  	_ =	swait.ge [sflag:s8], $0x2800  }
0xf9: {  	[sflag:s8] =	ssyncset.done $0x0  }
0xfa: {  	s21 =	simm.s32 $0x4000;
	[sflag:s8] =	ssyncadd.s32 $0xFFFFD800  }
0xfb: {  	[spmem:s1] =	stream.indirect.scatter.add.f32 [tilespmem:s29], [sflag:$0x7], $0x80, s21, s26, $0xb8;
	[tilespmem:$0x1D200] =	vst v63  }
0xfc: {  	_ =	swait.ge [sflag:s28], $0x2800  }
0xfd: {  	[sflag:s28] =	ssyncset.done $0x0  }
0xfe: {  	s22 =	stileid.u32;
	[sflag:s28] =	ssyncadd.s32 $0xFFFFD800  }
0xff: {  	s15 =	sshll.u32 s22, $0x6;
	[bflag:$0x0] =	sbarrier.arrive $0xFFFF  }
0x100: {  	s15 =	sor.u32 $0x1C07, s15;
	s16 =	sshrl.u32 s13, $0x3;
	s17 =	rddreg [dreg:$0x9]  }
0x101: {  	[hbm:s17], [sflag:s15] =	dma.local [spmem:s16], $0x2800  }
0x102: {  	_ =	swait.ge [sflag:s28], $0x2800  }
0x103: {  	s14 =	sadd.s32 $0x1, s14;
	s23 =	rddreg [dreg:$0xa]  }
0x104: {  	p0 =	sne.s32 s14, s23  }
.Ltmp2:
0x105: {  	_ = 	snop;
	(pc) =	sbr.rel @p0 .LBB2_1-.Ltmp2, $3  }
0x106: {  	_ =	sdelay $0x1  }
0x107: {  	[sflag:s28] =	ssyncset.done $0x0  }
0x108: {  	[sflag:s28] =	ssyncadd.s32 $0xFFFFD800  }
0x109: {  	_ =	sfence.sel $0x180000  }
0x10a: {  	[bflag:$0x0] =	sbarrier.arrive $0xFFFF  }
0x10b: {  	_ =	strace $0x9000004A  }
0x10c: {  	s0 =	stileid.u32;
	[bflag:$0x2] =	sbarrier.arrive $0xFFFF  }
0x10d: {  	p0 =	sne.s32 s0, $0x0;
	s0 =	rddreg [dreg:$0x3]  }
0x10e: {  	s0 =	sadd.s32 @!p0 $0x100000, s0  }
0x10f: {  	[sflag:s0] =	ssyncadd.tile.s32 @!p0 $0x1;
	_ =	shalt  }
.Lfunc_end2:
_tile_overlayer_lowered:
.L_overlay_start_2:
0x110: {  	(tag) =	ssettag $0x2  }
0x111: {  	s0 =	rddreg [dreg:$0x0];
	s2 =	stileid.u32  }
0x112: {  	s1 =	rddreg [dreg:$0x1];
	p0 =	sne.s32 s2, $0x0  }
0x113: {  	s3 =	rddreg [dreg:$0x2];
	[bflag:$0x3] =	sbarrier.arrive $0xFFFF;
	s2 =	simm.s32 @!p0 $0x1C07  }
0x114: {  	[timem:s3], [sflag:s2] =	dma.local @!p0 [hbm:s0], s1  }
0x115: {  	s0 =	simm.s32 @!p0 $0x7  }
0x116: {  	_ =	swait.ge @!p0 [sflag:s0], s1  }
0x117: {  	s1 =	ssub.s32 @!p0 $0x0, s1;
	[sflag:s0] =	ssyncset.done @!p0 $0x0  }
0x118: {  	[sflag:s0] =	ssyncadd.s32 @!p0 s1  }
0x119: {  	[bflag:$0x3] =	sbarrier.arrive $0xFFFF  }
0x11a: {  	_ =	shalt  }

</sc_bundles>
